<compile_context>
chip_gen: v7x
topology: tpu7x:2x2x1
jax: 0.10.2.dev20260603
libtpu: 0.0.44.dev20260713+nightly
codegen_flags: <defaults>
</compile_context>

<pallas_src>
import functools

import jax
import jax.numpy as jnp
import numpy as np
from jax import lax
from jax.experimental import pallas as pl
from jax.experimental.pallas import tpu as pltpu
from jax.experimental.pallas import tpu_sc as plsc

_NUM_ACT = 192
_SIZE = 256
_RANGE = 4.0
_GRID = 2.0 * _RANGE / (_SIZE - 1)

_GRID_F = np.float32(_GRID)
_HALF_GRID = np.float32(_GRID_F / np.float32(2.0))
_INV_GRID = np.float32(np.float32(1.0) / _GRID_F)
_T_OFF = np.float32(127.5)
_TBMAX = np.nextafter(np.float32(254.0), np.float32(0.0), dtype=np.float32)

_NROWS = 2 * _NUM_ACT
_NWORKERS = 32
_TABLE = _NUM_ACT * _SIZE


def _clip_body(cs_ref, out_ref):
    cs = cs_ref[...]
    shifted = jnp.concatenate([cs[:, 1:], cs[:, _SIZE - 1:]], axis=1)
    d = jnp.maximum(shifted - cs, 0.0)
    col = lax.broadcasted_iota(jnp.int32, (_NUM_ACT, _SIZE), 1)
    d = jnp.where((col == 0) | (col == _SIZE - 2), 0.0, d)
    r = lax.broadcasted_iota(jnp.int32, (_SIZE, _SIZE), 0)
    c = lax.broadcasted_iota(jnp.int32, (_SIZE, _SIZE), 1)
    tri = (r < c).astype(jnp.float32)
    new_cs = lax.dot_general(
        d, tri, (((1,), (0,)), ((), ())),
        precision=lax.Precision.HIGHEST,
        preferred_element_type=jnp.float32,
    )
    out_ref[...] = new_cs - new_cs[:, _SIZE // 2:_SIZE // 2 + 1] + _HALF_GRID


_clip_table = pl.pallas_call(
    _clip_body,
    out_shape=jax.ShapeDtypeStruct((_NUM_ACT, _SIZE), jnp.float32),
)


_BH = 112
_BW = 128
_CPP = (224 // _BH) * 2
_NCHUNK = _NROWS * _CPP
_CPW2 = _NCHUNK // _NWORKERS


def _sc_body(table_hbm, x_hbm, out_hbm, table_v,
             xb0, xb1, ob0, ob1, tsem, is0, is1, os0, os1):
    wid = lax.axis_index("s") * 2 + lax.axis_index("c")
    kb = wid * _CPW2

    _W1 = 224 - _BW

    def src(k, par):
        p = k // _CPP
        q = lax.rem(k, _CPP)
        h0 = (q // 2) * _BH
        w0 = lax.rem(q, 2) * _BW
        return x_hbm.at[p, pl.ds(h0, _BH), pl.ds(w0, _BW)]

    def dst(k, par):
        p = k // _CPP
        q = lax.rem(k, _CPP)
        h0 = (q // 2) * _BH
        w0 = lax.rem(q, 2) * _BW
        return out_hbm.at[p, pl.ds(h0, _BH), pl.ds(w0, _BW)]

    tdesc = pltpu.async_copy(table_hbm, table_v, tsem)
    pltpu.async_copy(src(kb, 0), xb0, is0)
    pltpu.async_copy(src(kb + 1, 1), xb1, is1)
    tdesc.wait()

    bufs = (
        (xb0, ob0, is0, os0, 0, _BW // 16),
        (xb1, ob1, is1, os1, 1, _W1 // 16),
    )
    nsteps = _CPW2 // 2

    def compute_block(xb, ob, base2, nvec):
        t0 = table_v.at[pl.ds(base2, _SIZE)]

        @plsc.parallel_loop(0, _BH, 1, unroll=4)
        def rowloop(r):
            for j in range(nvec):
                c0 = j * 16
                tb0 = xb[r, pl.ds(c0, 16)] * _INV_GRID + _T_OFF
                tb = jnp.minimum(jnp.maximum(tb0, 0.0), _TBMAX)
                iy = tb.astype(jnp.int32)
                f = tb0 - iy.astype(jnp.float32)
                g0 = plsc.load_gather(t0, [iy])
                g1 = plsc.load_gather(t0, [iy + 1])
                ob[r, pl.ds(c0, 16)] = g0 + f * (g1 - g0)

    def step(s, carry):
        for (xb, ob, isem, osem, par, nvec) in bufs:
            k = kb + s * 2 + par
            base2 = lax.rem(k // _CPP, _NUM_ACT) * _SIZE
            pltpu.make_async_copy(src(kb, par), xb, isem).wait()

            @pl.when(s > 0)
            def _():
                pltpu.make_async_copy(ob, dst(kb, par), osem).wait()

            compute_block(xb, ob, base2, nvec)

            pltpu.async_copy(ob, dst(k, par), osem)

            @pl.when(s < nsteps - 1)
            def _():
                pltpu.async_copy(src(k + 2, par), xb, isem)

        return carry

    lax.fori_loop(0, nsteps, step, 0)
    pltpu.make_async_copy(ob0, dst(kb, 0), os0).wait()
    pltpu.make_async_copy(ob1, dst(kb + 1, 1), os1).wait()


@functools.cache
def _make_spline_sc():
    return pl.kernel(
        _sc_body,
        out_type=jax.ShapeDtypeStruct((_NROWS, 224, 224), jnp.float32),
        mesh=plsc.VectorSubcoreMesh(core_axis_name="c", subcore_axis_name="s"),
        compiler_params=pltpu.CompilerParams(
            needs_layout_passes=False, use_tc_tiling_on_sc=True),
        scratch_types=[
            pltpu.VMEM((_TABLE,), jnp.float32),
            pltpu.VMEM((_BH, _BW), jnp.float32),
            pltpu.VMEM((_BH, _BW), jnp.float32),
            pltpu.VMEM((_BH, _BW), jnp.float32),
            pltpu.VMEM((_BH, _BW), jnp.float32),
            pltpu.SemaphoreType.DMA,
            pltpu.SemaphoreType.DMA,
            pltpu.SemaphoreType.DMA,
            pltpu.SemaphoreType.DMA,
            pltpu.SemaphoreType.DMA,
        ],
    )


@jax.jit
def kernel(x, coefficients_vect):
    cs = coefficients_vect.reshape(_NUM_ACT, _SIZE)
    table = _clip_table(cs)
    out = _make_spline_sc()(table.reshape(-1), x.reshape(_NROWS, 224, 224))
    return out.reshape(x.shape)

# --- scband reference (transcript-rebuilt; emitter-appended) ---
"""Pipeline reference for scband-linear-spline-1236950581328 (READ-ONLY COPY).

The authoritative reference and input builder live on the scoring server;
editing this copy changes nothing except your own understanding.
"""

import jax, jax.numpy as jnp
import numpy as np

NUM_ACT = 192
SIZE = 256
RANGE_ = 4.0
GRID = 2.0 * RANGE_ / (SIZE - 1)
EVEN = (SIZE % 2 == 0)
MONOTONIC = True


def setup_inputs(seed: int = 0) -> dict:
    key = jax.random.key(seed)
    k1, k2 = jax.random.split(key)
    x = jax.random.normal(k1, (2, NUM_ACT, 224, 224), dtype=jnp.float32)
    # learned parameter: spline coefficients, init='relu' on the knot grid (+ small noise)
    grid_tensor = jnp.broadcast_to(jnp.linspace(-RANGE_, RANGE_, SIZE, dtype=jnp.float32), (NUM_ACT, SIZE))
    coeffs = jax.nn.relu(grid_tensor) + 0.01 * jax.random.normal(k2, (NUM_ACT, SIZE), dtype=jnp.float32)
    return {"x": x, "coefficients_vect": coeffs.reshape(-1).astype(jnp.float32)}


def monotonic_clipping(cs):
    new_slopes = jnp.clip(cs[:, 1:] - cs[:, :-1], 0.0, None)
    new_slopes = new_slopes.at[:, 0].set(0.0)
    new_slopes = new_slopes.at[:, -1].set(0.0)
    new_cs = jnp.zeros_like(cs)
    new_cs = new_cs.at[:, 1:].set(jnp.cumsum(new_slopes, axis=1))
    new_cs = new_cs + (-new_cs[:, cs.shape[1] // 2])[:, None]
    return new_cs


def reference(x, coefficients_vect):
    cs = coefficients_vect.reshape(NUM_ACT, SIZE)
    if MONOTONIC:
        cs = monotonic_clipping(cs)
    cv = cs.reshape(-1)
    grid = jnp.float32(GRID)
    zero_knot_indexes = jnp.arange(NUM_ACT, dtype=jnp.int32) * SIZE + SIZE // 2
    max_range = GRID * (SIZE // 2 - 1)
    xx = x
    if EVEN:
        xx = xx - grid / 2
        max_range = GRID * (SIZE // 2 - 2)
    x_clamped = jnp.clip(xx, -(GRID * (SIZE // 2)), max_range)
    floored_x = jnp.floor(x_clamped / grid)
    fracs = xx / grid - floored_x
    indexes = (zero_knot_indexes.reshape(1, -1, 1, 1).astype(jnp.float32) + floored_x).astype(jnp.int32)
    out = jnp.take(cv, indexes + 1) * fracs + jnp.take(cv, indexes) * (1.0 - fracs)
    if EVEN:
        out = out + grid / 2
    return out

if __name__ == "__main__":
    import jax
    _d = setup_inputs()
    print(jax.jit(kernel)(*tuple(_d.values())))

</pallas_src>

<mosaic_0001>
#map = affine_map<(d0, d1) -> (0)>
#map1 = affine_map<(d0, d1) -> (0, 0, 0)>
module attributes {stable_mosaic.version = 14 : i64} {
  func.func @_sc_body(%arg0: i32, %arg1: i32, %arg2: memref<49152xf32, #tpu.memory_space<hbm>>, %arg3: memref<384x224x224xf32, #tpu.memory_space<hbm>>, %arg4: memref<384x224x224xf32, #tpu.memory_space<hbm>>, %arg5: memref<49152xf32, #tpu.memory_space<vmem>>, %arg6: memref<112x128xf32, #tpu.memory_space<vmem>>, %arg7: memref<112x128xf32, #tpu.memory_space<vmem>>, %arg8: memref<112x128xf32, #tpu.memory_space<vmem>>, %arg9: memref<112x128xf32, #tpu.memory_space<vmem>>, %arg10: memref<!tpu.dma_semaphore, #tpu.memory_space<semaphore_mem>>, %arg11: memref<!tpu.dma_semaphore, #tpu.memory_space<semaphore_mem>>, %arg12: memref<!tpu.dma_semaphore, #tpu.memory_space<semaphore_mem>>, %arg13: memref<!tpu.dma_semaphore, #tpu.memory_space<semaphore_mem>>, %arg14: memref<!tpu.dma_semaphore, #tpu.memory_space<semaphore_mem>>) attributes {dimension_semantics = [#tpu.dimension_semantics<core_parallel>, #tpu.dimension_semantics<subcore_parallel>], iteration_bounds = array<i64: 2, 16>, scalar_prefetch = 0 : i64, scratch_operands = 10 : i64, tpu.core_type = #tpu.core_type<sc_vector_subcore>, window_params = [{transform_indices = #map}, {transform_indices = #map1}, {transform_indices = #map1}]} {
    %mul3A = arith.constant 2 : i32
    %mul3A_0 = arith.muli %arg1, %mul3A : i32
    %add3A = arith.addi %mul3A_0, %arg0 : i32
    %mul3A_1 = arith.constant 48 : i32
    %mul3A_2 = arith.muli %add3A, %mul3A_1 : i32
    tpu.enqueue_dma source(%arg2 : memref<49152xf32, #tpu.memory_space<hbm>>) target(%arg5 : memref<49152xf32, #tpu.memory_space<vmem>>) target_semaphore(%arg10 : memref<!tpu.dma_semaphore, #tpu.memory_space<semaphore_mem>>)
    %jit3A = arith.constant 4 : i32
    %div3A = arith.divsi %mul3A_2, %jit3A : i32
    %sign3A = arith.constant 0 : i32
    %sign3A_3 = arith.cmpi sgt, %mul3A_2, %sign3A : i32
    %sign3A_4 = arith.extui %sign3A_3 : i1 to i32
    %sign3A_5 = arith.constant 0 : i32
    %sign3A_6 = arith.cmpi slt, %mul3A_2, %sign3A_5 : i32
    %sign3A_7 = arith.extui %sign3A_6 : i1 to i32
    %sign3A_8 = arith.subi %sign3A_4, %sign3A_7 : i32
    %sign3A_9 = arith.constant 0 : i32
    %sign3A_10 = arith.cmpi sgt, %jit3A, %sign3A_9 : i32
    %sign3A_11 = arith.extui %sign3A_10 : i1 to i32
    %sign3A_12 = arith.constant 0 : i32
    %sign3A_13 = arith.cmpi slt, %jit3A, %sign3A_12 : i32
    %sign3A_14 = arith.extui %sign3A_13 : i1 to i32
    %sign3A_15 = arith.subi %sign3A_11, %sign3A_14 : i32
    %ne3A = arith.cmpi ne, %sign3A_8, %sign3A_15 : i32
    %rem3A = arith.remsi %mul3A_2, %jit3A : i32
    %ne3A_16 = arith.constant 0 : i32
    %ne3A_17 = arith.cmpi ne, %rem3A, %ne3A_16 : i32
    %and3A = arith.andi %ne3A, %ne3A_17 : i1
    %sub3A = arith.constant 1 : i32
    %sub3A_18 = arith.subi %div3A, %sub3A : i32
    %select_n3A = arith.select %and3A, %sub3A_18, %div3A : i32
    %rem3A_19 = arith.constant 4 : i32
    %rem3A_20 = arith.remsi %mul3A_2, %rem3A_19 : i32
    %jit3A_21 = arith.constant 2 : i32
    %div3A_22 = arith.divsi %rem3A_20, %jit3A_21 : i32
    %sign3A_23 = arith.constant 0 : i32
    %sign3A_24 = arith.cmpi sgt, %rem3A_20, %sign3A_23 : i32
    %sign3A_25 = arith.extui %sign3A_24 : i1 to i32
    %sign3A_26 = arith.constant 0 : i32
    %sign3A_27 = arith.cmpi slt, %rem3A_20, %sign3A_26 : i32
    %sign3A_28 = arith.extui %sign3A_27 : i1 to i32
    %sign3A_29 = arith.subi %sign3A_25, %sign3A_28 : i32
    %sign3A_30 = arith.constant 0 : i32
    %sign3A_31 = arith.cmpi sgt, %jit3A_21, %sign3A_30 : i32
    %sign3A_32 = arith.extui %sign3A_31 : i1 to i32
    %sign3A_33 = arith.constant 0 : i32
    %sign3A_34 = arith.cmpi slt, %jit3A_21, %sign3A_33 : i32
    %sign3A_35 = arith.extui %sign3A_34 : i1 to i32
    %sign3A_36 = arith.subi %sign3A_32, %sign3A_35 : i32
    %ne3A_37 = arith.cmpi ne, %sign3A_29, %sign3A_36 : i32
    %rem3A_38 = arith.remsi %rem3A_20, %jit3A_21 : i32
    %ne3A_39 = arith.constant 0 : i32
    %ne3A_40 = arith.cmpi ne, %rem3A_38, %ne3A_39 : i32
    %and3A_41 = arith.andi %ne3A_37, %ne3A_40 : i1
    %sub3A_42 = arith.constant 1 : i32
    %sub3A_43 = arith.subi %div3A_22, %sub3A_42 : i32
    %select_n3A_44 = arith.select %and3A_41, %sub3A_43, %div3A_22 : i32
    %mul3A_45 = arith.constant 112 : i32
    %mul3A_46 = arith.muli %select_n3A_44, %mul3A_45 : i32
    %rem3A_47 = arith.constant 2 : i32
    %rem3A_48 = arith.remsi %rem3A_20, %rem3A_47 : i32
    %mul3A_49 = arith.constant 128 : i32
    %mul3A_50 = arith.muli %rem3A_48, %mul3A_49 : i32
    %dma_start3A = tpu.memref_slice %arg3[%select_n3A, %mul3A_46, %mul3A_50] : memref<384x224x224xf32, #tpu.memory_space<hbm>> -> memref<1x112x128xf32, #tpu.memory_space<hbm>>
    %dma_start3A_51 = tpu.memref_squeeze %dma_start3A : memref<1x112x128xf32, #tpu.memory_space<hbm>> -> memref<112x128xf32, #tpu.memory_space<hbm>>
    %dma_start3A_52 = tpu.memref_slice %arg3[%select_n3A, %mul3A_46, %mul3A_50] : memref<384x224x224xf32, #tpu.memory_space<hbm>> -> memref<1x112x128xf32, #tpu.memory_space<hbm>>
    %dma_start3A_53 = tpu.memref_squeeze %dma_start3A_52 : memref<1x112x128xf32, #tpu.memory_space<hbm>> -> memref<112x128xf32, #tpu.memory_space<hbm>>
    tpu.enqueue_dma source(%dma_start3A_53 : memref<112x128xf32, #tpu.memory_space<hbm>>) target(%arg6 : memref<112x128xf32, #tpu.memory_space<vmem>>) target_semaphore(%arg11 : memref<!tpu.dma_semaphore, #tpu.memory_space<semaphore_mem>>)
    %add3A_54 = arith.constant 1 : i32
    %add3A_55 = arith.addi %mul3A_2, %add3A_54 : i32
    %jit3A_56 = arith.constant 4 : i32
    %div3A_57 = arith.divsi %add3A_55, %jit3A_56 : i32
    %sign3A_58 = arith.constant 0 : i32
    %sign3A_59 = arith.cmpi sgt, %add3A_55, %sign3A_58 : i32
    %sign3A_60 = arith.extui %sign3A_59 : i1 to i32
    %sign3A_61 = arith.constant 0 : i32
    %sign3A_62 = arith.cmpi slt, %add3A_55, %sign3A_61 : i32
    %sign3A_63 = arith.extui %sign3A_62 : i1 to i32
    %sign3A_64 = arith.subi %sign3A_60, %sign3A_63 : i32
    %sign3A_65 = arith.constant 0 : i32
    %sign3A_66 = arith.cmpi sgt, %jit3A_56, %sign3A_65 : i32
    %sign3A_67 = arith.extui %sign3A_66 : i1 to i32
    %sign3A_68 = arith.constant 0 : i32
    %sign3A_69 = arith.cmpi slt, %jit3A_56, %sign3A_68 : i32
    %sign3A_70 = arith.extui %sign3A_69 : i1 to i32
    %sign3A_71 = arith.subi %sign3A_67, %sign3A_70 : i32
    %ne3A_72 = arith.cmpi ne, %sign3A_64, %sign3A_71 : i32
    %rem3A_73 = arith.remsi %add3A_55, %jit3A_56 : i32
    %ne3A_74 = arith.constant 0 : i32
    %ne3A_75 = arith.cmpi ne, %rem3A_73, %ne3A_74 : i32
    %and3A_76 = arith.andi %ne3A_72, %ne3A_75 : i1
    %sub3A_77 = arith.constant 1 : i32
    %sub3A_78 = arith.subi %div3A_57, %sub3A_77 : i32
    %select_n3A_79 = arith.select %and3A_76, %sub3A_78, %div3A_57 : i32
    %rem3A_80 = arith.constant 4 : i32
    %rem3A_81 = arith.remsi %add3A_55, %rem3A_80 : i32
    %jit3A_82 = arith.constant 2 : i32
    %div3A_83 = arith.divsi %rem3A_81, %jit3A_82 : i32
    %sign3A_84 = arith.constant 0 : i32
    %sign3A_85 = arith.cmpi sgt, %rem3A_81, %sign3A_84 : i32
    %sign3A_86 = arith.extui %sign3A_85 : i1 to i32
    %sign3A_87 = arith.constant 0 : i32
    %sign3A_88 = arith.cmpi slt, %rem3A_81, %sign3A_87 : i32
    %sign3A_89 = arith.extui %sign3A_88 : i1 to i32
    %sign3A_90 = arith.subi %sign3A_86, %sign3A_89 : i32
    %sign3A_91 = arith.constant 0 : i32
    %sign3A_92 = arith.cmpi sgt, %jit3A_82, %sign3A_91 : i32
    %sign3A_93 = arith.extui %sign3A_92 : i1 to i32
    %sign3A_94 = arith.constant 0 : i32
    %sign3A_95 = arith.cmpi slt, %jit3A_82, %sign3A_94 : i32
    %sign3A_96 = arith.extui %sign3A_95 : i1 to i32
    %sign3A_97 = arith.subi %sign3A_93, %sign3A_96 : i32
    %ne3A_98 = arith.cmpi ne, %sign3A_90, %sign3A_97 : i32
    %rem3A_99 = arith.remsi %rem3A_81, %jit3A_82 : i32
    %ne3A_100 = arith.constant 0 : i32
    %ne3A_101 = arith.cmpi ne, %rem3A_99, %ne3A_100 : i32
    %and3A_102 = arith.andi %ne3A_98, %ne3A_101 : i1
    %sub3A_103 = arith.constant 1 : i32
    %sub3A_104 = arith.subi %div3A_83, %sub3A_103 : i32
    %select_n3A_105 = arith.select %and3A_102, %sub3A_104, %div3A_83 : i32
    %mul3A_106 = arith.constant 112 : i32
    %mul3A_107 = arith.muli %select_n3A_105, %mul3A_106 : i32
    %rem3A_108 = arith.constant 2 : i32
    %rem3A_109 = arith.remsi %rem3A_81, %rem3A_108 : i32
    %mul3A_110 = arith.constant 128 : i32
    %mul3A_111 = arith.muli %rem3A_109, %mul3A_110 : i32
    %dma_start3A_112 = tpu.memref_slice %arg3[%select_n3A_79, %mul3A_107, %mul3A_111] : memref<384x224x224xf32, #tpu.memory_space<hbm>> -> memref<1x112x128xf32, #tpu.memory_space<hbm>>
    %dma_start3A_113 = tpu.memref_squeeze %dma_start3A_112 : memref<1x112x128xf32, #tpu.memory_space<hbm>> -> memref<112x128xf32, #tpu.memory_space<hbm>>
    %dma_start3A_114 = tpu.memref_slice %arg3[%select_n3A_79, %mul3A_107, %mul3A_111] : memref<384x224x224xf32, #tpu.memory_space<hbm>> -> memref<1x112x128xf32, #tpu.memory_space<hbm>>
    %dma_start3A_115 = tpu.memref_squeeze %dma_start3A_114 : memref<1x112x128xf32, #tpu.memory_space<hbm>> -> memref<112x128xf32, #tpu.memory_space<hbm>>
    tpu.enqueue_dma source(%dma_start3A_115 : memref<112x128xf32, #tpu.memory_space<hbm>>) target(%arg7 : memref<112x128xf32, #tpu.memory_space<vmem>>) target_semaphore(%arg12 : memref<!tpu.dma_semaphore, #tpu.memory_space<semaphore_mem>>)
    tpu.wait_dma2 semaphore(%arg10 : memref<!tpu.dma_semaphore, #tpu.memory_space<semaphore_mem>>) src(%arg2 : memref<49152xf32, #tpu.memory_space<hbm>>) dst(%arg5 : memref<49152xf32, #tpu.memory_space<vmem>>)
    %scan3A = arith.constant 0 : i32
    %scan3A_116 = arith.constant 0 : i32
    %scan3A_117 = arith.constant 24 : i32
    %scan3A_118 = arith.addi %scan3A_116, %scan3A_117 : i32
    %scan3A_119 = arith.constant 1 : i32
    scf.for %scan3A_242 = %scan3A_116 to %scan3A_118 step %scan3A_119  : i32 {
      %mul3A_243 = arith.constant 2 : i32
      %mul3A_244 = arith.muli %scan3A_242, %mul3A_243 : i32
      %add3A_245 = arith.addi %mul3A_2, %mul3A_244 : i32
      %add3A_246 = arith.constant 0 : i32
      %add3A_247 = arith.addi %add3A_245, %add3A_246 : i32
      %jit3A_248 = arith.constant 4 : i32
      %div3A_249 = arith.divsi %add3A_247, %jit3A_248 : i32
      %sign3A_250 = arith.constant 0 : i32
      %sign3A_251 = arith.cmpi sgt, %add3A_247, %sign3A_250 : i32
      %sign3A_252 = arith.extui %sign3A_251 : i1 to i32
      %sign3A_253 = arith.constant 0 : i32
      %sign3A_254 = arith.cmpi slt, %add3A_247, %sign3A_253 : i32
      %sign3A_255 = arith.extui %sign3A_254 : i1 to i32
      %sign3A_256 = arith.subi %sign3A_252, %sign3A_255 : i32
      %sign3A_257 = arith.constant 0 : i32
      %sign3A_258 = arith.cmpi sgt, %jit3A_248, %sign3A_257 : i32
      %sign3A_259 = arith.extui %sign3A_258 : i1 to i32
      %sign3A_260 = arith.constant 0 : i32
      %sign3A_261 = arith.cmpi slt, %jit3A_248, %sign3A_260 : i32
      %sign3A_262 = arith.extui %sign3A_261 : i1 to i32
      %sign3A_263 = arith.subi %sign3A_259, %sign3A_262 : i32
      %ne3A_264 = arith.cmpi ne, %sign3A_256, %sign3A_263 : i32
      %rem3A_265 = arith.remsi %add3A_247, %jit3A_248 : i32
      %ne3A_266 = arith.constant 0 : i32
      %ne3A_267 = arith.cmpi ne, %rem3A_265, %ne3A_266 : i32
      %and3A_268 = arith.andi %ne3A_264, %ne3A_267 : i1
      %sub3A_269 = arith.constant 1 : i32
      %sub3A_270 = arith.subi %div3A_249, %sub3A_269 : i32
      %select_n3A_271 = arith.select %and3A_268, %sub3A_270, %div3A_249 : i32
      %rem3A_272 = arith.constant 192 : i32
      %rem3A_273 = arith.remsi %select_n3A_271, %rem3A_272 : i32
      %mul3A_274 = arith.constant 256 : i32
      %mul3A_275 = arith.muli %rem3A_273, %mul3A_274 : i32
      %jit3A_276 = arith.constant 4 : i32
      %div3A_277 = arith.divsi %mul3A_2, %jit3A_276 : i32
      %sign3A_278 = arith.constant 0 : i32
      %sign3A_279 = arith.cmpi sgt, %mul3A_2, %sign3A_278 : i32
      %sign3A_280 = arith.extui %sign3A_279 : i1 to i32
      %sign3A_281 = arith.constant 0 : i32
      %sign3A_282 = arith.cmpi slt, %mul3A_2, %sign3A_281 : i32
      %sign3A_283 = arith.extui %sign3A_282 : i1 to i32
      %sign3A_284 = arith.subi %sign3A_280, %sign3A_283 : i32
      %sign3A_285 = arith.constant 0 : i32
      %sign3A_286 = arith.cmpi sgt, %jit3A_276, %sign3A_285 : i32
      %sign3A_287 = arith.extui %sign3A_286 : i1 to i32
      %sign3A_288 = arith.constant 0 : i32
      %sign3A_289 = arith.cmpi slt, %jit3A_276, %sign3A_288 : i32
      %sign3A_290 = arith.extui %sign3A_289 : i1 to i32
      %sign3A_291 = arith.subi %sign3A_287, %sign3A_290 : i32
      %ne3A_292 = arith.cmpi ne, %sign3A_284, %sign3A_291 : i32
      %rem3A_293 = arith.remsi %mul3A_2, %jit3A_276 : i32
      %ne3A_294 = arith.constant 0 : i32
      %ne3A_295 = arith.cmpi ne, %rem3A_293, %ne3A_294 : i32
      %and3A_296 = arith.andi %ne3A_292, %ne3A_295 : i1
      %sub3A_297 = arith.constant 1 : i32
      %sub3A_298 = arith.subi %div3A_277, %sub3A_297 : i32
      %select_n3A_299 = arith.select %and3A_296, %sub3A_298, %div3A_277 : i32
      %rem3A_300 = arith.constant 4 : i32
      %rem3A_301 = arith.remsi %mul3A_2, %rem3A_300 : i32
      %jit3A_302 = arith.constant 2 : i32
      %div3A_303 = arith.divsi %rem3A_301, %jit3A_302 : i32
      %sign3A_304 = arith.constant 0 : i32
      %sign3A_305 = arith.cmpi sgt, %rem3A_301, %sign3A_304 : i32
      %sign3A_306 = arith.extui %sign3A_305 : i1 to i32
      %sign3A_307 = arith.constant 0 : i32
      %sign3A_308 = arith.cmpi slt, %rem3A_301, %sign3A_307 : i32
      %sign3A_309 = arith.extui %sign3A_308 : i1 to i32
      %sign3A_310 = arith.subi %sign3A_306, %sign3A_309 : i32
      %sign3A_311 = arith.constant 0 : i32
      %sign3A_312 = arith.cmpi sgt, %jit3A_302, %sign3A_311 : i32
      %sign3A_313 = arith.extui %sign3A_312 : i1 to i32
      %sign3A_314 = arith.constant 0 : i32
      %sign3A_315 = arith.cmpi slt, %jit3A_302, %sign3A_314 : i32
      %sign3A_316 = arith.extui %sign3A_315 : i1 to i32
      %sign3A_317 = arith.subi %sign3A_313, %sign3A_316 : i32
      %ne3A_318 = arith.cmpi ne, %sign3A_310, %sign3A_317 : i32
      %rem3A_319 = arith.remsi %rem3A_301, %jit3A_302 : i32
      %ne3A_320 = arith.constant 0 : i32
      %ne3A_321 = arith.cmpi ne, %rem3A_319, %ne3A_320 : i32
      %and3A_322 = arith.andi %ne3A_318, %ne3A_321 : i1
      %sub3A_323 = arith.constant 1 : i32
      %sub3A_324 = arith.subi %div3A_303, %sub3A_323 : i32
      %select_n3A_325 = arith.select %and3A_322, %sub3A_324, %div3A_303 : i32
      %mul3A_326 = arith.constant 112 : i32
      %mul3A_327 = arith.muli %select_n3A_325, %mul3A_326 : i32
      %rem3A_328 = arith.constant 2 : i32
      %rem3A_329 = arith.remsi %rem3A_301, %rem3A_328 : i32
      %mul3A_330 = arith.constant 128 : i32
      %mul3A_331 = arith.muli %rem3A_329, %mul3A_330 : i32
      %dma_wait3A_332 = tpu.memref_slice %arg3[%select_n3A_299, %mul3A_327, %mul3A_331] : memref<384x224x224xf32, #tpu.memory_space<hbm>> -> memref<1x112x128xf32, #tpu.memory_space<hbm>>
      %dma_wait3A_333 = tpu.memref_squeeze %dma_wait3A_332 : memref<1x112x128xf32, #tpu.memory_space<hbm>> -> memref<112x128xf32, #tpu.memory_space<hbm>>
      %dma_wait3A_334 = tpu.memref_slice %arg3[%select_n3A_299, %mul3A_327, %mul3A_331] : memref<384x224x224xf32, #tpu.memory_space<hbm>> -> memref<1x112x128xf32, #tpu.memory_space<hbm>>
      %dma_wait3A_335 = tpu.memref_squeeze %dma_wait3A_334 : memref<1x112x128xf32, #tpu.memory_space<hbm>> -> memref<112x128xf32, #tpu.memory_space<hbm>>
      tpu.wait_dma2 semaphore(%arg11 : memref<!tpu.dma_semaphore, #tpu.memory_space<semaphore_mem>>) src(%dma_wait3A_335 : memref<112x128xf32, #tpu.memory_space<hbm>>) dst(%arg6 : memref<112x128xf32, #tpu.memory_space<vmem>>)
      %gt3A = arith.constant 0 : i32
      %gt3A_336 = arith.cmpi sgt, %scan3A_242, %gt3A : i32
      %convert_element_type3A = arith.extui %gt3A_336 : i1 to i32
      %cond3A = arith.constant 0 : i32
      %cond3A_337 = arith.cmpi ne, %convert_element_type3A, %cond3A : i32
      scf.if %cond3A_337 {
        %jit3A_570 = arith.constant 4 : i32
        %div3A_571 = arith.divsi %mul3A_2, %jit3A_570 : i32
        %sign3A_572 = arith.constant 0 : i32
        %sign3A_573 = arith.cmpi sgt, %mul3A_2, %sign3A_572 : i32
        %sign3A_574 = arith.extui %sign3A_573 : i1 to i32
        %sign3A_575 = arith.constant 0 : i32
        %sign3A_576 = arith.cmpi slt, %mul3A_2, %sign3A_575 : i32
        %sign3A_577 = arith.extui %sign3A_576 : i1 to i32
        %sign3A_578 = arith.subi %sign3A_574, %sign3A_577 : i32
        %sign3A_579 = arith.constant 0 : i32
        %sign3A_580 = arith.cmpi sgt, %jit3A_570, %sign3A_579 : i32
        %sign3A_581 = arith.extui %sign3A_580 : i1 to i32
        %sign3A_582 = arith.constant 0 : i32
        %sign3A_583 = arith.cmpi slt, %jit3A_570, %sign3A_582 : i32
        %sign3A_584 = arith.extui %sign3A_583 : i1 to i32
        %sign3A_585 = arith.subi %sign3A_581, %sign3A_584 : i32
        %ne3A_586 = arith.cmpi ne, %sign3A_578, %sign3A_585 : i32
        %rem3A_587 = arith.remsi %mul3A_2, %jit3A_570 : i32
        %ne3A_588 = arith.constant 0 : i32
        %ne3A_589 = arith.cmpi ne, %rem3A_587, %ne3A_588 : i32
        %and3A_590 = arith.andi %ne3A_586, %ne3A_589 : i1
        %sub3A_591 = arith.constant 1 : i32
        %sub3A_592 = arith.subi %div3A_571, %sub3A_591 : i32
        %select_n3A_593 = arith.select %and3A_590, %sub3A_592, %div3A_571 : i32
        %rem3A_594 = arith.constant 4 : i32
        %rem3A_595 = arith.remsi %mul3A_2, %rem3A_594 : i32
        %jit3A_596 = arith.constant 2 : i32
        %div3A_597 = arith.divsi %rem3A_595, %jit3A_596 : i32
        %sign3A_598 = arith.constant 0 : i32
        %sign3A_599 = arith.cmpi sgt, %rem3A_595, %sign3A_598 : i32
        %sign3A_600 = arith.extui %sign3A_599 : i1 to i32
        %sign3A_601 = arith.constant 0 : i32
        %sign3A_602 = arith.cmpi slt, %rem3A_595, %sign3A_601 : i32
        %sign3A_603 = arith.extui %sign3A_602 : i1 to i32
        %sign3A_604 = arith.subi %sign3A_600, %sign3A_603 : i32
        %sign3A_605 = arith.constant 0 : i32
        %sign3A_606 = arith.cmpi sgt, %jit3A_596, %sign3A_605 : i32
        %sign3A_607 = arith.extui %sign3A_606 : i1 to i32
        %sign3A_608 = arith.constant 0 : i32
        %sign3A_609 = arith.cmpi slt, %jit3A_596, %sign3A_608 : i32
        %sign3A_610 = arith.extui %sign3A_609 : i1 to i32
        %sign3A_611 = arith.subi %sign3A_607, %sign3A_610 : i32
        %ne3A_612 = arith.cmpi ne, %sign3A_604, %sign3A_611 : i32
        %rem3A_613 = arith.remsi %rem3A_595, %jit3A_596 : i32
        %ne3A_614 = arith.constant 0 : i32
        %ne3A_615 = arith.cmpi ne, %rem3A_613, %ne3A_614 : i32
        %and3A_616 = arith.andi %ne3A_612, %ne3A_615 : i1
        %sub3A_617 = arith.constant 1 : i32
        %sub3A_618 = arith.subi %div3A_597, %sub3A_617 : i32
        %select_n3A_619 = arith.select %and3A_616, %sub3A_618, %div3A_597 : i32
        %mul3A_620 = arith.constant 112 : i32
        %mul3A_621 = arith.muli %select_n3A_619, %mul3A_620 : i32
        %rem3A_622 = arith.constant 2 : i32
        %rem3A_623 = arith.remsi %rem3A_595, %rem3A_622 : i32
        %mul3A_624 = arith.constant 128 : i32
        %mul3A_625 = arith.muli %rem3A_623, %mul3A_624 : i32
        %dma_wait3A_626 = tpu.memref_slice %arg4[%select_n3A_593, %mul3A_621, %mul3A_625] : memref<384x224x224xf32, #tpu.memory_space<hbm>> -> memref<1x112x128xf32, #tpu.memory_space<hbm>>
        %dma_wait3A_627 = tpu.memref_squeeze %dma_wait3A_626 : memref<1x112x128xf32, #tpu.memory_space<hbm>> -> memref<112x128xf32, #tpu.memory_space<hbm>>
        %dma_wait3A_628 = tpu.memref_slice %arg4[%select_n3A_593, %mul3A_621, %mul3A_625] : memref<384x224x224xf32, #tpu.memory_space<hbm>> -> memref<1x112x128xf32, #tpu.memory_space<hbm>>
        %dma_wait3A_629 = tpu.memref_squeeze %dma_wait3A_628 : memref<1x112x128xf32, #tpu.memory_space<hbm>> -> memref<112x128xf32, #tpu.memory_space<hbm>>
        tpu.wait_dma2 semaphore(%arg13 : memref<!tpu.dma_semaphore, #tpu.memory_space<semaphore_mem>>) src(%arg8 : memref<112x128xf32, #tpu.memory_space<vmem>>) dst(%dma_wait3A_629 : memref<112x128xf32, #tpu.memory_space<hbm>>)
      } else {
      }
      %parallel_loop3A = arith.constant 0 : i32
      %parallel_loop3A_338 = arith.constant 112 : i32
      %parallel_loop3A_339 = arith.constant 1 : i32
      scf.for %parallel_loop3A_570 = %parallel_loop3A to %parallel_loop3A_338 step %parallel_loop3A_339  : i32 {
        %parallel_loop3A_571 = arith.index_cast %parallel_loop3A_570 : i32 to index
        %parallel_loop3A_572 = arith.constant 0 : index
        %parallel_loop3A_573 = tpu.vector_load %arg6[%parallel_loop3A_571, %parallel_loop3A_572] {strides = array<i32>} : memref<112x128xf32, #tpu.memory_space<vmem>>, vector<16xf32>,
        %parallel_loop3A_574 = arith.constant 31.8749981 : f32
        %parallel_loop3A_575 = vector.broadcast %parallel_loop3A_574 : f32 to vector<16xf32>
        %parallel_loop3A_576 = arith.mulf %parallel_loop3A_573, %parallel_loop3A_575 : vector<16xf32>
        %parallel_loop3A_577 = arith.constant 1.275000e+02 : f32
        %parallel_loop3A_578 = vector.broadcast %parallel_loop3A_577 : f32 to vector<16xf32>
        %parallel_loop3A_579 = arith.addf %parallel_loop3A_576, %parallel_loop3A_578 : vector<16xf32>
        %parallel_loop3A_580 = arith.constant 0.000000e+00 : f32
        %parallel_loop3A_581 = vector.broadcast %parallel_loop3A_580 : f32 to vector<16xf32>
        %parallel_loop3A_582 = arith.maximumf %parallel_loop3A_579, %parallel_loop3A_581 : vector<16xf32>
        %parallel_loop3A_583 = arith.constant 253.999985 : f32
        %parallel_loop3A_584 = vector.broadcast %parallel_loop3A_583 : f32 to vector<16xf32>
        %parallel_loop3A_585 = arith.minimumf %parallel_loop3A_582, %parallel_loop3A_584 : vector<16xf32>
        %parallel_loop3A_586 = arith.fptosi %parallel_loop3A_585 : vector<16xf32> to vector<16xi32>
        %parallel_loop3A_587 = arith.sitofp %parallel_loop3A_586 : vector<16xi32> to vector<16xf32>
        %parallel_loop3A_588 = arith.subf %parallel_loop3A_579, %parallel_loop3A_587 : vector<16xf32>
        %parallel_loop3A_589 = tpu.memref_slice %arg5[%mul3A_275] : memref<49152xf32, #tpu.memory_space<vmem>> -> memref<256xf32, #tpu.memory_space<vmem>>
        %parallel_loop3A_590 = tpu.vector_load_idx %parallel_loop3A_589[%parallel_loop3A_586] : memref<256xf32, #tpu.memory_space<vmem>>[vector<16xi32>], vector<16xf32>,
        %parallel_loop3A_591 = arith.constant 1 : i32
        %parallel_loop3A_592 = vector.broadcast %parallel_loop3A_591 : i32 to vector<16xi32>
        %parallel_loop3A_593 = arith.addi %parallel_loop3A_586, %parallel_loop3A_592 : vector<16xi32>
        %parallel_loop3A_594 = tpu.memref_slice %arg5[%mul3A_275] : memref<49152xf32, #tpu.memory_space<vmem>> -> memref<256xf32, #tpu.memory_space<vmem>>
        %parallel_loop3A_595 = tpu.vector_load_idx %parallel_loop3A_594[%parallel_loop3A_593] : memref<256xf32, #tpu.memory_space<vmem>>[vector<16xi32>], vector<16xf32>,
        %parallel_loop3A_596 = arith.subf %parallel_loop3A_595, %parallel_loop3A_590 : vector<16xf32>
        %parallel_loop3A_597 = arith.mulf %parallel_loop3A_588, %parallel_loop3A_596 : vector<16xf32>
        %parallel_loop3A_598 = arith.addf %parallel_loop3A_590, %parallel_loop3A_597 : vector<16xf32>
        %parallel_loop3A_599 = arith.index_cast %parallel_loop3A_570 : i32 to index
        %parallel_loop3A_600 = arith.constant 0 : index
        %parallel_loop3A_601 = tpu.vector_load %arg8[%parallel_loop3A_599, %parallel_loop3A_600] {strides = array<i32>} : memref<112x128xf32, #tpu.memory_space<vmem>>, vector<16xf32>,
        tpu.vector_store %arg8[%parallel_loop3A_599, %parallel_loop3A_600], %parallel_loop3A_598 {strides = array<i32>} : memref<112x128xf32, #tpu.memory_space<vmem>>, vector<16xf32>,
        %parallel_loop3A_602 = arith.index_cast %parallel_loop3A_570 : i32 to index
        %parallel_loop3A_603 = arith.constant 16 : index
        %parallel_loop3A_604 = tpu.vector_load %arg6[%parallel_loop3A_602, %parallel_loop3A_603] {strides = array<i32>} : memref<112x128xf32, #tpu.memory_space<vmem>>, vector<16xf32>,
        %parallel_loop3A_605 = arith.constant 31.8749981 : f32
        %parallel_loop3A_606 = vector.broadcast %parallel_loop3A_605 : f32 to vector<16xf32>
        %parallel_loop3A_607 = arith.mulf %parallel_loop3A_604, %parallel_loop3A_606 : vector<16xf32>
        %parallel_loop3A_608 = arith.constant 1.275000e+02 : f32
        %parallel_loop3A_609 = vector.broadcast %parallel_loop3A_608 : f32 to vector<16xf32>
        %parallel_loop3A_610 = arith.addf %parallel_loop3A_607, %parallel_loop3A_609 : vector<16xf32>
        %parallel_loop3A_611 = arith.constant 0.000000e+00 : f32
        %parallel_loop3A_612 = vector.broadcast %parallel_loop3A_611 : f32 to vector<16xf32>
        %parallel_loop3A_613 = arith.maximumf %parallel_loop3A_610, %parallel_loop3A_612 : vector<16xf32>
        %parallel_loop3A_614 = arith.constant 253.999985 : f32
        %parallel_loop3A_615 = vector.broadcast %parallel_loop3A_614 : f32 to vector<16xf32>
        %parallel_loop3A_616 = arith.minimumf %parallel_loop3A_613, %parallel_loop3A_615 : vector<16xf32>
        %parallel_loop3A_617 = arith.fptosi %parallel_loop3A_616 : vector<16xf32> to vector<16xi32>
        %parallel_loop3A_618 = arith.sitofp %parallel_loop3A_617 : vector<16xi32> to vector<16xf32>
        %parallel_loop3A_619 = arith.subf %parallel_loop3A_610, %parallel_loop3A_618 : vector<16xf32>
        %parallel_loop3A_620 = tpu.memref_slice %arg5[%mul3A_275] : memref<49152xf32, #tpu.memory_space<vmem>> -> memref<256xf32, #tpu.memory_space<vmem>>
        %parallel_loop3A_621 = tpu.vector_load_idx %parallel_loop3A_620[%parallel_loop3A_617] : memref<256xf32, #tpu.memory_space<vmem>>[vector<16xi32>], vector<16xf32>,
        %parallel_loop3A_622 = arith.constant 1 : i32
        %parallel_loop3A_623 = vector.broadcast %parallel_loop3A_622 : i32 to vector<16xi32>
        %parallel_loop3A_624 = arith.addi %parallel_loop3A_617, %parallel_loop3A_623 : vector<16xi32>
        %parallel_loop3A_625 = tpu.memref_slice %arg5[%mul3A_275] : memref<49152xf32, #tpu.memory_space<vmem>> -> memref<256xf32, #tpu.memory_space<vmem>>
        %parallel_loop3A_626 = tpu.vector_load_idx %parallel_loop3A_625[%parallel_loop3A_624] : memref<256xf32, #tpu.memory_space<vmem>>[vector<16xi32>], vector<16xf32>,
        %parallel_loop3A_627 = arith.subf %parallel_loop3A_626, %parallel_loop3A_621 : vector<16xf32>
        %parallel_loop3A_628 = arith.mulf %parallel_loop3A_619, %parallel_loop3A_627 : vector<16xf32>
        %parallel_loop3A_629 = arith.addf %parallel_loop3A_621, %parallel_loop3A_628 : vector<16xf32>
        %parallel_loop3A_630 = arith.index_cast %parallel_loop3A_570 : i32 to index
        %parallel_loop3A_631 = arith.constant 16 : index
        %parallel_loop3A_632 = tpu.vector_load %arg8[%parallel_loop3A_630, %parallel_loop3A_631] {strides = array<i32>} : memref<112x128xf32, #tpu.memory_space<vmem>>, vector<16xf32>,
        tpu.vector_store %arg8[%parallel_loop3A_630, %parallel_loop3A_631], %parallel_loop3A_629 {strides = array<i32>} : memref<112x128xf32, #tpu.memory_space<vmem>>, vector<16xf32>,
        %parallel_loop3A_633 = arith.index_cast %parallel_loop3A_570 : i32 to index
        %parallel_loop3A_634 = arith.constant 32 : index
        %parallel_loop3A_635 = tpu.vector_load %arg6[%parallel_loop3A_633, %parallel_loop3A_634] {strides = array<i32>} : memref<112x128xf32, #tpu.memory_space<vmem>>, vector<16xf32>,
        %parallel_loop3A_636 = arith.constant 31.8749981 : f32
        %parallel_loop3A_637 = vector.broadcast %parallel_loop3A_636 : f32 to vector<16xf32>
        %parallel_loop3A_638 = arith.mulf %parallel_loop3A_635, %parallel_loop3A_637 : vector<16xf32>
        %parallel_loop3A_639 = arith.constant 1.275000e+02 : f32
        %parallel_loop3A_640 = vector.broadcast %parallel_loop3A_639 : f32 to vector<16xf32>
        %parallel_loop3A_641 = arith.addf %parallel_loop3A_638, %parallel_loop3A_640 : vector<16xf32>
        %parallel_loop3A_642 = arith.constant 0.000000e+00 : f32
        %parallel_loop3A_643 = vector.broadcast %parallel_loop3A_642 : f32 to vector<16xf32>
        %parallel_loop3A_644 = arith.maximumf %parallel_loop3A_641, %parallel_loop3A_643 : vector<16xf32>
        %parallel_loop3A_645 = arith.constant 253.999985 : f32
        %parallel_loop3A_646 = vector.broadcast %parallel_loop3A_645 : f32 to vector<16xf32>
        %parallel_loop3A_647 = arith.minimumf %parallel_loop3A_644, %parallel_loop3A_646 : vector<16xf32>
        %parallel_loop3A_648 = arith.fptosi %parallel_loop3A_647 : vector<16xf32> to vector<16xi32>
        %parallel_loop3A_649 = arith.sitofp %parallel_loop3A_648 : vector<16xi32> to vector<16xf32>
        %parallel_loop3A_650 = arith.subf %parallel_loop3A_641, %parallel_loop3A_649 : vector<16xf32>
        %parallel_loop3A_651 = tpu.memref_slice %arg5[%mul3A_275] : memref<49152xf32, #tpu.memory_space<vmem>> -> memref<256xf32, #tpu.memory_space<vmem>>
        %parallel_loop3A_652 = tpu.vector_load_idx %parallel_loop3A_651[%parallel_loop3A_648] : memref<256xf32, #tpu.memory_space<vmem>>[vector<16xi32>], vector<16xf32>,
        %parallel_loop3A_653 = arith.constant 1 : i32
        %parallel_loop3A_654 = vector.broadcast %parallel_loop3A_653 : i32 to vector<16xi32>
        %parallel_loop3A_655 = arith.addi %parallel_loop3A_648, %parallel_loop3A_654 : vector<16xi32>
        %parallel_loop3A_656 = tpu.memref_slice %arg5[%mul3A_275] : memref<49152xf32, #tpu.memory_space<vmem>> -> memref<256xf32, #tpu.memory_space<vmem>>
        %parallel_loop3A_657 = tpu.vector_load_idx %parallel_loop3A_656[%parallel_loop3A_655] : memref<256xf32, #tpu.memory_space<vmem>>[vector<16xi32>], vector<16xf32>,
        %parallel_loop3A_658 = arith.subf %parallel_loop3A_657, %parallel_loop3A_652 : vector<16xf32>
        %parallel_loop3A_659 = arith.mulf %parallel_loop3A_650, %parallel_loop3A_658 : vector<16xf32>
        %parallel_loop3A_660 = arith.addf %parallel_loop3A_652, %parallel_loop3A_659 : vector<16xf32>
        %parallel_loop3A_661 = arith.index_cast %parallel_loop3A_570 : i32 to index
        %parallel_loop3A_662 = arith.constant 32 : index
        %parallel_loop3A_663 = tpu.vector_load %arg8[%parallel_loop3A_661, %parallel_loop3A_662] {strides = array<i32>} : memref<112x128xf32, #tpu.memory_space<vmem>>, vector<16xf32>,
        tpu.vector_store %arg8[%parallel_loop3A_661, %parallel_loop3A_662], %parallel_loop3A_660 {strides = array<i32>} : memref<112x128xf32, #tpu.memory_space<vmem>>, vector<16xf32>,
        %parallel_loop3A_664 = arith.index_cast %parallel_loop3A_570 : i32 to index
        %parallel_loop3A_665 = arith.constant 48 : index
        %parallel_loop3A_666 = tpu.vector_load %arg6[%parallel_loop3A_664, %parallel_loop3A_665] {strides = array<i32>} : memref<112x128xf32, #tpu.memory_space<vmem>>, vector<16xf32>,
        %parallel_loop3A_667 = arith.constant 31.8749981 : f32
        %parallel_loop3A_668 = vector.broadcast %parallel_loop3A_667 : f32 to vector<16xf32>
        %parallel_loop3A_669 = arith.mulf %parallel_loop3A_666, %parallel_loop3A_668 : vector<16xf32>
        %parallel_loop3A_670 = arith.constant 1.275000e+02 : f32
        %parallel_loop3A_671 = vector.broadcast %parallel_loop3A_670 : f32 to vector<16xf32>
        %parallel_loop3A_672 = arith.addf %parallel_loop3A_669, %parallel_loop3A_671 : vector<16xf32>
        %parallel_loop3A_673 = arith.constant 0.000000e+00 : f32
        %parallel_loop3A_674 = vector.broadcast %parallel_loop3A_673 : f32 to vector<16xf32>
        %parallel_loop3A_675 = arith.maximumf %parallel_loop3A_672, %parallel_loop3A_674 : vector<16xf32>
        %parallel_loop3A_676 = arith.constant 253.999985 : f32
        %parallel_loop3A_677 = vector.broadcast %parallel_loop3A_676 : f32 to vector<16xf32>
        %parallel_loop3A_678 = arith.minimumf %parallel_loop3A_675, %parallel_loop3A_677 : vector<16xf32>
        %parallel_loop3A_679 = arith.fptosi %parallel_loop3A_678 : vector<16xf32> to vector<16xi32>
        %parallel_loop3A_680 = arith.sitofp %parallel_loop3A_679 : vector<16xi32> to vector<16xf32>
        %parallel_loop3A_681 = arith.subf %parallel_loop3A_672, %parallel_loop3A_680 : vector<16xf32>
        %parallel_loop3A_682 = tpu.memref_slice %arg5[%mul3A_275] : memref<49152xf32, #tpu.memory_space<vmem>> -> memref<256xf32, #tpu.memory_space<vmem>>
        %parallel_loop3A_683 = tpu.vector_load_idx %parallel_loop3A_682[%parallel_loop3A_679] : memref<256xf32, #tpu.memory_space<vmem>>[vector<16xi32>], vector<16xf32>,
        %parallel_loop3A_684 = arith.constant 1 : i32
        %parallel_loop3A_685 = vector.broadcast %parallel_loop3A_684 : i32 to vector<16xi32>
        %parallel_loop3A_686 = arith.addi %parallel_loop3A_679, %parallel_loop3A_685 : vector<16xi32>
        %parallel_loop3A_687 = tpu.memref_slice %arg5[%mul3A_275] : memref<49152xf32, #tpu.memory_space<vmem>> -> memref<256xf32, #tpu.memory_space<vmem>>
        %parallel_loop3A_688 = tpu.vector_load_idx %parallel_loop3A_687[%parallel_loop3A_686] : memref<256xf32, #tpu.memory_space<vmem>>[vector<16xi32>], vector<16xf32>,
        %parallel_loop3A_689 = arith.subf %parallel_loop3A_688, %parallel_loop3A_683 : vector<16xf32>
        %parallel_loop3A_690 = arith.mulf %parallel_loop3A_681, %parallel_loop3A_689 : vector<16xf32>
        %parallel_loop3A_691 = arith.addf %parallel_loop3A_683, %parallel_loop3A_690 : vector<16xf32>
        %parallel_loop3A_692 = arith.index_cast %parallel_loop3A_570 : i32 to index
        %parallel_loop3A_693 = arith.constant 48 : index
        %parallel_loop3A_694 = tpu.vector_load %arg8[%parallel_loop3A_692, %parallel_loop3A_693] {strides = array<i32>} : memref<112x128xf32, #tpu.memory_space<vmem>>, vector<16xf32>,
        tpu.vector_store %arg8[%parallel_loop3A_692, %parallel_loop3A_693], %parallel_loop3A_691 {strides = array<i32>} : memref<112x128xf32, #tpu.memory_space<vmem>>, vector<16xf32>,
        %parallel_loop3A_695 = arith.index_cast %parallel_loop3A_570 : i32 to index
        %parallel_loop3A_696 = arith.constant 64 : index
        %parallel_loop3A_697 = tpu.vector_load %arg6[%parallel_loop3A_695, %parallel_loop3A_696] {strides = array<i32>} : memref<112x128xf32, #tpu.memory_space<vmem>>, vector<16xf32>,
        %parallel_loop3A_698 = arith.constant 31.8749981 : f32
        %parallel_loop3A_699 = vector.broadcast %parallel_loop3A_698 : f32 to vector<16xf32>
        %parallel_loop3A_700 = arith.mulf %parallel_loop3A_697, %parallel_loop3A_699 : vector<16xf32>
        %parallel_loop3A_701 = arith.constant 1.275000e+02 : f32
        %parallel_loop3A_702 = vector.broadcast %parallel_loop3A_701 : f32 to vector<16xf32>
        %parallel_loop3A_703 = arith.addf %parallel_loop3A_700, %parallel_loop3A_702 : vector<16xf32>
        %parallel_loop3A_704 = arith.constant 0.000000e+00 : f32
        %parallel_loop3A_705 = vector.broadcast %parallel_loop3A_704 : f32 to vector<16xf32>
        %parallel_loop3A_706 = arith.maximumf %parallel_loop3A_703, %parallel_loop3A_705 : vector<16xf32>
        %parallel_loop3A_707 = arith.constant 253.999985 : f32
        %parallel_loop3A_708 = vector.broadcast %parallel_loop3A_707 : f32 to vector<16xf32>
        %parallel_loop3A_709 = arith.minimumf %parallel_loop3A_706, %parallel_loop3A_708 : vector<16xf32>
        %parallel_loop3A_710 = arith.fptosi %parallel_loop3A_709 : vector<16xf32> to vector<16xi32>
        %parallel_loop3A_711 = arith.sitofp %parallel_loop3A_710 : vector<16xi32> to vector<16xf32>
        %parallel_loop3A_712 = arith.subf %parallel_loop3A_703, %parallel_loop3A_711 : vector<16xf32>
        %parallel_loop3A_713 = tpu.memref_slice %arg5[%mul3A_275] : memref<49152xf32, #tpu.memory_space<vmem>> -> memref<256xf32, #tpu.memory_space<vmem>>
        %parallel_loop3A_714 = tpu.vector_load_idx %parallel_loop3A_713[%parallel_loop3A_710] : memref<256xf32, #tpu.memory_space<vmem>>[vector<16xi32>], vector<16xf32>,
        %parallel_loop3A_715 = arith.constant 1 : i32
        %parallel_loop3A_716 = vector.broadcast %parallel_loop3A_715 : i32 to vector<16xi32>
        %parallel_loop3A_717 = arith.addi %parallel_loop3A_710, %parallel_loop3A_716 : vector<16xi32>
        %parallel_loop3A_718 = tpu.memref_slice %arg5[%mul3A_275] : memref<49152xf32, #tpu.memory_space<vmem>> -> memref<256xf32, #tpu.memory_space<vmem>>
        %parallel_loop3A_719 = tpu.vector_load_idx %parallel_loop3A_718[%parallel_loop3A_717] : memref<256xf32, #tpu.memory_space<vmem>>[vector<16xi32>], vector<16xf32>,
        %parallel_loop3A_720 = arith.subf %parallel_loop3A_719, %parallel_loop3A_714 : vector<16xf32>
        %parallel_loop3A_721 = arith.mulf %parallel_loop3A_712, %parallel_loop3A_720 : vector<16xf32>
        %parallel_loop3A_722 = arith.addf %parallel_loop3A_714, %parallel_loop3A_721 : vector<16xf32>
        %parallel_loop3A_723 = arith.index_cast %parallel_loop3A_570 : i32 to index
        %parallel_loop3A_724 = arith.constant 64 : index
        %parallel_loop3A_725 = tpu.vector_load %arg8[%parallel_loop3A_723, %parallel_loop3A_724] {strides = array<i32>} : memref<112x128xf32, #tpu.memory_space<vmem>>, vector<16xf32>,
        tpu.vector_store %arg8[%parallel_loop3A_723, %parallel_loop3A_724], %parallel_loop3A_722 {strides = array<i32>} : memref<112x128xf32, #tpu.memory_space<vmem>>, vector<16xf32>,
        %parallel_loop3A_726 = arith.index_cast %parallel_loop3A_570 : i32 to index
        %parallel_loop3A_727 = arith.constant 80 : index
        %parallel_loop3A_728 = tpu.vector_load %arg6[%parallel_loop3A_726, %parallel_loop3A_727] {strides = array<i32>} : memref<112x128xf32, #tpu.memory_space<vmem>>, vector<16xf32>,
        %parallel_loop3A_729 = arith.constant 31.8749981 : f32
        %parallel_loop3A_730 = vector.broadcast %parallel_loop3A_729 : f32 to vector<16xf32>
        %parallel_loop3A_731 = arith.mulf %parallel_loop3A_728, %parallel_loop3A_730 : vector<16xf32>
        %parallel_loop3A_732 = arith.constant 1.275000e+02 : f32
        %parallel_loop3A_733 = vector.broadcast %parallel_loop3A_732 : f32 to vector<16xf32>
        %parallel_loop3A_734 = arith.addf %parallel_loop3A_731, %parallel_loop3A_733 : vector<16xf32>
        %parallel_loop3A_735 = arith.constant 0.000000e+00 : f32
        %parallel_loop3A_736 = vector.broadcast %parallel_loop3A_735 : f32 to vector<16xf32>
        %parallel_loop3A_737 = arith.maximumf %parallel_loop3A_734, %parallel_loop3A_736 : vector<16xf32>
        %parallel_loop3A_738 = arith.constant 253.999985 : f32
        %parallel_loop3A_739 = vector.broadcast %parallel_loop3A_738 : f32 to vector<16xf32>
        %parallel_loop3A_740 = arith.minimumf %parallel_loop3A_737, %parallel_loop3A_739 : vector<16xf32>
        %parallel_loop3A_741 = arith.fptosi %parallel_loop3A_740 : vector<16xf32> to vector<16xi32>
        %parallel_loop3A_742 = arith.sitofp %parallel_loop3A_741 : vector<16xi32> to vector<16xf32>
        %parallel_loop3A_743 = arith.subf %parallel_loop3A_734, %parallel_loop3A_742 : vector<16xf32>
        %parallel_loop3A_744 = tpu.memref_slice %arg5[%mul3A_275] : memref<49152xf32, #tpu.memory_space<vmem>> -> memref<256xf32, #tpu.memory_space<vmem>>
        %parallel_loop3A_745 = tpu.vector_load_idx %parallel_loop3A_744[%parallel_loop3A_741] : memref<256xf32, #tpu.memory_space<vmem>>[vector<16xi32>], vector<16xf32>,
        %parallel_loop3A_746 = arith.constant 1 : i32
        %parallel_loop3A_747 = vector.broadcast %parallel_loop3A_746 : i32 to vector<16xi32>
        %parallel_loop3A_748 = arith.addi %parallel_loop3A_741, %parallel_loop3A_747 : vector<16xi32>
        %parallel_loop3A_749 = tpu.memref_slice %arg5[%mul3A_275] : memref<49152xf32, #tpu.memory_space<vmem>> -> memref<256xf32, #tpu.memory_space<vmem>>
        %parallel_loop3A_750 = tpu.vector_load_idx %parallel_loop3A_749[%parallel_loop3A_748] : memref<256xf32, #tpu.memory_space<vmem>>[vector<16xi32>], vector<16xf32>,
        %parallel_loop3A_751 = arith.subf %parallel_loop3A_750, %parallel_loop3A_745 : vector<16xf32>
        %parallel_loop3A_752 = arith.mulf %parallel_loop3A_743, %parallel_loop3A_751 : vector<16xf32>
        %parallel_loop3A_753 = arith.addf %parallel_loop3A_745, %parallel_loop3A_752 : vector<16xf32>
        %parallel_loop3A_754 = arith.index_cast %parallel_loop3A_570 : i32 to index
        %parallel_loop3A_755 = arith.constant 80 : index
        %parallel_loop3A_756 = tpu.vector_load %arg8[%parallel_loop3A_754, %parallel_loop3A_755] {strides = array<i32>} : memref<112x128xf32, #tpu.memory_space<vmem>>, vector<16xf32>,
        tpu.vector_store %arg8[%parallel_loop3A_754, %parallel_loop3A_755], %parallel_loop3A_753 {strides = array<i32>} : memref<112x128xf32, #tpu.memory_space<vmem>>, vector<16xf32>,
        %parallel_loop3A_757 = arith.index_cast %parallel_loop3A_570 : i32 to index
        %parallel_loop3A_758 = arith.constant 96 : index
        %parallel_loop3A_759 = tpu.vector_load %arg6[%parallel_loop3A_757, %parallel_loop3A_758] {strides = array<i32>} : memref<112x128xf32, #tpu.memory_space<vmem>>, vector<16xf32>,
        %parallel_loop3A_760 = arith.constant 31.8749981 : f32
        %parallel_loop3A_761 = vector.broadcast %parallel_loop3A_760 : f32 to vector<16xf32>
        %parallel_loop3A_762 = arith.mulf %parallel_loop3A_759, %parallel_loop3A_761 : vector<16xf32>
        %parallel_loop3A_763 = arith.constant 1.275000e+02 : f32
        %parallel_loop3A_764 = vector.broadcast %parallel_loop3A_763 : f32 to vector<16xf32>
        %parallel_loop3A_765 = arith.addf %parallel_loop3A_762, %parallel_loop3A_764 : vector<16xf32>
        %parallel_loop3A_766 = arith.constant 0.000000e+00 : f32
        %parallel_loop3A_767 = vector.broadcast %parallel_loop3A_766 : f32 to vector<16xf32>
        %parallel_loop3A_768 = arith.maximumf %parallel_loop3A_765, %parallel_loop3A_767 : vector<16xf32>
        %parallel_loop3A_769 = arith.constant 253.999985 : f32
        %parallel_loop3A_770 = vector.broadcast %parallel_loop3A_769 : f32 to vector<16xf32>
        %parallel_loop3A_771 = arith.minimumf %parallel_loop3A_768, %parallel_loop3A_770 : vector<16xf32>
        %parallel_loop3A_772 = arith.fptosi %parallel_loop3A_771 : vector<16xf32> to vector<16xi32>
        %parallel_loop3A_773 = arith.sitofp %parallel_loop3A_772 : vector<16xi32> to vector<16xf32>
        %parallel_loop3A_774 = arith.subf %parallel_loop3A_765, %parallel_loop3A_773 : vector<16xf32>
        %parallel_loop3A_775 = tpu.memref_slice %arg5[%mul3A_275] : memref<49152xf32, #tpu.memory_space<vmem>> -> memref<256xf32, #tpu.memory_space<vmem>>
        %parallel_loop3A_776 = tpu.vector_load_idx %parallel_loop3A_775[%parallel_loop3A_772] : memref<256xf32, #tpu.memory_space<vmem>>[vector<16xi32>], vector<16xf32>,
        %parallel_loop3A_777 = arith.constant 1 : i32
        %parallel_loop3A_778 = vector.broadcast %parallel_loop3A_777 : i32 to vector<16xi32>
        %parallel_loop3A_779 = arith.addi %parallel_loop3A_772, %parallel_loop3A_778 : vector<16xi32>
        %parallel_loop3A_780 = tpu.memref_slice %arg5[%mul3A_275] : memref<49152xf32, #tpu.memory_space<vmem>> -> memref<256xf32, #tpu.memory_space<vmem>>
        %parallel_loop3A_781 = tpu.vector_load_idx %parallel_loop3A_780[%parallel_loop3A_779] : memref<256xf32, #tpu.memory_space<vmem>>[vector<16xi32>], vector<16xf32>,
        %parallel_loop3A_782 = arith.subf %parallel_loop3A_781, %parallel_loop3A_776 : vector<16xf32>
        %parallel_loop3A_783 = arith.mulf %parallel_loop3A_774, %parallel_loop3A_782 : vector<16xf32>
        %parallel_loop3A_784 = arith.addf %parallel_loop3A_776, %parallel_loop3A_783 : vector<16xf32>
        %parallel_loop3A_785 = arith.index_cast %parallel_loop3A_570 : i32 to index
        %parallel_loop3A_786 = arith.constant 96 : index
        %parallel_loop3A_787 = tpu.vector_load %arg8[%parallel_loop3A_785, %parallel_loop3A_786] {strides = array<i32>} : memref<112x128xf32, #tpu.memory_space<vmem>>, vector<16xf32>,
        tpu.vector_store %arg8[%parallel_loop3A_785, %parallel_loop3A_786], %parallel_loop3A_784 {strides = array<i32>} : memref<112x128xf32, #tpu.memory_space<vmem>>, vector<16xf32>,
        %parallel_loop3A_788 = arith.index_cast %parallel_loop3A_570 : i32 to index
        %parallel_loop3A_789 = arith.constant 112 : index
        %parallel_loop3A_790 = tpu.vector_load %arg6[%parallel_loop3A_788, %parallel_loop3A_789] {strides = array<i32>} : memref<112x128xf32, #tpu.memory_space<vmem>>, vector<16xf32>,
        %parallel_loop3A_791 = arith.constant 31.8749981 : f32
        %parallel_loop3A_792 = vector.broadcast %parallel_loop3A_791 : f32 to vector<16xf32>
        %parallel_loop3A_793 = arith.mulf %parallel_loop3A_790, %parallel_loop3A_792 : vector<16xf32>
        %parallel_loop3A_794 = arith.constant 1.275000e+02 : f32
        %parallel_loop3A_795 = vector.broadcast %parallel_loop3A_794 : f32 to vector<16xf32>
        %parallel_loop3A_796 = arith.addf %parallel_loop3A_793, %parallel_loop3A_795 : vector<16xf32>
        %parallel_loop3A_797 = arith.constant 0.000000e+00 : f32
        %parallel_loop3A_798 = vector.broadcast %parallel_loop3A_797 : f32 to vector<16xf32>
        %parallel_loop3A_799 = arith.maximumf %parallel_loop3A_796, %parallel_loop3A_798 : vector<16xf32>
        %parallel_loop3A_800 = arith.constant 253.999985 : f32
        %parallel_loop3A_801 = vector.broadcast %parallel_loop3A_800 : f32 to vector<16xf32>
        %parallel_loop3A_802 = arith.minimumf %parallel_loop3A_799, %parallel_loop3A_801 : vector<16xf32>
        %parallel_loop3A_803 = arith.fptosi %parallel_loop3A_802 : vector<16xf32> to vector<16xi32>
        %parallel_loop3A_804 = arith.sitofp %parallel_loop3A_803 : vector<16xi32> to vector<16xf32>
        %parallel_loop3A_805 = arith.subf %parallel_loop3A_796, %parallel_loop3A_804 : vector<16xf32>
        %parallel_loop3A_806 = tpu.memref_slice %arg5[%mul3A_275] : memref<49152xf32, #tpu.memory_space<vmem>> -> memref<256xf32, #tpu.memory_space<vmem>>
        %parallel_loop3A_807 = tpu.vector_load_idx %parallel_loop3A_806[%parallel_loop3A_803] : memref<256xf32, #tpu.memory_space<vmem>>[vector<16xi32>], vector<16xf32>,
        %parallel_loop3A_808 = arith.constant 1 : i32
        %parallel_loop3A_809 = vector.broadcast %parallel_loop3A_808 : i32 to vector<16xi32>
        %parallel_loop3A_810 = arith.addi %parallel_loop3A_803, %parallel_loop3A_809 : vector<16xi32>
        %parallel_loop3A_811 = tpu.memref_slice %arg5[%mul3A_275] : memref<49152xf32, #tpu.memory_space<vmem>> -> memref<256xf32, #tpu.memory_space<vmem>>
        %parallel_loop3A_812 = tpu.vector_load_idx %parallel_loop3A_811[%parallel_loop3A_810] : memref<256xf32, #tpu.memory_space<vmem>>[vector<16xi32>], vector<16xf32>,
        %parallel_loop3A_813 = arith.subf %parallel_loop3A_812, %parallel_loop3A_807 : vector<16xf32>
        %parallel_loop3A_814 = arith.mulf %parallel_loop3A_805, %parallel_loop3A_813 : vector<16xf32>
        %parallel_loop3A_815 = arith.addf %parallel_loop3A_807, %parallel_loop3A_814 : vector<16xf32>
        %parallel_loop3A_816 = arith.index_cast %parallel_loop3A_570 : i32 to index
        %parallel_loop3A_817 = arith.constant 112 : index
        %parallel_loop3A_818 = tpu.vector_load %arg8[%parallel_loop3A_816, %parallel_loop3A_817] {strides = array<i32>} : memref<112x128xf32, #tpu.memory_space<vmem>>, vector<16xf32>,
        tpu.vector_store %arg8[%parallel_loop3A_816, %parallel_loop3A_817], %parallel_loop3A_815 {strides = array<i32>} : memref<112x128xf32, #tpu.memory_space<vmem>>, vector<16xf32>,
      } {sc.loop_unroll_factor = 4 : i64, sc.parallel_access}
      %jit3A_340 = arith.constant 4 : i32
      %div3A_341 = arith.divsi %add3A_247, %jit3A_340 : i32
      %sign3A_342 = arith.constant 0 : i32
      %sign3A_343 = arith.cmpi sgt, %add3A_247, %sign3A_342 : i32
      %sign3A_344 = arith.extui %sign3A_343 : i1 to i32
      %sign3A_345 = arith.constant 0 : i32
      %sign3A_346 = arith.cmpi slt, %add3A_247, %sign3A_345 : i32
      %sign3A_347 = arith.extui %sign3A_346 : i1 to i32
      %sign3A_348 = arith.subi %sign3A_344, %sign3A_347 : i32
      %sign3A_349 = arith.constant 0 : i32
      %sign3A_350 = arith.cmpi sgt, %jit3A_340, %sign3A_349 : i32
      %sign3A_351 = arith.extui %sign3A_350 : i1 to i32
      %sign3A_352 = arith.constant 0 : i32
      %sign3A_353 = arith.cmpi slt, %jit3A_340, %sign3A_352 : i32
      %sign3A_354 = arith.extui %sign3A_353 : i1 to i32
      %sign3A_355 = arith.subi %sign3A_351, %sign3A_354 : i32
      %ne3A_356 = arith.cmpi ne, %sign3A_348, %sign3A_355 : i32
      %rem3A_357 = arith.remsi %add3A_247, %jit3A_340 : i32
      %ne3A_358 = arith.constant 0 : i32
      %ne3A_359 = arith.cmpi ne, %rem3A_357, %ne3A_358 : i32
      %and3A_360 = arith.andi %ne3A_356, %ne3A_359 : i1
      %sub3A_361 = arith.constant 1 : i32
      %sub3A_362 = arith.subi %div3A_341, %sub3A_361 : i32
      %select_n3A_363 = arith.select %and3A_360, %sub3A_362, %div3A_341 : i32
      %rem3A_364 = arith.constant 4 : i32
      %rem3A_365 = arith.remsi %add3A_247, %rem3A_364 : i32
      %jit3A_366 = arith.constant 2 : i32
      %div3A_367 = arith.divsi %rem3A_365, %jit3A_366 : i32
      %sign3A_368 = arith.constant 0 : i32
      %sign3A_369 = arith.cmpi sgt, %rem3A_365, %sign3A_368 : i32
      %sign3A_370 = arith.extui %sign3A_369 : i1 to i32
      %sign3A_371 = arith.constant 0 : i32
      %sign3A_372 = arith.cmpi slt, %rem3A_365, %sign3A_371 : i32
      %sign3A_373 = arith.extui %sign3A_372 : i1 to i32
      %sign3A_374 = arith.subi %sign3A_370, %sign3A_373 : i32
      %sign3A_375 = arith.constant 0 : i32
      %sign3A_376 = arith.cmpi sgt, %jit3A_366, %sign3A_375 : i32
      %sign3A_377 = arith.extui %sign3A_376 : i1 to i32
      %sign3A_378 = arith.constant 0 : i32
      %sign3A_379 = arith.cmpi slt, %jit3A_366, %sign3A_378 : i32
      %sign3A_380 = arith.extui %sign3A_379 : i1 to i32
      %sign3A_381 = arith.subi %sign3A_377, %sign3A_380 : i32
      %ne3A_382 = arith.cmpi ne, %sign3A_374, %sign3A_381 : i32
      %rem3A_383 = arith.remsi %rem3A_365, %jit3A_366 : i32
      %ne3A_384 = arith.constant 0 : i32
      %ne3A_385 = arith.cmpi ne, %rem3A_383, %ne3A_384 : i32
      %and3A_386 = arith.andi %ne3A_382, %ne3A_385 : i1
      %sub3A_387 = arith.constant 1 : i32
      %sub3A_388 = arith.subi %div3A_367, %sub3A_387 : i32
      %select_n3A_389 = arith.select %and3A_386, %sub3A_388, %div3A_367 : i32
      %mul3A_390 = arith.constant 112 : i32
      %mul3A_391 = arith.muli %select_n3A_389, %mul3A_390 : i32
      %rem3A_392 = arith.constant 2 : i32
      %rem3A_393 = arith.remsi %rem3A_365, %rem3A_392 : i32
      %mul3A_394 = arith.constant 128 : i32
      %mul3A_395 = arith.muli %rem3A_393, %mul3A_394 : i32
      %dma_start3A_396 = tpu.memref_slice %arg4[%select_n3A_363, %mul3A_391, %mul3A_395] : memref<384x224x224xf32, #tpu.memory_space<hbm>> -> memref<1x112x128xf32, #tpu.memory_space<hbm>>
      %dma_start3A_397 = tpu.memref_squeeze %dma_start3A_396 : memref<1x112x128xf32, #tpu.memory_space<hbm>> -> memref<112x128xf32, #tpu.memory_space<hbm>>
      %dma_start3A_398 = tpu.memref_slice %arg4[%select_n3A_363, %mul3A_391, %mul3A_395] : memref<384x224x224xf32, #tpu.memory_space<hbm>> -> memref<1x112x128xf32, #tpu.memory_space<hbm>>
      %dma_start3A_399 = tpu.memref_squeeze %dma_start3A_398 : memref<1x112x128xf32, #tpu.memory_space<hbm>> -> memref<112x128xf32, #tpu.memory_space<hbm>>
      tpu.enqueue_dma source(%arg8 : memref<112x128xf32, #tpu.memory_space<vmem>>) target(%dma_start3A_399 : memref<112x128xf32, #tpu.memory_space<hbm>>) target_semaphore(%arg13 : memref<!tpu.dma_semaphore, #tpu.memory_space<semaphore_mem>>)
      %lt3A = arith.constant 23 : i32
      %lt3A_400 = arith.cmpi slt, %scan3A_242, %lt3A : i32
      %convert_element_type3A_401 = arith.extui %lt3A_400 : i1 to i32
      %cond3A_402 = arith.constant 0 : i32
      %cond3A_403 = arith.cmpi ne, %convert_element_type3A_401, %cond3A_402 : i32
      scf.if %cond3A_403 {
        %add3A_570 = arith.constant 2 : i32
        %add3A_571 = arith.addi %add3A_247, %add3A_570 : i32
        %jit3A_572 = arith.constant 4 : i32
        %div3A_573 = arith.divsi %add3A_571, %jit3A_572 : i32
        %sign3A_574 = arith.constant 0 : i32
        %sign3A_575 = arith.cmpi sgt, %add3A_571, %sign3A_574 : i32
        %sign3A_576 = arith.extui %sign3A_575 : i1 to i32
        %sign3A_577 = arith.constant 0 : i32
        %sign3A_578 = arith.cmpi slt, %add3A_571, %sign3A_577 : i32
        %sign3A_579 = arith.extui %sign3A_578 : i1 to i32
        %sign3A_580 = arith.subi %sign3A_576, %sign3A_579 : i32
        %sign3A_581 = arith.constant 0 : i32
        %sign3A_582 = arith.cmpi sgt, %jit3A_572, %sign3A_581 : i32
        %sign3A_583 = arith.extui %sign3A_582 : i1 to i32
        %sign3A_584 = arith.constant 0 : i32
        %sign3A_585 = arith.cmpi slt, %jit3A_572, %sign3A_584 : i32
        %sign3A_586 = arith.extui %sign3A_585 : i1 to i32
        %sign3A_587 = arith.subi %sign3A_583, %sign3A_586 : i32
        %ne3A_588 = arith.cmpi ne, %sign3A_580, %sign3A_587 : i32
        %rem3A_589 = arith.remsi %add3A_571, %jit3A_572 : i32
        %ne3A_590 = arith.constant 0 : i32
        %ne3A_591 = arith.cmpi ne, %rem3A_589, %ne3A_590 : i32
        %and3A_592 = arith.andi %ne3A_588, %ne3A_591 : i1
        %sub3A_593 = arith.constant 1 : i32
        %sub3A_594 = arith.subi %div3A_573, %sub3A_593 : i32
        %select_n3A_595 = arith.select %and3A_592, %sub3A_594, %div3A_573 : i32
        %rem3A_596 = arith.constant 4 : i32
        %rem3A_597 = arith.remsi %add3A_571, %rem3A_596 : i32
        %jit3A_598 = arith.constant 2 : i32
        %div3A_599 = arith.divsi %rem3A_597, %jit3A_598 : i32
        %sign3A_600 = arith.constant 0 : i32
        %sign3A_601 = arith.cmpi sgt, %rem3A_597, %sign3A_600 : i32
        %sign3A_602 = arith.extui %sign3A_601 : i1 to i32
        %sign3A_603 = arith.constant 0 : i32
        %sign3A_604 = arith.cmpi slt, %rem3A_597, %sign3A_603 : i32
        %sign3A_605 = arith.extui %sign3A_604 : i1 to i32
        %sign3A_606 = arith.subi %sign3A_602, %sign3A_605 : i32
        %sign3A_607 = arith.constant 0 : i32
        %sign3A_608 = arith.cmpi sgt, %jit3A_598, %sign3A_607 : i32
        %sign3A_609 = arith.extui %sign3A_608 : i1 to i32
        %sign3A_610 = arith.constant 0 : i32
        %sign3A_611 = arith.cmpi slt, %jit3A_598, %sign3A_610 : i32
        %sign3A_612 = arith.extui %sign3A_611 : i1 to i32
        %sign3A_613 = arith.subi %sign3A_609, %sign3A_612 : i32
        %ne3A_614 = arith.cmpi ne, %sign3A_606, %sign3A_613 : i32
        %rem3A_615 = arith.remsi %rem3A_597, %jit3A_598 : i32
        %ne3A_616 = arith.constant 0 : i32
        %ne3A_617 = arith.cmpi ne, %rem3A_615, %ne3A_616 : i32
        %and3A_618 = arith.andi %ne3A_614, %ne3A_617 : i1
        %sub3A_619 = arith.constant 1 : i32
        %sub3A_620 = arith.subi %div3A_599, %sub3A_619 : i32
        %select_n3A_621 = arith.select %and3A_618, %sub3A_620, %div3A_599 : i32
        %mul3A_622 = arith.constant 112 : i32
        %mul3A_623 = arith.muli %select_n3A_621, %mul3A_622 : i32
        %rem3A_624 = arith.constant 2 : i32
        %rem3A_625 = arith.remsi %rem3A_597, %rem3A_624 : i32
        %mul3A_626 = arith.constant 128 : i32
        %mul3A_627 = arith.muli %rem3A_625, %mul3A_626 : i32
        %dma_start3A_628 = tpu.memref_slice %arg3[%select_n3A_595, %mul3A_623, %mul3A_627] : memref<384x224x224xf32, #tpu.memory_space<hbm>> -> memref<1x112x128xf32, #tpu.memory_space<hbm>>
        %dma_start3A_629 = tpu.memref_squeeze %dma_start3A_628 : memref<1x112x128xf32, #tpu.memory_space<hbm>> -> memref<112x128xf32, #tpu.memory_space<hbm>>
        %dma_start3A_630 = tpu.memref_slice %arg3[%select_n3A_595, %mul3A_623, %mul3A_627] : memref<384x224x224xf32, #tpu.memory_space<hbm>> -> memref<1x112x128xf32, #tpu.memory_space<hbm>>
        %dma_start3A_631 = tpu.memref_squeeze %dma_start3A_630 : memref<1x112x128xf32, #tpu.memory_space<hbm>> -> memref<112x128xf32, #tpu.memory_space<hbm>>
        tpu.enqueue_dma source(%dma_start3A_631 : memref<112x128xf32, #tpu.memory_space<hbm>>) target(%arg6 : memref<112x128xf32, #tpu.memory_space<vmem>>) target_semaphore(%arg11 : memref<!tpu.dma_semaphore, #tpu.memory_space<semaphore_mem>>)
      } else {
      }
      %mul3A_404 = arith.constant 2 : i32
      %mul3A_405 = arith.muli %scan3A_242, %mul3A_404 : i32
      %add3A_406 = arith.addi %mul3A_2, %mul3A_405 : i32
      %add3A_407 = arith.constant 1 : i32
      %add3A_408 = arith.addi %add3A_406, %add3A_407 : i32
      %jit3A_409 = arith.constant 4 : i32
      %div3A_410 = arith.divsi %add3A_408, %jit3A_409 : i32
      %sign3A_411 = arith.constant 0 : i32
      %sign3A_412 = arith.cmpi sgt, %add3A_408, %sign3A_411 : i32
      %sign3A_413 = arith.extui %sign3A_412 : i1 to i32
      %sign3A_414 = arith.constant 0 : i32
      %sign3A_415 = arith.cmpi slt, %add3A_408, %sign3A_414 : i32
      %sign3A_416 = arith.extui %sign3A_415 : i1 to i32
      %sign3A_417 = arith.subi %sign3A_413, %sign3A_416 : i32
      %sign3A_418 = arith.constant 0 : i32
      %sign3A_419 = arith.cmpi sgt, %jit3A_409, %sign3A_418 : i32
      %sign3A_420 = arith.extui %sign3A_419 : i1 to i32
      %sign3A_421 = arith.constant 0 : i32
      %sign3A_422 = arith.cmpi slt, %jit3A_409, %sign3A_421 : i32
      %sign3A_423 = arith.extui %sign3A_422 : i1 to i32
      %sign3A_424 = arith.subi %sign3A_420, %sign3A_423 : i32
      %ne3A_425 = arith.cmpi ne, %sign3A_417, %sign3A_424 : i32
      %rem3A_426 = arith.remsi %add3A_408, %jit3A_409 : i32
      %ne3A_427 = arith.constant 0 : i32
      %ne3A_428 = arith.cmpi ne, %rem3A_426, %ne3A_427 : i32
      %and3A_429 = arith.andi %ne3A_425, %ne3A_428 : i1
      %sub3A_430 = arith.constant 1 : i32
      %sub3A_431 = arith.subi %div3A_410, %sub3A_430 : i32
      %select_n3A_432 = arith.select %and3A_429, %sub3A_431, %div3A_410 : i32
      %rem3A_433 = arith.constant 192 : i32
      %rem3A_434 = arith.remsi %select_n3A_432, %rem3A_433 : i32
      %mul3A_435 = arith.constant 256 : i32
      %mul3A_436 = arith.muli %rem3A_434, %mul3A_435 : i32
      %jit3A_437 = arith.constant 4 : i32
      %div3A_438 = arith.divsi %mul3A_2, %jit3A_437 : i32
      %sign3A_439 = arith.constant 0 : i32
      %sign3A_440 = arith.cmpi sgt, %mul3A_2, %sign3A_439 : i32
      %sign3A_441 = arith.extui %sign3A_440 : i1 to i32
      %sign3A_442 = arith.constant 0 : i32
      %sign3A_443 = arith.cmpi slt, %mul3A_2, %sign3A_442 : i32
      %sign3A_444 = arith.extui %sign3A_443 : i1 to i32
      %sign3A_445 = arith.subi %sign3A_441, %sign3A_444 : i32
      %sign3A_446 = arith.constant 0 : i32
      %sign3A_447 = arith.cmpi sgt, %jit3A_437, %sign3A_446 : i32
      %sign3A_448 = arith.extui %sign3A_447 : i1 to i32
      %sign3A_449 = arith.constant 0 : i32
      %sign3A_450 = arith.cmpi slt, %jit3A_437, %sign3A_449 : i32
      %sign3A_451 = arith.extui %sign3A_450 : i1 to i32
      %sign3A_452 = arith.subi %sign3A_448, %sign3A_451 : i32
      %ne3A_453 = arith.cmpi ne, %sign3A_445, %sign3A_452 : i32
      %rem3A_454 = arith.remsi %mul3A_2, %jit3A_437 : i32
      %ne3A_455 = arith.constant 0 : i32
      %ne3A_456 = arith.cmpi ne, %rem3A_454, %ne3A_455 : i32
      %and3A_457 = arith.andi %ne3A_453, %ne3A_456 : i1
      %sub3A_458 = arith.constant 1 : i32
      %sub3A_459 = arith.subi %div3A_438, %sub3A_458 : i32
      %select_n3A_460 = arith.select %and3A_457, %sub3A_459, %div3A_438 : i32
      %rem3A_461 = arith.constant 4 : i32
      %rem3A_462 = arith.remsi %mul3A_2, %rem3A_461 : i32
      %jit3A_463 = arith.constant 2 : i32
      %div3A_464 = arith.divsi %rem3A_462, %jit3A_463 : i32
      %sign3A_465 = arith.constant 0 : i32
      %sign3A_466 = arith.cmpi sgt, %rem3A_462, %sign3A_465 : i32
      %sign3A_467 = arith.extui %sign3A_466 : i1 to i32
      %sign3A_468 = arith.constant 0 : i32
      %sign3A_469 = arith.cmpi slt, %rem3A_462, %sign3A_468 : i32
      %sign3A_470 = arith.extui %sign3A_469 : i1 to i32
      %sign3A_471 = arith.subi %sign3A_467, %sign3A_470 : i32
      %sign3A_472 = arith.constant 0 : i32
      %sign3A_473 = arith.cmpi sgt, %jit3A_463, %sign3A_472 : i32
      %sign3A_474 = arith.extui %sign3A_473 : i1 to i32
      %sign3A_475 = arith.constant 0 : i32
      %sign3A_476 = arith.cmpi slt, %jit3A_463, %sign3A_475 : i32
      %sign3A_477 = arith.extui %sign3A_476 : i1 to i32
      %sign3A_478 = arith.subi %sign3A_474, %sign3A_477 : i32
      %ne3A_479 = arith.cmpi ne, %sign3A_471, %sign3A_478 : i32
      %rem3A_480 = arith.remsi %rem3A_462, %jit3A_463 : i32
      %ne3A_481 = arith.constant 0 : i32
      %ne3A_482 = arith.cmpi ne, %rem3A_480, %ne3A_481 : i32
      %and3A_483 = arith.andi %ne3A_479, %ne3A_482 : i1
      %sub3A_484 = arith.constant 1 : i32
      %sub3A_485 = arith.subi %div3A_464, %sub3A_484 : i32
      %select_n3A_486 = arith.select %and3A_483, %sub3A_485, %div3A_464 : i32
      %mul3A_487 = arith.constant 112 : i32
      %mul3A_488 = arith.muli %select_n3A_486, %mul3A_487 : i32
      %rem3A_489 = arith.constant 2 : i32
      %rem3A_490 = arith.remsi %rem3A_462, %rem3A_489 : i32
      %mul3A_491 = arith.constant 128 : i32
      %mul3A_492 = arith.muli %rem3A_490, %mul3A_491 : i32
      %dma_wait3A_493 = tpu.memref_slice %arg3[%select_n3A_460, %mul3A_488, %mul3A_492] : memref<384x224x224xf32, #tpu.memory_space<hbm>> -> memref<1x112x128xf32, #tpu.memory_space<hbm>>
      %dma_wait3A_494 = tpu.memref_squeeze %dma_wait3A_493 : memref<1x112x128xf32, #tpu.memory_space<hbm>> -> memref<112x128xf32, #tpu.memory_space<hbm>>
      %dma_wait3A_495 = tpu.memref_slice %arg3[%select_n3A_460, %mul3A_488, %mul3A_492] : memref<384x224x224xf32, #tpu.memory_space<hbm>> -> memref<1x112x128xf32, #tpu.memory_space<hbm>>
      %dma_wait3A_496 = tpu.memref_squeeze %dma_wait3A_495 : memref<1x112x128xf32, #tpu.memory_space<hbm>> -> memref<112x128xf32, #tpu.memory_space<hbm>>
      tpu.wait_dma2 semaphore(%arg12 : memref<!tpu.dma_semaphore, #tpu.memory_space<semaphore_mem>>) src(%dma_wait3A_496 : memref<112x128xf32, #tpu.memory_space<hbm>>) dst(%arg7 : memref<112x128xf32, #tpu.memory_space<vmem>>)
      %gt3A_497 = arith.constant 0 : i32
      %gt3A_498 = arith.cmpi sgt, %scan3A_242, %gt3A_497 : i32
      %convert_element_type3A_499 = arith.extui %gt3A_498 : i1 to i32
      %cond3A_500 = arith.constant 0 : i32
      %cond3A_501 = arith.cmpi ne, %convert_element_type3A_499, %cond3A_500 : i32
      scf.if %cond3A_501 {
        %jit3A_570 = arith.constant 4 : i32
        %div3A_571 = arith.divsi %mul3A_2, %jit3A_570 : i32
        %sign3A_572 = arith.constant 0 : i32
        %sign3A_573 = arith.cmpi sgt, %mul3A_2, %sign3A_572 : i32
        %sign3A_574 = arith.extui %sign3A_573 : i1 to i32
        %sign3A_575 = arith.constant 0 : i32
        %sign3A_576 = arith.cmpi slt, %mul3A_2, %sign3A_575 : i32
        %sign3A_577 = arith.extui %sign3A_576 : i1 to i32
        %sign3A_578 = arith.subi %sign3A_574, %sign3A_577 : i32
        %sign3A_579 = arith.constant 0 : i32
        %sign3A_580 = arith.cmpi sgt, %jit3A_570, %sign3A_579 : i32
        %sign3A_581 = arith.extui %sign3A_580 : i1 to i32
        %sign3A_582 = arith.constant 0 : i32
        %sign3A_583 = arith.cmpi slt, %jit3A_570, %sign3A_582 : i32
        %sign3A_584 = arith.extui %sign3A_583 : i1 to i32
        %sign3A_585 = arith.subi %sign3A_581, %sign3A_584 : i32
        %ne3A_586 = arith.cmpi ne, %sign3A_578, %sign3A_585 : i32
        %rem3A_587 = arith.remsi %mul3A_2, %jit3A_570 : i32
        %ne3A_588 = arith.constant 0 : i32
        %ne3A_589 = arith.cmpi ne, %rem3A_587, %ne3A_588 : i32
        %and3A_590 = arith.andi %ne3A_586, %ne3A_589 : i1
        %sub3A_591 = arith.constant 1 : i32
        %sub3A_592 = arith.subi %div3A_571, %sub3A_591 : i32
        %select_n3A_593 = arith.select %and3A_590, %sub3A_592, %div3A_571 : i32
        %rem3A_594 = arith.constant 4 : i32
        %rem3A_595 = arith.remsi %mul3A_2, %rem3A_594 : i32
        %jit3A_596 = arith.constant 2 : i32
        %div3A_597 = arith.divsi %rem3A_595, %jit3A_596 : i32
        %sign3A_598 = arith.constant 0 : i32
        %sign3A_599 = arith.cmpi sgt, %rem3A_595, %sign3A_598 : i32
        %sign3A_600 = arith.extui %sign3A_599 : i1 to i32
        %sign3A_601 = arith.constant 0 : i32
        %sign3A_602 = arith.cmpi slt, %rem3A_595, %sign3A_601 : i32
        %sign3A_603 = arith.extui %sign3A_602 : i1 to i32
        %sign3A_604 = arith.subi %sign3A_600, %sign3A_603 : i32
        %sign3A_605 = arith.constant 0 : i32
        %sign3A_606 = arith.cmpi sgt, %jit3A_596, %sign3A_605 : i32
        %sign3A_607 = arith.extui %sign3A_606 : i1 to i32
        %sign3A_608 = arith.constant 0 : i32
        %sign3A_609 = arith.cmpi slt, %jit3A_596, %sign3A_608 : i32
        %sign3A_610 = arith.extui %sign3A_609 : i1 to i32
        %sign3A_611 = arith.subi %sign3A_607, %sign3A_610 : i32
        %ne3A_612 = arith.cmpi ne, %sign3A_604, %sign3A_611 : i32
        %rem3A_613 = arith.remsi %rem3A_595, %jit3A_596 : i32
        %ne3A_614 = arith.constant 0 : i32
        %ne3A_615 = arith.cmpi ne, %rem3A_613, %ne3A_614 : i32
        %and3A_616 = arith.andi %ne3A_612, %ne3A_615 : i1
        %sub3A_617 = arith.constant 1 : i32
        %sub3A_618 = arith.subi %div3A_597, %sub3A_617 : i32
        %select_n3A_619 = arith.select %and3A_616, %sub3A_618, %div3A_597 : i32
        %mul3A_620 = arith.constant 112 : i32
        %mul3A_621 = arith.muli %select_n3A_619, %mul3A_620 : i32
        %rem3A_622 = arith.constant 2 : i32
        %rem3A_623 = arith.remsi %rem3A_595, %rem3A_622 : i32
        %mul3A_624 = arith.constant 128 : i32
        %mul3A_625 = arith.muli %rem3A_623, %mul3A_624 : i32
        %dma_wait3A_626 = tpu.memref_slice %arg4[%select_n3A_593, %mul3A_621, %mul3A_625] : memref<384x224x224xf32, #tpu.memory_space<hbm>> -> memref<1x112x128xf32, #tpu.memory_space<hbm>>
        %dma_wait3A_627 = tpu.memref_squeeze %dma_wait3A_626 : memref<1x112x128xf32, #tpu.memory_space<hbm>> -> memref<112x128xf32, #tpu.memory_space<hbm>>
        %dma_wait3A_628 = tpu.memref_slice %arg4[%select_n3A_593, %mul3A_621, %mul3A_625] : memref<384x224x224xf32, #tpu.memory_space<hbm>> -> memref<1x112x128xf32, #tpu.memory_space<hbm>>
        %dma_wait3A_629 = tpu.memref_squeeze %dma_wait3A_628 : memref<1x112x128xf32, #tpu.memory_space<hbm>> -> memref<112x128xf32, #tpu.memory_space<hbm>>
        tpu.wait_dma2 semaphore(%arg14 : memref<!tpu.dma_semaphore, #tpu.memory_space<semaphore_mem>>) src(%arg9 : memref<112x128xf32, #tpu.memory_space<vmem>>) dst(%dma_wait3A_629 : memref<112x128xf32, #tpu.memory_space<hbm>>)
      } else {
      }
      %parallel_loop3A_502 = arith.constant 0 : i32
      %parallel_loop3A_503 = arith.constant 112 : i32
      %parallel_loop3A_504 = arith.constant 1 : i32
      scf.for %parallel_loop3A_570 = %parallel_loop3A_502 to %parallel_loop3A_503 step %parallel_loop3A_504  : i32 {
        %parallel_loop3A_571 = arith.index_cast %parallel_loop3A_570 : i32 to index
        %parallel_loop3A_572 = arith.constant 0 : index
        %parallel_loop3A_573 = tpu.vector_load %arg7[%parallel_loop3A_571, %parallel_loop3A_572] {strides = array<i32>} : memref<112x128xf32, #tpu.memory_space<vmem>>, vector<16xf32>,
        %parallel_loop3A_574 = arith.constant 31.8749981 : f32
        %parallel_loop3A_575 = vector.broadcast %parallel_loop3A_574 : f32 to vector<16xf32>
        %parallel_loop3A_576 = arith.mulf %parallel_loop3A_573, %parallel_loop3A_575 : vector<16xf32>
        %parallel_loop3A_577 = arith.constant 1.275000e+02 : f32
        %parallel_loop3A_578 = vector.broadcast %parallel_loop3A_577 : f32 to vector<16xf32>
        %parallel_loop3A_579 = arith.addf %parallel_loop3A_576, %parallel_loop3A_578 : vector<16xf32>
        %parallel_loop3A_580 = arith.constant 0.000000e+00 : f32
        %parallel_loop3A_581 = vector.broadcast %parallel_loop3A_580 : f32 to vector<16xf32>
        %parallel_loop3A_582 = arith.maximumf %parallel_loop3A_579, %parallel_loop3A_581 : vector<16xf32>
        %parallel_loop3A_583 = arith.constant 253.999985 : f32
        %parallel_loop3A_584 = vector.broadcast %parallel_loop3A_583 : f32 to vector<16xf32>
        %parallel_loop3A_585 = arith.minimumf %parallel_loop3A_582, %parallel_loop3A_584 : vector<16xf32>
        %parallel_loop3A_586 = arith.fptosi %parallel_loop3A_585 : vector<16xf32> to vector<16xi32>
        %parallel_loop3A_587 = arith.sitofp %parallel_loop3A_586 : vector<16xi32> to vector<16xf32>
        %parallel_loop3A_588 = arith.subf %parallel_loop3A_579, %parallel_loop3A_587 : vector<16xf32>
        %parallel_loop3A_589 = tpu.memref_slice %arg5[%mul3A_436] : memref<49152xf32, #tpu.memory_space<vmem>> -> memref<256xf32, #tpu.memory_space<vmem>>
        %parallel_loop3A_590 = tpu.vector_load_idx %parallel_loop3A_589[%parallel_loop3A_586] : memref<256xf32, #tpu.memory_space<vmem>>[vector<16xi32>], vector<16xf32>,
        %parallel_loop3A_591 = arith.constant 1 : i32
        %parallel_loop3A_592 = vector.broadcast %parallel_loop3A_591 : i32 to vector<16xi32>
        %parallel_loop3A_593 = arith.addi %parallel_loop3A_586, %parallel_loop3A_592 : vector<16xi32>
        %parallel_loop3A_594 = tpu.memref_slice %arg5[%mul3A_436] : memref<49152xf32, #tpu.memory_space<vmem>> -> memref<256xf32, #tpu.memory_space<vmem>>
        %parallel_loop3A_595 = tpu.vector_load_idx %parallel_loop3A_594[%parallel_loop3A_593] : memref<256xf32, #tpu.memory_space<vmem>>[vector<16xi32>], vector<16xf32>,
        %parallel_loop3A_596 = arith.subf %parallel_loop3A_595, %parallel_loop3A_590 : vector<16xf32>
        %parallel_loop3A_597 = arith.mulf %parallel_loop3A_588, %parallel_loop3A_596 : vector<16xf32>
        %parallel_loop3A_598 = arith.addf %parallel_loop3A_590, %parallel_loop3A_597 : vector<16xf32>
        %parallel_loop3A_599 = arith.index_cast %parallel_loop3A_570 : i32 to index
        %parallel_loop3A_600 = arith.constant 0 : index
        %parallel_loop3A_601 = tpu.vector_load %arg9[%parallel_loop3A_599, %parallel_loop3A_600] {strides = array<i32>} : memref<112x128xf32, #tpu.memory_space<vmem>>, vector<16xf32>,
        tpu.vector_store %arg9[%parallel_loop3A_599, %parallel_loop3A_600], %parallel_loop3A_598 {strides = array<i32>} : memref<112x128xf32, #tpu.memory_space<vmem>>, vector<16xf32>,
        %parallel_loop3A_602 = arith.index_cast %parallel_loop3A_570 : i32 to index
        %parallel_loop3A_603 = arith.constant 16 : index
        %parallel_loop3A_604 = tpu.vector_load %arg7[%parallel_loop3A_602, %parallel_loop3A_603] {strides = array<i32>} : memref<112x128xf32, #tpu.memory_space<vmem>>, vector<16xf32>,
        %parallel_loop3A_605 = arith.constant 31.8749981 : f32
        %parallel_loop3A_606 = vector.broadcast %parallel_loop3A_605 : f32 to vector<16xf32>
        %parallel_loop3A_607 = arith.mulf %parallel_loop3A_604, %parallel_loop3A_606 : vector<16xf32>
        %parallel_loop3A_608 = arith.constant 1.275000e+02 : f32
        %parallel_loop3A_609 = vector.broadcast %parallel_loop3A_608 : f32 to vector<16xf32>
        %parallel_loop3A_610 = arith.addf %parallel_loop3A_607, %parallel_loop3A_609 : vector<16xf32>
        %parallel_loop3A_611 = arith.constant 0.000000e+00 : f32
        %parallel_loop3A_612 = vector.broadcast %parallel_loop3A_611 : f32 to vector<16xf32>
        %parallel_loop3A_613 = arith.maximumf %parallel_loop3A_610, %parallel_loop3A_612 : vector<16xf32>
        %parallel_loop3A_614 = arith.constant 253.999985 : f32
        %parallel_loop3A_615 = vector.broadcast %parallel_loop3A_614 : f32 to vector<16xf32>
        %parallel_loop3A_616 = arith.minimumf %parallel_loop3A_613, %parallel_loop3A_615 : vector<16xf32>
        %parallel_loop3A_617 = arith.fptosi %parallel_loop3A_616 : vector<16xf32> to vector<16xi32>
        %parallel_loop3A_618 = arith.sitofp %parallel_loop3A_617 : vector<16xi32> to vector<16xf32>
        %parallel_loop3A_619 = arith.subf %parallel_loop3A_610, %parallel_loop3A_618 : vector<16xf32>
        %parallel_loop3A_620 = tpu.memref_slice %arg5[%mul3A_436] : memref<49152xf32, #tpu.memory_space<vmem>> -> memref<256xf32, #tpu.memory_space<vmem>>
        %parallel_loop3A_621 = tpu.vector_load_idx %parallel_loop3A_620[%parallel_loop3A_617] : memref<256xf32, #tpu.memory_space<vmem>>[vector<16xi32>], vector<16xf32>,
        %parallel_loop3A_622 = arith.constant 1 : i32
        %parallel_loop3A_623 = vector.broadcast %parallel_loop3A_622 : i32 to vector<16xi32>
        %parallel_loop3A_624 = arith.addi %parallel_loop3A_617, %parallel_loop3A_623 : vector<16xi32>
        %parallel_loop3A_625 = tpu.memref_slice %arg5[%mul3A_436] : memref<49152xf32, #tpu.memory_space<vmem>> -> memref<256xf32, #tpu.memory_space<vmem>>
        %parallel_loop3A_626 = tpu.vector_load_idx %parallel_loop3A_625[%parallel_loop3A_624] : memref<256xf32, #tpu.memory_space<vmem>>[vector<16xi32>], vector<16xf32>,
        %parallel_loop3A_627 = arith.subf %parallel_loop3A_626, %parallel_loop3A_621 : vector<16xf32>
        %parallel_loop3A_628 = arith.mulf %parallel_loop3A_619, %parallel_loop3A_627 : vector<16xf32>
        %parallel_loop3A_629 = arith.addf %parallel_loop3A_621, %parallel_loop3A_628 : vector<16xf32>
        %parallel_loop3A_630 = arith.index_cast %parallel_loop3A_570 : i32 to index
        %parallel_loop3A_631 = arith.constant 16 : index
        %parallel_loop3A_632 = tpu.vector_load %arg9[%parallel_loop3A_630, %parallel_loop3A_631] {strides = array<i32>} : memref<112x128xf32, #tpu.memory_space<vmem>>, vector<16xf32>,
        tpu.vector_store %arg9[%parallel_loop3A_630, %parallel_loop3A_631], %parallel_loop3A_629 {strides = array<i32>} : memref<112x128xf32, #tpu.memory_space<vmem>>, vector<16xf32>,
        %parallel_loop3A_633 = arith.index_cast %parallel_loop3A_570 : i32 to index
        %parallel_loop3A_634 = arith.constant 32 : index
        %parallel_loop3A_635 = tpu.vector_load %arg7[%parallel_loop3A_633, %parallel_loop3A_634] {strides = array<i32>} : memref<112x128xf32, #tpu.memory_space<vmem>>, vector<16xf32>,
        %parallel_loop3A_636 = arith.constant 31.8749981 : f32
        %parallel_loop3A_637 = vector.broadcast %parallel_loop3A_636 : f32 to vector<16xf32>
        %parallel_loop3A_638 = arith.mulf %parallel_loop3A_635, %parallel_loop3A_637 : vector<16xf32>
        %parallel_loop3A_639 = arith.constant 1.275000e+02 : f32
        %parallel_loop3A_640 = vector.broadcast %parallel_loop3A_639 : f32 to vector<16xf32>
        %parallel_loop3A_641 = arith.addf %parallel_loop3A_638, %parallel_loop3A_640 : vector<16xf32>
        %parallel_loop3A_642 = arith.constant 0.000000e+00 : f32
        %parallel_loop3A_643 = vector.broadcast %parallel_loop3A_642 : f32 to vector<16xf32>
        %parallel_loop3A_644 = arith.maximumf %parallel_loop3A_641, %parallel_loop3A_643 : vector<16xf32>
        %parallel_loop3A_645 = arith.constant 253.999985 : f32
        %parallel_loop3A_646 = vector.broadcast %parallel_loop3A_645 : f32 to vector<16xf32>
        %parallel_loop3A_647 = arith.minimumf %parallel_loop3A_644, %parallel_loop3A_646 : vector<16xf32>
        %parallel_loop3A_648 = arith.fptosi %parallel_loop3A_647 : vector<16xf32> to vector<16xi32>
        %parallel_loop3A_649 = arith.sitofp %parallel_loop3A_648 : vector<16xi32> to vector<16xf32>
        %parallel_loop3A_650 = arith.subf %parallel_loop3A_641, %parallel_loop3A_649 : vector<16xf32>
        %parallel_loop3A_651 = tpu.memref_slice %arg5[%mul3A_436] : memref<49152xf32, #tpu.memory_space<vmem>> -> memref<256xf32, #tpu.memory_space<vmem>>
        %parallel_loop3A_652 = tpu.vector_load_idx %parallel_loop3A_651[%parallel_loop3A_648] : memref<256xf32, #tpu.memory_space<vmem>>[vector<16xi32>], vector<16xf32>,
        %parallel_loop3A_653 = arith.constant 1 : i32
        %parallel_loop3A_654 = vector.broadcast %parallel_loop3A_653 : i32 to vector<16xi32>
        %parallel_loop3A_655 = arith.addi %parallel_loop3A_648, %parallel_loop3A_654 : vector<16xi32>
        %parallel_loop3A_656 = tpu.memref_slice %arg5[%mul3A_436] : memref<49152xf32, #tpu.memory_space<vmem>> -> memref<256xf32, #tpu.memory_space<vmem>>
        %parallel_loop3A_657 = tpu.vector_load_idx %parallel_loop3A_656[%parallel_loop3A_655] : memref<256xf32, #tpu.memory_space<vmem>>[vector<16xi32>], vector<16xf32>,
        %parallel_loop3A_658 = arith.subf %parallel_loop3A_657, %parallel_loop3A_652 : vector<16xf32>
        %parallel_loop3A_659 = arith.mulf %parallel_loop3A_650, %parallel_loop3A_658 : vector<16xf32>
        %parallel_loop3A_660 = arith.addf %parallel_loop3A_652, %parallel_loop3A_659 : vector<16xf32>
        %parallel_loop3A_661 = arith.index_cast %parallel_loop3A_570 : i32 to index
        %parallel_loop3A_662 = arith.constant 32 : index
        %parallel_loop3A_663 = tpu.vector_load %arg9[%parallel_loop3A_661, %parallel_loop3A_662] {strides = array<i32>} : memref<112x128xf32, #tpu.memory_space<vmem>>, vector<16xf32>,
        tpu.vector_store %arg9[%parallel_loop3A_661, %parallel_loop3A_662], %parallel_loop3A_660 {strides = array<i32>} : memref<112x128xf32, #tpu.memory_space<vmem>>, vector<16xf32>,
        %parallel_loop3A_664 = arith.index_cast %parallel_loop3A_570 : i32 to index
        %parallel_loop3A_665 = arith.constant 48 : index
        %parallel_loop3A_666 = tpu.vector_load %arg7[%parallel_loop3A_664, %parallel_loop3A_665] {strides = array<i32>} : memref<112x128xf32, #tpu.memory_space<vmem>>, vector<16xf32>,
        %parallel_loop3A_667 = arith.constant 31.8749981 : f32
        %parallel_loop3A_668 = vector.broadcast %parallel_loop3A_667 : f32 to vector<16xf32>
        %parallel_loop3A_669 = arith.mulf %parallel_loop3A_666, %parallel_loop3A_668 : vector<16xf32>
        %parallel_loop3A_670 = arith.constant 1.275000e+02 : f32
        %parallel_loop3A_671 = vector.broadcast %parallel_loop3A_670 : f32 to vector<16xf32>
        %parallel_loop3A_672 = arith.addf %parallel_loop3A_669, %parallel_loop3A_671 : vector<16xf32>
        %parallel_loop3A_673 = arith.constant 0.000000e+00 : f32
        %parallel_loop3A_674 = vector.broadcast %parallel_loop3A_673 : f32 to vector<16xf32>
        %parallel_loop3A_675 = arith.maximumf %parallel_loop3A_672, %parallel_loop3A_674 : vector<16xf32>
        %parallel_loop3A_676 = arith.constant 253.999985 : f32
        %parallel_loop3A_677 = vector.broadcast %parallel_loop3A_676 : f32 to vector<16xf32>
        %parallel_loop3A_678 = arith.minimumf %parallel_loop3A_675, %parallel_loop3A_677 : vector<16xf32>
        %parallel_loop3A_679 = arith.fptosi %parallel_loop3A_678 : vector<16xf32> to vector<16xi32>
        %parallel_loop3A_680 = arith.sitofp %parallel_loop3A_679 : vector<16xi32> to vector<16xf32>
        %parallel_loop3A_681 = arith.subf %parallel_loop3A_672, %parallel_loop3A_680 : vector<16xf32>
        %parallel_loop3A_682 = tpu.memref_slice %arg5[%mul3A_436] : memref<49152xf32, #tpu.memory_space<vmem>> -> memref<256xf32, #tpu.memory_space<vmem>>
        %parallel_loop3A_683 = tpu.vector_load_idx %parallel_loop3A_682[%parallel_loop3A_679] : memref<256xf32, #tpu.memory_space<vmem>>[vector<16xi32>], vector<16xf32>,
        %parallel_loop3A_684 = arith.constant 1 : i32
        %parallel_loop3A_685 = vector.broadcast %parallel_loop3A_684 : i32 to vector<16xi32>
        %parallel_loop3A_686 = arith.addi %parallel_loop3A_679, %parallel_loop3A_685 : vector<16xi32>
        %parallel_loop3A_687 = tpu.memref_slice %arg5[%mul3A_436] : memref<49152xf32, #tpu.memory_space<vmem>> -> memref<256xf32, #tpu.memory_space<vmem>>
        %parallel_loop3A_688 = tpu.vector_load_idx %parallel_loop3A_687[%parallel_loop3A_686] : memref<256xf32, #tpu.memory_space<vmem>>[vector<16xi32>], vector<16xf32>,
        %parallel_loop3A_689 = arith.subf %parallel_loop3A_688, %parallel_loop3A_683 : vector<16xf32>
        %parallel_loop3A_690 = arith.mulf %parallel_loop3A_681, %parallel_loop3A_689 : vector<16xf32>
        %parallel_loop3A_691 = arith.addf %parallel_loop3A_683, %parallel_loop3A_690 : vector<16xf32>
        %parallel_loop3A_692 = arith.index_cast %parallel_loop3A_570 : i32 to index
        %parallel_loop3A_693 = arith.constant 48 : index
        %parallel_loop3A_694 = tpu.vector_load %arg9[%parallel_loop3A_692, %parallel_loop3A_693] {strides = array<i32>} : memref<112x128xf32, #tpu.memory_space<vmem>>, vector<16xf32>,
        tpu.vector_store %arg9[%parallel_loop3A_692, %parallel_loop3A_693], %parallel_loop3A_691 {strides = array<i32>} : memref<112x128xf32, #tpu.memory_space<vmem>>, vector<16xf32>,
        %parallel_loop3A_695 = arith.index_cast %parallel_loop3A_570 : i32 to index
        %parallel_loop3A_696 = arith.constant 64 : index
        %parallel_loop3A_697 = tpu.vector_load %arg7[%parallel_loop3A_695, %parallel_loop3A_696] {strides = array<i32>} : memref<112x128xf32, #tpu.memory_space<vmem>>, vector<16xf32>,
        %parallel_loop3A_698 = arith.constant 31.8749981 : f32
        %parallel_loop3A_699 = vector.broadcast %parallel_loop3A_698 : f32 to vector<16xf32>
        %parallel_loop3A_700 = arith.mulf %parallel_loop3A_697, %parallel_loop3A_699 : vector<16xf32>
        %parallel_loop3A_701 = arith.constant 1.275000e+02 : f32
        %parallel_loop3A_702 = vector.broadcast %parallel_loop3A_701 : f32 to vector<16xf32>
        %parallel_loop3A_703 = arith.addf %parallel_loop3A_700, %parallel_loop3A_702 : vector<16xf32>
        %parallel_loop3A_704 = arith.constant 0.000000e+00 : f32
        %parallel_loop3A_705 = vector.broadcast %parallel_loop3A_704 : f32 to vector<16xf32>
        %parallel_loop3A_706 = arith.maximumf %parallel_loop3A_703, %parallel_loop3A_705 : vector<16xf32>
        %parallel_loop3A_707 = arith.constant 253.999985 : f32
        %parallel_loop3A_708 = vector.broadcast %parallel_loop3A_707 : f32 to vector<16xf32>
        %parallel_loop3A_709 = arith.minimumf %parallel_loop3A_706, %parallel_loop3A_708 : vector<16xf32>
        %parallel_loop3A_710 = arith.fptosi %parallel_loop3A_709 : vector<16xf32> to vector<16xi32>
        %parallel_loop3A_711 = arith.sitofp %parallel_loop3A_710 : vector<16xi32> to vector<16xf32>
        %parallel_loop3A_712 = arith.subf %parallel_loop3A_703, %parallel_loop3A_711 : vector<16xf32>
        %parallel_loop3A_713 = tpu.memref_slice %arg5[%mul3A_436] : memref<49152xf32, #tpu.memory_space<vmem>> -> memref<256xf32, #tpu.memory_space<vmem>>
        %parallel_loop3A_714 = tpu.vector_load_idx %parallel_loop3A_713[%parallel_loop3A_710] : memref<256xf32, #tpu.memory_space<vmem>>[vector<16xi32>], vector<16xf32>,
        %parallel_loop3A_715 = arith.constant 1 : i32
        %parallel_loop3A_716 = vector.broadcast %parallel_loop3A_715 : i32 to vector<16xi32>
        %parallel_loop3A_717 = arith.addi %parallel_loop3A_710, %parallel_loop3A_716 : vector<16xi32>
        %parallel_loop3A_718 = tpu.memref_slice %arg5[%mul3A_436] : memref<49152xf32, #tpu.memory_space<vmem>> -> memref<256xf32, #tpu.memory_space<vmem>>
        %parallel_loop3A_719 = tpu.vector_load_idx %parallel_loop3A_718[%parallel_loop3A_717] : memref<256xf32, #tpu.memory_space<vmem>>[vector<16xi32>], vector<16xf32>,
        %parallel_loop3A_720 = arith.subf %parallel_loop3A_719, %parallel_loop3A_714 : vector<16xf32>
        %parallel_loop3A_721 = arith.mulf %parallel_loop3A_712, %parallel_loop3A_720 : vector<16xf32>
        %parallel_loop3A_722 = arith.addf %parallel_loop3A_714, %parallel_loop3A_721 : vector<16xf32>
        %parallel_loop3A_723 = arith.index_cast %parallel_loop3A_570 : i32 to index
        %parallel_loop3A_724 = arith.constant 64 : index
        %parallel_loop3A_725 = tpu.vector_load %arg9[%parallel_loop3A_723, %parallel_loop3A_724] {strides = array<i32>} : memref<112x128xf32, #tpu.memory_space<vmem>>, vector<16xf32>,
        tpu.vector_store %arg9[%parallel_loop3A_723, %parallel_loop3A_724], %parallel_loop3A_722 {strides = array<i32>} : memref<112x128xf32, #tpu.memory_space<vmem>>, vector<16xf32>,
        %parallel_loop3A_726 = arith.index_cast %parallel_loop3A_570 : i32 to index
        %parallel_loop3A_727 = arith.constant 80 : index
        %parallel_loop3A_728 = tpu.vector_load %arg7[%parallel_loop3A_726, %parallel_loop3A_727] {strides = array<i32>} : memref<112x128xf32, #tpu.memory_space<vmem>>, vector<16xf32>,
        %parallel_loop3A_729 = arith.constant 31.8749981 : f32
        %parallel_loop3A_730 = vector.broadcast %parallel_loop3A_729 : f32 to vector<16xf32>
        %parallel_loop3A_731 = arith.mulf %parallel_loop3A_728, %parallel_loop3A_730 : vector<16xf32>
        %parallel_loop3A_732 = arith.constant 1.275000e+02 : f32
        %parallel_loop3A_733 = vector.broadcast %parallel_loop3A_732 : f32 to vector<16xf32>
        %parallel_loop3A_734 = arith.addf %parallel_loop3A_731, %parallel_loop3A_733 : vector<16xf32>
        %parallel_loop3A_735 = arith.constant 0.000000e+00 : f32
        %parallel_loop3A_736 = vector.broadcast %parallel_loop3A_735 : f32 to vector<16xf32>
        %parallel_loop3A_737 = arith.maximumf %parallel_loop3A_734, %parallel_loop3A_736 : vector<16xf32>
        %parallel_loop3A_738 = arith.constant 253.999985 : f32
        %parallel_loop3A_739 = vector.broadcast %parallel_loop3A_738 : f32 to vector<16xf32>
        %parallel_loop3A_740 = arith.minimumf %parallel_loop3A_737, %parallel_loop3A_739 : vector<16xf32>
        %parallel_loop3A_741 = arith.fptosi %parallel_loop3A_740 : vector<16xf32> to vector<16xi32>
        %parallel_loop3A_742 = arith.sitofp %parallel_loop3A_741 : vector<16xi32> to vector<16xf32>
        %parallel_loop3A_743 = arith.subf %parallel_loop3A_734, %parallel_loop3A_742 : vector<16xf32>
        %parallel_loop3A_744 = tpu.memref_slice %arg5[%mul3A_436] : memref<49152xf32, #tpu.memory_space<vmem>> -> memref<256xf32, #tpu.memory_space<vmem>>
        %parallel_loop3A_745 = tpu.vector_load_idx %parallel_loop3A_744[%parallel_loop3A_741] : memref<256xf32, #tpu.memory_space<vmem>>[vector<16xi32>], vector<16xf32>,
        %parallel_loop3A_746 = arith.constant 1 : i32
        %parallel_loop3A_747 = vector.broadcast %parallel_loop3A_746 : i32 to vector<16xi32>
        %parallel_loop3A_748 = arith.addi %parallel_loop3A_741, %parallel_loop3A_747 : vector<16xi32>
        %parallel_loop3A_749 = tpu.memref_slice %arg5[%mul3A_436] : memref<49152xf32, #tpu.memory_space<vmem>> -> memref<256xf32, #tpu.memory_space<vmem>>
        %parallel_loop3A_750 = tpu.vector_load_idx %parallel_loop3A_749[%parallel_loop3A_748] : memref<256xf32, #tpu.memory_space<vmem>>[vector<16xi32>], vector<16xf32>,
        %parallel_loop3A_751 = arith.subf %parallel_loop3A_750, %parallel_loop3A_745 : vector<16xf32>
        %parallel_loop3A_752 = arith.mulf %parallel_loop3A_743, %parallel_loop3A_751 : vector<16xf32>
        %parallel_loop3A_753 = arith.addf %parallel_loop3A_745, %parallel_loop3A_752 : vector<16xf32>
        %parallel_loop3A_754 = arith.index_cast %parallel_loop3A_570 : i32 to index
        %parallel_loop3A_755 = arith.constant 80 : index
        %parallel_loop3A_756 = tpu.vector_load %arg9[%parallel_loop3A_754, %parallel_loop3A_755] {strides = array<i32>} : memref<112x128xf32, #tpu.memory_space<vmem>>, vector<16xf32>,
        tpu.vector_store %arg9[%parallel_loop3A_754, %parallel_loop3A_755], %parallel_loop3A_753 {strides = array<i32>} : memref<112x128xf32, #tpu.memory_space<vmem>>, vector<16xf32>,
      } {sc.loop_unroll_factor = 4 : i64, sc.parallel_access}
      %jit3A_505 = arith.constant 4 : i32
      %div3A_506 = arith.divsi %add3A_408, %jit3A_505 : i32
      %sign3A_507 = arith.constant 0 : i32
      %sign3A_508 = arith.cmpi sgt, %add3A_408, %sign3A_507 : i32
      %sign3A_509 = arith.extui %sign3A_508 : i1 to i32
      %sign3A_510 = arith.constant 0 : i32
      %sign3A_511 = arith.cmpi slt, %add3A_408, %sign3A_510 : i32
      %sign3A_512 = arith.extui %sign3A_511 : i1 to i32
      %sign3A_513 = arith.subi %sign3A_509, %sign3A_512 : i32
      %sign3A_514 = arith.constant 0 : i32
      %sign3A_515 = arith.cmpi sgt, %jit3A_505, %sign3A_514 : i32
      %sign3A_516 = arith.extui %sign3A_515 : i1 to i32
      %sign3A_517 = arith.constant 0 : i32
      %sign3A_518 = arith.cmpi slt, %jit3A_505, %sign3A_517 : i32
      %sign3A_519 = arith.extui %sign3A_518 : i1 to i32
      %sign3A_520 = arith.subi %sign3A_516, %sign3A_519 : i32
      %ne3A_521 = arith.cmpi ne, %sign3A_513, %sign3A_520 : i32
      %rem3A_522 = arith.remsi %add3A_408, %jit3A_505 : i32
      %ne3A_523 = arith.constant 0 : i32
      %ne3A_524 = arith.cmpi ne, %rem3A_522, %ne3A_523 : i32
      %and3A_525 = arith.andi %ne3A_521, %ne3A_524 : i1
      %sub3A_526 = arith.constant 1 : i32
      %sub3A_527 = arith.subi %div3A_506, %sub3A_526 : i32
      %select_n3A_528 = arith.select %and3A_525, %sub3A_527, %div3A_506 : i32
      %rem3A_529 = arith.constant 4 : i32
      %rem3A_530 = arith.remsi %add3A_408, %rem3A_529 : i32
      %jit3A_531 = arith.constant 2 : i32
      %div3A_532 = arith.divsi %rem3A_530, %jit3A_531 : i32
      %sign3A_533 = arith.constant 0 : i32
      %sign3A_534 = arith.cmpi sgt, %rem3A_530, %sign3A_533 : i32
      %sign3A_535 = arith.extui %sign3A_534 : i1 to i32
      %sign3A_536 = arith.constant 0 : i32
      %sign3A_537 = arith.cmpi slt, %rem3A_530, %sign3A_536 : i32
      %sign3A_538 = arith.extui %sign3A_537 : i1 to i32
      %sign3A_539 = arith.subi %sign3A_535, %sign3A_538 : i32
      %sign3A_540 = arith.constant 0 : i32
      %sign3A_541 = arith.cmpi sgt, %jit3A_531, %sign3A_540 : i32
      %sign3A_542 = arith.extui %sign3A_541 : i1 to i32
      %sign3A_543 = arith.constant 0 : i32
      %sign3A_544 = arith.cmpi slt, %jit3A_531, %sign3A_543 : i32
      %sign3A_545 = arith.extui %sign3A_544 : i1 to i32
      %sign3A_546 = arith.subi %sign3A_542, %sign3A_545 : i32
      %ne3A_547 = arith.cmpi ne, %sign3A_539, %sign3A_546 : i32
      %rem3A_548 = arith.remsi %rem3A_530, %jit3A_531 : i32
      %ne3A_549 = arith.constant 0 : i32
      %ne3A_550 = arith.cmpi ne, %rem3A_548, %ne3A_549 : i32
      %and3A_551 = arith.andi %ne3A_547, %ne3A_550 : i1
      %sub3A_552 = arith.constant 1 : i32
      %sub3A_553 = arith.subi %div3A_532, %sub3A_552 : i32
      %select_n3A_554 = arith.select %and3A_551, %sub3A_553, %div3A_532 : i32
      %mul3A_555 = arith.constant 112 : i32
      %mul3A_556 = arith.muli %select_n3A_554, %mul3A_555 : i32
      %rem3A_557 = arith.constant 2 : i32
      %rem3A_558 = arith.remsi %rem3A_530, %rem3A_557 : i32
      %mul3A_559 = arith.constant 128 : i32
      %mul3A_560 = arith.muli %rem3A_558, %mul3A_559 : i32
      %dma_start3A_561 = tpu.memref_slice %arg4[%select_n3A_528, %mul3A_556, %mul3A_560] : memref<384x224x224xf32, #tpu.memory_space<hbm>> -> memref<1x112x128xf32, #tpu.memory_space<hbm>>
      %dma_start3A_562 = tpu.memref_squeeze %dma_start3A_561 : memref<1x112x128xf32, #tpu.memory_space<hbm>> -> memref<112x128xf32, #tpu.memory_space<hbm>>
      %dma_start3A_563 = tpu.memref_slice %arg4[%select_n3A_528, %mul3A_556, %mul3A_560] : memref<384x224x224xf32, #tpu.memory_space<hbm>> -> memref<1x112x128xf32, #tpu.memory_space<hbm>>
      %dma_start3A_564 = tpu.memref_squeeze %dma_start3A_563 : memref<1x112x128xf32, #tpu.memory_space<hbm>> -> memref<112x128xf32, #tpu.memory_space<hbm>>
      tpu.enqueue_dma source(%arg9 : memref<112x128xf32, #tpu.memory_space<vmem>>) target(%dma_start3A_564 : memref<112x128xf32, #tpu.memory_space<hbm>>) target_semaphore(%arg14 : memref<!tpu.dma_semaphore, #tpu.memory_space<semaphore_mem>>)
      %lt3A_565 = arith.constant 23 : i32
      %lt3A_566 = arith.cmpi slt, %scan3A_242, %lt3A_565 : i32
      %convert_element_type3A_567 = arith.extui %lt3A_566 : i1 to i32
      %cond3A_568 = arith.constant 0 : i32
      %cond3A_569 = arith.cmpi ne, %convert_element_type3A_567, %cond3A_568 : i32
      scf.if %cond3A_569 {
        %add3A_570 = arith.constant 2 : i32
        %add3A_571 = arith.addi %add3A_408, %add3A_570 : i32
        %jit3A_572 = arith.constant 4 : i32
        %div3A_573 = arith.divsi %add3A_571, %jit3A_572 : i32
        %sign3A_574 = arith.constant 0 : i32
        %sign3A_575 = arith.cmpi sgt, %add3A_571, %sign3A_574 : i32
        %sign3A_576 = arith.extui %sign3A_575 : i1 to i32
        %sign3A_577 = arith.constant 0 : i32
        %sign3A_578 = arith.cmpi slt, %add3A_571, %sign3A_577 : i32
        %sign3A_579 = arith.extui %sign3A_578 : i1 to i32
        %sign3A_580 = arith.subi %sign3A_576, %sign3A_579 : i32
        %sign3A_581 = arith.constant 0 : i32
        %sign3A_582 = arith.cmpi sgt, %jit3A_572, %sign3A_581 : i32
        %sign3A_583 = arith.extui %sign3A_582 : i1 to i32
        %sign3A_584 = arith.constant 0 : i32
        %sign3A_585 = arith.cmpi slt, %jit3A_572, %sign3A_584 : i32
        %sign3A_586 = arith.extui %sign3A_585 : i1 to i32
        %sign3A_587 = arith.subi %sign3A_583, %sign3A_586 : i32
        %ne3A_588 = arith.cmpi ne, %sign3A_580, %sign3A_587 : i32
        %rem3A_589 = arith.remsi %add3A_571, %jit3A_572 : i32
        %ne3A_590 = arith.constant 0 : i32
        %ne3A_591 = arith.cmpi ne, %rem3A_589, %ne3A_590 : i32
        %and3A_592 = arith.andi %ne3A_588, %ne3A_591 : i1
        %sub3A_593 = arith.constant 1 : i32
        %sub3A_594 = arith.subi %div3A_573, %sub3A_593 : i32
        %select_n3A_595 = arith.select %and3A_592, %sub3A_594, %div3A_573 : i32
        %rem3A_596 = arith.constant 4 : i32
        %rem3A_597 = arith.remsi %add3A_571, %rem3A_596 : i32
        %jit3A_598 = arith.constant 2 : i32
        %div3A_599 = arith.divsi %rem3A_597, %jit3A_598 : i32
        %sign3A_600 = arith.constant 0 : i32
        %sign3A_601 = arith.cmpi sgt, %rem3A_597, %sign3A_600 : i32
        %sign3A_602 = arith.extui %sign3A_601 : i1 to i32
        %sign3A_603 = arith.constant 0 : i32
        %sign3A_604 = arith.cmpi slt, %rem3A_597, %sign3A_603 : i32
        %sign3A_605 = arith.extui %sign3A_604 : i1 to i32
        %sign3A_606 = arith.subi %sign3A_602, %sign3A_605 : i32
        %sign3A_607 = arith.constant 0 : i32
        %sign3A_608 = arith.cmpi sgt, %jit3A_598, %sign3A_607 : i32
        %sign3A_609 = arith.extui %sign3A_608 : i1 to i32
        %sign3A_610 = arith.constant 0 : i32
        %sign3A_611 = arith.cmpi slt, %jit3A_598, %sign3A_610 : i32
        %sign3A_612 = arith.extui %sign3A_611 : i1 to i32
        %sign3A_613 = arith.subi %sign3A_609, %sign3A_612 : i32
        %ne3A_614 = arith.cmpi ne, %sign3A_606, %sign3A_613 : i32
        %rem3A_615 = arith.remsi %rem3A_597, %jit3A_598 : i32
        %ne3A_616 = arith.constant 0 : i32
        %ne3A_617 = arith.cmpi ne, %rem3A_615, %ne3A_616 : i32
        %and3A_618 = arith.andi %ne3A_614, %ne3A_617 : i1
        %sub3A_619 = arith.constant 1 : i32
        %sub3A_620 = arith.subi %div3A_599, %sub3A_619 : i32
        %select_n3A_621 = arith.select %and3A_618, %sub3A_620, %div3A_599 : i32
        %mul3A_622 = arith.constant 112 : i32
        %mul3A_623 = arith.muli %select_n3A_621, %mul3A_622 : i32
        %rem3A_624 = arith.constant 2 : i32
        %rem3A_625 = arith.remsi %rem3A_597, %rem3A_624 : i32
        %mul3A_626 = arith.constant 128 : i32
        %mul3A_627 = arith.muli %rem3A_625, %mul3A_626 : i32
        %dma_start3A_628 = tpu.memref_slice %arg3[%select_n3A_595, %mul3A_623, %mul3A_627] : memref<384x224x224xf32, #tpu.memory_space<hbm>> -> memref<1x112x128xf32, #tpu.memory_space<hbm>>
        %dma_start3A_629 = tpu.memref_squeeze %dma_start3A_628 : memref<1x112x128xf32, #tpu.memory_space<hbm>> -> memref<112x128xf32, #tpu.memory_space<hbm>>
        %dma_start3A_630 = tpu.memref_slice %arg3[%select_n3A_595, %mul3A_623, %mul3A_627] : memref<384x224x224xf32, #tpu.memory_space<hbm>> -> memref<1x112x128xf32, #tpu.memory_space<hbm>>
        %dma_start3A_631 = tpu.memref_squeeze %dma_start3A_630 : memref<1x112x128xf32, #tpu.memory_space<hbm>> -> memref<112x128xf32, #tpu.memory_space<hbm>>
        tpu.enqueue_dma source(%dma_start3A_631 : memref<112x128xf32, #tpu.memory_space<hbm>>) target(%arg7 : memref<112x128xf32, #tpu.memory_space<vmem>>) target_semaphore(%arg12 : memref<!tpu.dma_semaphore, #tpu.memory_space<semaphore_mem>>)
      } else {
      }
    }
    %scan3A_120 = arith.constant 24 : i32
    %jit3A_121 = arith.constant 4 : i32
    %div3A_122 = arith.divsi %mul3A_2, %jit3A_121 : i32
    %sign3A_123 = arith.constant 0 : i32
    %sign3A_124 = arith.cmpi sgt, %mul3A_2, %sign3A_123 : i32
    %sign3A_125 = arith.extui %sign3A_124 : i1 to i32
    %sign3A_126 = arith.constant 0 : i32
    %sign3A_127 = arith.cmpi slt, %mul3A_2, %sign3A_126 : i32
    %sign3A_128 = arith.extui %sign3A_127 : i1 to i32
    %sign3A_129 = arith.subi %sign3A_125, %sign3A_128 : i32
    %sign3A_130 = arith.constant 0 : i32
    %sign3A_131 = arith.cmpi sgt, %jit3A_121, %sign3A_130 : i32
    %sign3A_132 = arith.extui %sign3A_131 : i1 to i32
    %sign3A_133 = arith.constant 0 : i32
    %sign3A_134 = arith.cmpi slt, %jit3A_121, %sign3A_133 : i32
    %sign3A_135 = arith.extui %sign3A_134 : i1 to i32
    %sign3A_136 = arith.subi %sign3A_132, %sign3A_135 : i32
    %ne3A_137 = arith.cmpi ne, %sign3A_129, %sign3A_136 : i32
    %rem3A_138 = arith.remsi %mul3A_2, %jit3A_121 : i32
    %ne3A_139 = arith.constant 0 : i32
    %ne3A_140 = arith.cmpi ne, %rem3A_138, %ne3A_139 : i32
    %and3A_141 = arith.andi %ne3A_137, %ne3A_140 : i1
    %sub3A_142 = arith.constant 1 : i32
    %sub3A_143 = arith.subi %div3A_122, %sub3A_142 : i32
    %select_n3A_144 = arith.select %and3A_141, %sub3A_143, %div3A_122 : i32
    %rem3A_145 = arith.constant 4 : i32
    %rem3A_146 = arith.remsi %mul3A_2, %rem3A_145 : i32
    %jit3A_147 = arith.constant 2 : i32
    %div3A_148 = arith.divsi %rem3A_146, %jit3A_147 : i32
    %sign3A_149 = arith.constant 0 : i32
    %sign3A_150 = arith.cmpi sgt, %rem3A_146, %sign3A_149 : i32
    %sign3A_151 = arith.extui %sign3A_150 : i1 to i32
    %sign3A_152 = arith.constant 0 : i32
    %sign3A_153 = arith.cmpi slt, %rem3A_146, %sign3A_152 : i32
    %sign3A_154 = arith.extui %sign3A_153 : i1 to i32
    %sign3A_155 = arith.subi %sign3A_151, %sign3A_154 : i32
    %sign3A_156 = arith.constant 0 : i32
    %sign3A_157 = arith.cmpi sgt, %jit3A_147, %sign3A_156 : i32
    %sign3A_158 = arith.extui %sign3A_157 : i1 to i32
    %sign3A_159 = arith.constant 0 : i32
    %sign3A_160 = arith.cmpi slt, %jit3A_147, %sign3A_159 : i32
    %sign3A_161 = arith.extui %sign3A_160 : i1 to i32
    %sign3A_162 = arith.subi %sign3A_158, %sign3A_161 : i32
    %ne3A_163 = arith.cmpi ne, %sign3A_155, %sign3A_162 : i32
    %rem3A_164 = arith.remsi %rem3A_146, %jit3A_147 : i32
    %ne3A_165 = arith.constant 0 : i32
    %ne3A_166 = arith.cmpi ne, %rem3A_164, %ne3A_165 : i32
    %and3A_167 = arith.andi %ne3A_163, %ne3A_166 : i1
    %sub3A_168 = arith.constant 1 : i32
    %sub3A_169 = arith.subi %div3A_148, %sub3A_168 : i32
    %select_n3A_170 = arith.select %and3A_167, %sub3A_169, %div3A_148 : i32
    %mul3A_171 = arith.constant 112 : i32
    %mul3A_172 = arith.muli %select_n3A_170, %mul3A_171 : i32
    %rem3A_173 = arith.constant 2 : i32
    %rem3A_174 = arith.remsi %rem3A_146, %rem3A_173 : i32
    %mul3A_175 = arith.constant 128 : i32
    %mul3A_176 = arith.muli %rem3A_174, %mul3A_175 : i32
    %dma_wait3A = tpu.memref_slice %arg4[%select_n3A_144, %mul3A_172, %mul3A_176] : memref<384x224x224xf32, #tpu.memory_space<hbm>> -> memref<1x112x128xf32, #tpu.memory_space<hbm>>
    %dma_wait3A_177 = tpu.memref_squeeze %dma_wait3A : memref<1x112x128xf32, #tpu.memory_space<hbm>> -> memref<112x128xf32, #tpu.memory_space<hbm>>
    %dma_wait3A_178 = tpu.memref_slice %arg4[%select_n3A_144, %mul3A_172, %mul3A_176] : memref<384x224x224xf32, #tpu.memory_space<hbm>> -> memref<1x112x128xf32, #tpu.memory_space<hbm>>
    %dma_wait3A_179 = tpu.memref_squeeze %dma_wait3A_178 : memref<1x112x128xf32, #tpu.memory_space<hbm>> -> memref<112x128xf32, #tpu.memory_space<hbm>>
    tpu.wait_dma2 semaphore(%arg13 : memref<!tpu.dma_semaphore, #tpu.memory_space<semaphore_mem>>) src(%arg8 : memref<112x128xf32, #tpu.memory_space<vmem>>) dst(%dma_wait3A_179 : memref<112x128xf32, #tpu.memory_space<hbm>>)
    %add3A_180 = arith.constant 1 : i32
    %add3A_181 = arith.addi %mul3A_2, %add3A_180 : i32
    %jit3A_182 = arith.constant 4 : i32
    %div3A_183 = arith.divsi %add3A_181, %jit3A_182 : i32
    %sign3A_184 = arith.constant 0 : i32
    %sign3A_185 = arith.cmpi sgt, %add3A_181, %sign3A_184 : i32
    %sign3A_186 = arith.extui %sign3A_185 : i1 to i32
    %sign3A_187 = arith.constant 0 : i32
    %sign3A_188 = arith.cmpi slt, %add3A_181, %sign3A_187 : i32
    %sign3A_189 = arith.extui %sign3A_188 : i1 to i32
    %sign3A_190 = arith.subi %sign3A_186, %sign3A_189 : i32
    %sign3A_191 = arith.constant 0 : i32
    %sign3A_192 = arith.cmpi sgt, %jit3A_182, %sign3A_191 : i32
    %sign3A_193 = arith.extui %sign3A_192 : i1 to i32
    %sign3A_194 = arith.constant 0 : i32
    %sign3A_195 = arith.cmpi slt, %jit3A_182, %sign3A_194 : i32
    %sign3A_196 = arith.extui %sign3A_195 : i1 to i32
    %sign3A_197 = arith.subi %sign3A_193, %sign3A_196 : i32
    %ne3A_198 = arith.cmpi ne, %sign3A_190, %sign3A_197 : i32
    %rem3A_199 = arith.remsi %add3A_181, %jit3A_182 : i32
    %ne3A_200 = arith.constant 0 : i32
    %ne3A_201 = arith.cmpi ne, %rem3A_199, %ne3A_200 : i32
    %and3A_202 = arith.andi %ne3A_198, %ne3A_201 : i1
    %sub3A_203 = arith.constant 1 : i32
    %sub3A_204 = arith.subi %div3A_183, %sub3A_203 : i32
    %select_n3A_205 = arith.select %and3A_202, %sub3A_204, %div3A_183 : i32
    %rem3A_206 = arith.constant 4 : i32
    %rem3A_207 = arith.remsi %add3A_181, %rem3A_206 : i32
    %jit3A_208 = arith.constant 2 : i32
    %div3A_209 = arith.divsi %rem3A_207, %jit3A_208 : i32
    %sign3A_210 = arith.constant 0 : i32
    %sign3A_211 = arith.cmpi sgt, %rem3A_207, %sign3A_210 : i32
    %sign3A_212 = arith.extui %sign3A_211 : i1 to i32
    %sign3A_213 = arith.constant 0 : i32
    %sign3A_214 = arith.cmpi slt, %rem3A_207, %sign3A_213 : i32
    %sign3A_215 = arith.extui %sign3A_214 : i1 to i32
    %sign3A_216 = arith.subi %sign3A_212, %sign3A_215 : i32
    %sign3A_217 = arith.constant 0 : i32
    %sign3A_218 = arith.cmpi sgt, %jit3A_208, %sign3A_217 : i32
    %sign3A_219 = arith.extui %sign3A_218 : i1 to i32
    %sign3A_220 = arith.constant 0 : i32
    %sign3A_221 = arith.cmpi slt, %jit3A_208, %sign3A_220 : i32
    %sign3A_222 = arith.extui %sign3A_221 : i1 to i32
    %sign3A_223 = arith.subi %sign3A_219, %sign3A_222 : i32
    %ne3A_224 = arith.cmpi ne, %sign3A_216, %sign3A_223 : i32
    %rem3A_225 = arith.remsi %rem3A_207, %jit3A_208 : i32
    %ne3A_226 = arith.constant 0 : i32
    %ne3A_227 = arith.cmpi ne, %rem3A_225, %ne3A_226 : i32
    %and3A_228 = arith.andi %ne3A_224, %ne3A_227 : i1
    %sub3A_229 = arith.constant 1 : i32
    %sub3A_230 = arith.subi %div3A_209, %sub3A_229 : i32
    %select_n3A_231 = arith.select %and3A_228, %sub3A_230, %div3A_209 : i32
    %mul3A_232 = arith.constant 112 : i32
    %mul3A_233 = arith.muli %select_n3A_231, %mul3A_232 : i32
    %rem3A_234 = arith.constant 2 : i32
    %rem3A_235 = arith.remsi %rem3A_207, %rem3A_234 : i32
    %mul3A_236 = arith.constant 128 : i32
    %mul3A_237 = arith.muli %rem3A_235, %mul3A_236 : i32
    %dma_wait3A_238 = tpu.memref_slice %arg4[%select_n3A_205, %mul3A_233, %mul3A_237] : memref<384x224x224xf32, #tpu.memory_space<hbm>> -> memref<1x112x128xf32, #tpu.memory_space<hbm>>
    %dma_wait3A_239 = tpu.memref_squeeze %dma_wait3A_238 : memref<1x112x128xf32, #tpu.memory_space<hbm>> -> memref<112x128xf32, #tpu.memory_space<hbm>>
    %dma_wait3A_240 = tpu.memref_slice %arg4[%select_n3A_205, %mul3A_233, %mul3A_237] : memref<384x224x224xf32, #tpu.memory_space<hbm>> -> memref<1x112x128xf32, #tpu.memory_space<hbm>>
    %dma_wait3A_241 = tpu.memref_squeeze %dma_wait3A_240 : memref<1x112x128xf32, #tpu.memory_space<hbm>> -> memref<112x128xf32, #tpu.memory_space<hbm>>
    tpu.wait_dma2 semaphore(%arg14 : memref<!tpu.dma_semaphore, #tpu.memory_space<semaphore_mem>>) src(%arg9 : memref<112x128xf32, #tpu.memory_space<vmem>>) dst(%dma_wait3A_241 : memref<112x128xf32, #tpu.memory_space<hbm>>)
    return
  }
}

module attributes {stable_mosaic.version = 14 : i64} {
  func.func @_clip_body(%arg0: memref<192x256xf32, #tpu.memory_space<vmem>>, %arg1: memref<192x256xf32, #tpu.memory_space<vmem>>) attributes {dimension_semantics = [], scalar_prefetch = 0 : i64, scratch_operands = 0 : i64, tpu.core_type = #tpu.core_type<tc>} {
    %get3A = arith.constant 0 : index
    %get3A_0 = arith.constant 0 : index
    %get3A_1 = vector.load %arg0[%get3A, %get3A_0] : memref<192x256xf32, #tpu.memory_space<vmem>>, vector<192x256xf32>
    %slice3A = vector.extract_strided_slice %get3A_1 {offsets = [0, 1], sizes = [192, 255], strides = [1, 1]} : vector<192x256xf32> to vector<192x255xf32>
    %slice3A_2 = vector.extract_strided_slice %get3A_1 {offsets = [0, 255], sizes = [192, 1], strides = [1, 1]} : vector<192x256xf32> to vector<192x1xf32>
    %concatenate3A = tpu.concatenate %slice3A, %slice3A_2 in 1 : vector<192x255xf32>, vector<192x1xf32> -> vector<192x256xf32>
    %sub3A = arith.subf %concatenate3A, %get3A_1 : vector<192x256xf32>
    %max3A = arith.constant 0.000000e+00 : f32
    %max3A_3 = vector.broadcast %max3A : f32 to vector<192x256xf32>
    %max3A_4 = arith.maximumf %sub3A, %max3A_3 : vector<192x256xf32>
    %iota3A = tpu.iota {dimensions = array<i32: 1>} : vector<192x256xi32>
    %eq3A = arith.constant 0 : i32
    %eq3A_5 = vector.broadcast %eq3A : i32 to vector<192x256xi32>
    %eq3A_6 = arith.cmpi eq, %iota3A, %eq3A_5 : vector<192x256xi32>
    %eq3A_7 = arith.constant 254 : i32
    %eq3A_8 = vector.broadcast %eq3A_7 : i32 to vector<192x256xi32>
    %eq3A_9 = arith.cmpi eq, %iota3A, %eq3A_8 : vector<192x256xi32>
    %or3A = arith.ori %eq3A_6, %eq3A_9 : vector<192x256xi1>
    %jit3A = arith.constant 0.000000e+00 : f32
    %broadcast_in_dim3A = vector.broadcast %jit3A : f32 to vector<192x256xf32>
    %select_n3A = arith.select %or3A, %broadcast_in_dim3A, %max3A_4 : vector<192x256xi1>, vector<192x256xf32>
    %iota3A_10 = tpu.iota {dimensions = array<i32: 0>} : vector<256x256xi32>
    %iota3A_11 = tpu.iota {dimensions = array<i32: 1>} : vector<256x256xi32>
    %lt3A = arith.cmpi slt, %iota3A_10, %iota3A_11 : vector<256x256xi32>
    %convert_element_type3A = arith.extui %lt3A : vector<256x256xi1> to vector<256x256xi32>
    %convert_element_type3A_12 = arith.sitofp %convert_element_type3A : vector<256x256xi32> to vector<256x256xf32>
    %dot_general3A = arith.constant dense<0.000000e+00> : vector<192x256xf32>
    %dot_general3A_13 = tpu.matmul %select_n3A, %convert_element_type3A_12, %dot_general3A {dimension_numbers = #tpu.dot_dimension_numbers<[1], [0], [0], [1], [0, 0, 1, 1], [], []>, precision = #tpu.contract_precision<fp32>, transpose_lhs_hint = false} : vector<192x256xf32>, vector<256x256xf32>, vector<192x256xf32> -> vector<192x256xf32>
    %slice3A_14 = vector.extract_strided_slice %dot_general3A_13 {offsets = [0, 128], sizes = [192, 1], strides = [1, 1]} : vector<192x256xf32> to vector<192x1xf32>
    %sub3A_15 = vector.broadcast %slice3A_14 : vector<192x1xf32> to vector<192x256xf32>
    %sub3A_16 = arith.subf %dot_general3A_13, %sub3A_15 : vector<192x256xf32>
    %add3A = arith.constant 0.0156862754 : f32
    %add3A_17 = vector.broadcast %add3A : f32 to vector<192x256xf32>
    %add3A_18 = arith.addf %sub3A_16, %add3A_17 : vector<192x256xf32>
    %swap3A = arith.constant 0 : index
    %swap3A_19 = arith.constant 0 : index
    %swap3A_20 = vector.load %arg1[%swap3A, %swap3A_19] : memref<192x256xf32, #tpu.memory_space<vmem>>, vector<192x256xf32>
    tpu.vector_store %arg1[%swap3A, %swap3A_19], %add3A_18 {strides = array<i32>} : memref<192x256xf32, #tpu.memory_space<vmem>>, vector<192x256xf32>,
    return
  }
}

</mosaic_0001>

<sc_bundles>
// kernel: kernel.4.cloned.1.call-start
scs
__scs_entry_jumppad:
0x0: {  	(pc) =	sbr.rel $0x88, $3  }
0x1: {  	(tag) =	ssettag $0x0;
	lr =	simm.s32 $0x1  }
0x2: {  	[smem:$0x3F9F] =	sst lr;
	_ =	strace $0xD0000000  }
0x3: {  	_ = 	snop  }
0x4: {  	_ = 	snop  }
0x5: {  	_ = 	snop  }
0x6: {  	_ = 	snop  }
0x7: {  	_ = 	snop  }
__scs_overlays_trampoline_lowered:
0x8: {  	[smem:$0x3FAE] =	sst s0  }
0x9: {  	[smem:$0x3FAF] =	sst s1  }
0xa: {  	[smem:$0x3FB0] =	sst s2  }
0xb: {  	[smem:$0x3FB1] =	sst s3  }
0xc: {  	[smem:$0x3FB2] =	sst s4  }
0xd: {  	[smem:$0x3FB3] =	sst s5  }
0xe: {  	[smem:$0x3FB4] =	sst s6  }
0xf: {  	[smem:$0x3FB5] =	sst s7  }
0x10: {  	[smem:$0x3FB6] =	sst s8  }
0x11: {  	[smem:$0x3FB7] =	sst s9;
	s0 =	simm.s32 @!p0 $0x0  }
0x12: {  	s1 =	sld [smem:$0x3F9D];
	s0 =	simm.s32 @p0 $0x1  }
0x13: {  	[smem:$0x3FB8] =	sst s0;
	s0 =	simm.s32 @!p1 $0x0  }
0x14: {  	s2 =	sld [smem:$0x3F9C];
	s0 =	simm.s32 @p1 $0x1  }
0x15: {  	[smem:$0x3FB9] =	sst s0;
	s0 =	simm.s32 @!p2 $0x0  }
0x16: {  	s3 =	sld [smem:$0x3FDB];
	s0 =	simm.s32 @p2 $0x1  }
0x17: {  	s4 =	simm.s32 $0x1BF5;
	[smem:$0x3FBB] =	sst s0  }
0x18: {  	s0 =	sld [smem:$0x3F9E];
	_ =	swait.ge [sflag:s4], $0x0  }
0x19: {  	s7 =	sld [smem:$0x3F9F]  }
0x1a: {  	s8 =	sadd.s32 $0xFFFFE003, lr  }
0x1b: {  	s9 =	sadd.s32 $0xFFFFFEF7, lr;
	s5 =	simm.s32 $0xFFFFFFFF;
	p2 =	slt.u32 s8, $0xFFFFF086  }
0x1c: {  	p1 =	slt.u32 s9, $0xF7A;
	s5 =	simm.s32 @!p2 $0x0  }
0x1d: {  	s5 =	simm.s32 @p1 $0x1;
	p0 =	seq.s32 s7, s2  }
0x1e: {  	s7 =	smul.u32 @!p0 $0xF7A, s2;
	p2 =	seq.s32 @!p0 s5, $0x0  }
0x1f: {  	s9 =	smul.u32 $0xF7A, s1;
	s8 =	simm.s32 @!p0 $0x1BF5;
	p2 =	por !p2, p0  }
0x20: {  	[sflag:s8] =	ssyncset.s32 @!p0 $0xFFFFF086;
	s6 =	sadd.s32 @!p0 s3, s7;
	s7 =	simm.s32 @!p0 $0x108  }
0x21: {  	s3 =	sadd.s32 s3, s9;
	s6 =	sadd.s32 @!p0 $0x88, s6;
	s7 =	simm.s32 @p2 $0x1082  }
0x22: {  	[simem:s7], [sflag:s8] =	dma.local @!p0 [hbm:s6], $0xF7A  }
0x23: {  	s9 =	sor.u32 $0xD0000000, s2;
	s6 =	simm.s32 $0x108;
	_ =	swait.ge @!p0 [sflag:s8], $0x0  }
0x24: {  	s3 =	sadd.s32 $0x88, s3;
	s6 =	simm.s32 @!p1 $0x1082;
	[sflag:s4] =	ssyncset.s32 $0xFFFFF086  }
0x25: {  	[simem:s6], [sflag:s4] =	dma.local [hbm:s3], $0xF7A  }
0x26: {  	[smem:$0x3F9F] =	sst s1;
	(tag) =	ssettag s2;
	_ =	strace s9  }
0x27: {  	s1 =	sld [smem:$0x3FAF]  }
0x28: {  	s2 =	sld [smem:$0x3FB0]  }
0x29: {  	s4 =	sld [smem:$0x3FB2]  }
0x2a: {  	p0 =	seq.s32 s5, $0x0;
	s5 =	sld [smem:$0x3FB3]  }
0x2b: {  	s6 =	sld [smem:$0x3FB4]  }
0x2c: {  	s7 =	sld [smem:$0x3FB5]  }
0x2d: {  	s3 =	simm.s32 $0x108;
	s8 =	sld [smem:$0x3FB6]  }
0x2e: {  	s3 =	simm.s32 @!p0 $0x1082;
	s9 =	sld [smem:$0x3FB7]  }
0x2f: {  	lr =	sadd.s32 s0, s3;
	s0 =	sld [smem:$0x3FAE]  }
0x30: {  	s3 =	sld [smem:$0x3FB1]  }
0x31: {  	[smem:$0x3FBA] =	sst s10  }
0x32: {  	s10 =	sld [smem:$0x3FB8];
	_ =	sdelay $0x3  }
0x33: {  	p0 =	seq.s32 s10, $0x1;
	s10 =	sld [smem:$0x3FBA];
	_ =	sdelay $0x3  }
0x34: {  	[smem:$0x3FBA] =	sst s10  }
0x35: {  	s10 =	sld [smem:$0x3FB9];
	_ =	sdelay $0x3  }
0x36: {  	p1 =	seq.s32 s10, $0x1;
	s10 =	sld [smem:$0x3FBA];
	_ =	sdelay $0x3  }
0x37: {  	[smem:$0x3FBA] =	sst s10  }
0x38: {  	s10 =	sld [smem:$0x3FBB]  }
0x39: {  	_ = 	snop;
	(pc) =	sbr.ind lr, $3  }
0x3a: {  	_ = 	snop  }
0x3b: {  	_ = 	snop  }
0x3c: {  	p2 =	seq.s32 s10, $0x1;
	s10 =	sld [smem:$0x3FBA]  }
0x3d: {  	_ =	shalt  }
0x3e: {  	_ =	shalt  }
0x3f: {  	_ =	shalt  }
0x40: {  	_ =	shalt  }
0x41: {  	_ =	shalt  }
0x42: {  	_ =	shalt  }
0x43: {  	_ =	shalt  }
0x44: {  	_ =	shalt  }
0x45: {  	_ =	shalt  }
0x46: {  	_ =	shalt  }
0x47: {  	_ =	shalt  }
0x48: {  	_ =	shalt  }
0x49: {  	_ =	shalt  }
0x4a: {  	_ =	shalt  }
0x4b: {  	_ =	shalt  }
0x4c: {  	_ =	shalt  }
0x4d: {  	_ =	shalt  }
0x4e: {  	_ =	shalt  }
0x4f: {  	_ =	shalt  }
0x50: {  	_ =	shalt  }
0x51: {  	_ =	shalt  }
0x52: {  	_ =	shalt  }
0x53: {  	_ =	shalt  }
0x54: {  	_ =	shalt  }
0x55: {  	_ =	shalt  }
0x56: {  	_ =	shalt  }
0x57: {  	_ =	shalt  }
0x58: {  	_ =	shalt  }
0x59: {  	_ =	shalt  }
0x5a: {  	_ =	shalt  }
0x5b: {  	_ =	shalt  }
0x5c: {  	_ =	shalt  }
0x5d: {  	_ =	shalt  }
0x5e: {  	_ =	shalt  }
0x5f: {  	_ =	shalt  }
0x60: {  	_ =	shalt  }
0x61: {  	_ =	shalt  }
0x62: {  	_ =	shalt  }
0x63: {  	_ =	shalt  }
0x64: {  	_ =	shalt  }
0x65: {  	_ =	shalt  }
0x66: {  	_ =	shalt  }
0x67: {  	_ =	shalt  }
0x68: {  	_ =	shalt  }
0x69: {  	_ =	shalt  }
0x6a: {  	_ =	shalt  }
0x6b: {  	_ =	shalt  }
0x6c: {  	_ =	shalt  }
0x6d: {  	_ =	shalt  }
0x6e: {  	_ =	shalt  }
0x6f: {  	_ =	shalt  }
0x70: {  	_ =	shalt  }
0x71: {  	_ =	shalt  }
0x72: {  	_ =	shalt  }
0x73: {  	_ =	shalt  }
0x74: {  	_ =	shalt  }
0x75: {  	_ =	shalt  }
0x76: {  	_ =	shalt  }
0x77: {  	_ =	shalt  }
0x78: {  	_ =	shalt  }
0x79: {  	_ =	shalt  }
0x7a: {  	_ =	shalt  }
0x7b: {  	_ =	shalt  }
0x7c: {  	_ =	shalt  }
0x7d: {  	_ =	shalt  }
0x7e: {  	_ =	shalt  }
0x7f: {  	_ =	shalt  }
0x80: {  	_ =	shalt  }
0x81: {  	_ =	shalt  }
0x82: {  	_ =	shalt  }
0x83: {  	_ =	shalt  }
0x84: {  	_ =	shalt  }
0x85: {  	_ =	shalt  }
0x86: {  	_ =	shalt  }
0x87: {  	_ =	shalt  }
.Lfunc_end0:
.L_simem_size_0:
called_computation_lowered:
.L_overlay_start_0:
0x88: {  	s2 =	sld [smem:$0x3FD9]  }
0x89: {  	s3 =	sld [smem:$0x3FFE];
	_ =	sdelay $0x1  }
0x8a: {  	s1 =	srdreg.scid  }
0x8b: {  	s0 =	sand.u32 $0x1, s1  }
0x8c: {  	s17 =	sshll.u32 s0, $0xA;
	s2 =	sadd.s32 s3, s2  }
0x8d: {  	s2 =	sadd.s32 s2, s17  }
0x8e: {  	[smem:$0x3FC6] =	sst s2  }
0x8f: {  	_ = 	snop  }
0x90: {  	s2 =	sld [smem:$0x3FC9]  }
0x91: {  	s18 =	sld [smem:$0x3FD0];
	(tm) =	ssettm $0x1  }
0x92: {  	s4 =	sld [smem:$0x3FFB];
	_ =	sdelay $0x3  }
0x93: {  	_ =	strace s4  }
0x94: {  	s4 =	sld [smem:$0x3FFC];
	_ =	sdelay $0x3  }
0x95: {  	_ =	strace s4  }
0x96: {  	s4 =	sld [smem:$0x3FFD];
	_ =	sdelay $0x3  }
0x97: {  	_ =	strace s4  }
0x98: {  	_ =	strace $0x8FFFFFFF  }
0x99: {  	s19 =	sld [smem:$0x3FDB];
	_ =	sdelay $0x1  }
0x9a: {  	s5 =	simm.s32 $_scs_section_size  }
0x9b: {  	s6 =	simm.s32 $_size__tile_overlayer_lowered;
	s7 =	simm.s32 $_tile_overlayer_lowered  }
0x9c: {  	s22 =	simm.s32 $0x1BFF;
	s21 =	sshll.u32 s7, $0x1;
	s4 =	sadd.s32 s5, s19  }
0x9d: {  	s8 =	simm.s32 $0x0;
	s20 =	sshll.u32 s6, $0x1;
	s6 =	sadd.s32 s21, s4  }
0x9e: {  	[timem:s8], [sflag:s22] =	dma.local [hbm:s6], s20  }
0x9f: {  	_ =	swait.ge [sflag:s22], s20  }
0xa0: {  	s5 =	ssub.s32 $0x0, s20;
	[sflag:s22] =	ssyncset.done $0x0  }
0xa1: {  	[sflag:s22] =	ssyncadd.s32 s5;
	_ =	sdelay $0x1  }
0xa2: {  	s23 =	simm.s32 $0x1B8B  }
0xa3: {  	_ =	swait.ge [sflag:s23], $0x1  }
0xa4: {  	[sflag:s23] =	ssyncset.done $0x0  }
0xa5: {  	s25 =	simm.s32 $0x1B8E;
	s24 =	sld [smem:$0x3FFE];
	[sflag:s23] =	ssyncadd.s32 $0xFFFFFFFF  }
0xa6: {  	s26 =	simm.s32 $execute0_lowered;
	[smem:$0x3FD2] =	sst s25  }
0xa7: {  	s6 =	sshll.u32 s26, $0x1;
	_ =	strace $0x80000046;
	[dreg:$0x1] =	wrdreg $0xFFFFFFFF  }
0xa8: {  	s28 =	simm.s32 $_size_execute0_lowered;
	s4 =	sadd.s32 s4, s6;
	[dreg:$0x0] =	wrdreg $0x0  }
0xa9: {  	s6 =	sshll.u32 s28, $0x1;
	[dreg:$0x2] =	wrdreg s4  }
0xaa: {  	[dreg:$0x3] =	wrdreg s6  }
0xab: {  	[dreg:$0x4] =	wrdreg $0xC0  }
0xac: {  	_ =	task [dreg:s8], $0x5FFFF  }
0xad: {  	[dreg:$0x1] =	wrdreg $0xFFFFFFFF  }
0xae: {  	[dreg:$0x0] =	wrdreg $0x60  }
0xaf: {  	[dreg:$0x2] =	wrdreg s24  }
0xb0: {  	[dreg:$0x3] =	wrdreg s2  }
0xb1: {  	[dreg:$0x4] =	wrdreg s18  }
0xb2: {  	[dreg:$0x5] =	wrdreg $0x9  }
0xb3: {  	_ =	task.clear_ibuf [dreg:s8], $0x6FFFF;
	_ =	strace $0x90000046  }
0xb4: {  	s29 =	simm.s32 $0x9;
	_ =	strace $0x80000048  }
0xb5: {  	_ =	swait.ge [sflag:s29], $0x1  }
0xb6: {  	[sflag:s29] =	ssyncadd.s32 $0xFFFFFFFF  }
0xb7: {  	_ =	strace $0x90000048  }
0xb8: {  	_ =	sfence  }
0xb9: {  	s30 =	sld [smem:$0x0];
	_ =	sdelay $0x2  }
0xba: {  	s31 =	sshll.u32 s1, $0xD;
	s1 =	sshrl.u32 s1, $0x2  }
0xbb: {  	s3 =	sand.u32 $0x4000, s31;
	s1 =	sadd.s32 s1, s30  }
0xbc: {  	s0 =	sor.u32 s3, s0;
	s1 =	sshll.u32 s1, $0x11  }
0xbd: {  	s0 =	sor.u32 s1, s0  }
0xbe: {  	s0 =	sadd.s32 $0x8F2B, s0  }
0xbf: {  	[sflag:s0] =	ssyncadd.remote.s32 $0x1  }
0xc0: {  	_ =	sfence.sel $0xFFFF  }
0xc1: {  	[dreg:$0x0] =	wrdreg $0xFFFFFFFF;
	(pc) =	sbr.abs _section_cstart, $3  }
0xc2: {  	[dreg:$0x1] =	wrdreg $0xFFFFFFFF  }
0xc3: {  	_ =	task.clear_ibuf [dreg:s8], $0x2FFFF;
	_ =	strace $0x9FFFFFFF  }
0xc4: {  	(tm) =	ssettm $0x7FFFFFFF  }
0xc5: {  	_ =	shalt  }
tec
execute0_lowered:
.L_overlay_start_1:
0x0: {  	(tag) =	ssettag $0x1  }
0x1: {  	s0 =	srdreg.scid  }
0x2: {  	s2 =	stileid.u32;
	s1 =	rddreg [dreg:$0x0]  }
0x3: {  	s6 =	simm.s32 $0x0;
	s12 =	simm.s32 $0x400;
	s13 =	simm.s32 $0x800  }
0x4: {  	s15 =	simm.s32 $0xF800;
	s16 =	simm.s32 $0x1;
	s17 =	simm.s32 $0x2  }
0x5: {  	s18 =	simm.s32 $0x13000;
	s19 =	simm.s32 $0x3;
	s20 =	simm.s32 $0x16800  }
0x6: {  	s21 =	simm.s32 $0x4;
	s0 =	sand.u32 $0x1, s0;
	s3 =	sshll.u32 s2, $0x1  }
0x7: {  	s22 =	simm.s32 $0x5;
	s2 =	rddreg [dreg:$0x1];
	s5 =	sor.u32 s0, s3  }
0x8: {  	s23 =	simm.s32 $0x0;
	[smem:$0x7FF] =	sst s6;
	s4 =	smul.u32 $0x30, s5  }
0x9: {  	s1 =	sadd.s32 $0x400, s1;
	s3 =	rddreg [dreg:$0x2];
	s5 =	smul.u32 $0x15000, s5  }
.Ltmp0:
0xa: {  	_ =	strace $0x80000047;
	s28 =	sshrl.u32 s4, $0x2;
	(pc) =	sbr.rel .LBB2_1-.Ltmp0, $4  }
0xb: {  	s0 =	ssub.s32 $0x2, s0;
	s8 =	sadd.s32 $0x80, s2;
	s6 =	smul.u32 $0x1C00, s28  }
0xc: {  	[dreg:$0x4] =	wrdreg s1;
	s29 =	sshrl.u32 s0, $0x1;
	s31 =	sadd.s32 s5, s8  }
0xd: {  	s0 =	ssub.s32 s0, s29;
	[dreg:$0x6] =	wrdreg s31;
	s30 =	sadd.s32 s2, s6  }
0xe: {  	s10 =	sadd.s32 $0x80, s3;
	s11 =	smax.u32 s0, $0x1;
	[dreg:$0x5] =	wrdreg s30  }
.LBB2_8:
0xf: {  	s23 =	sadd.s32 $0x1, s23  }
0x10: {  	_ =	swait.ge [sflag:s21], $0x3800;
	p0 =	sne.s32 s23, s11  }
.Ltmp1:
0x11: {  	[sflag:s21] =	ssyncset.done $0x0;
	(pc) =	sbr.rel @!p0 .LBB2_9-.Ltmp1, $4  }
0x12: {  	[sflag:s21] =	ssyncadd.s32 $0xFFFFC800  }
0x13: {  	_ =	swait.ge [sflag:s22], $0x3800  }
0x14: {  	[sflag:s22] =	ssyncset.done $0x0  }
0x15: {  	[sflag:s22] =	ssyncadd.s32 $0xFFFFC800  }
.LBB2_1:
0x16: {  	s0 =	simm.s32 $0x0;
	s1 =	rddreg [dreg:$0x4]  }
0x17: {  	[tilespmem:s0], [sflag:$0x1] =	stream.linear.gather [hbm4b:s1+s0], $0xC000, $0x38;
	[tilespmem:$0x1A000] =	vst v63  }
0x18: {  	s29 =	rddreg [dreg:$0x5];
	s30 =	simm.s32 $0xC000  }
0x19: {  	[tilespmem:s30], [sflag:$0x2] =	stream.strided.gather [hbm4b:s29+s12], $0x3800, s13, s12, $0x38;
	[tilespmem:$0x1A000] =	vst v63  }
0x1a: {  	s31 =	rddreg [dreg:$0x6]  }
0x1b: {  	[tilespmem:s15], [sflag:$0x3] =	stream.strided.gather [hbm4b:s31+s12], $0x3800, s13, s12, $0x38;
	[tilespmem:$0x1A000] =	vst v63  }
0x1c: {  	_ =	swait.ge [sflag:s16], $0xC000  }
0x1d: {  	[sflag:s16] =	ssyncset.done $0x0  }
0x1e: {  	s24 =	simm.s32 $0x0;
	[sflag:s16] =	ssyncadd.s32 $0xFFFF4000  }
.LBB2_2:
0x1f: {  	_ =	swait.ge [sflag:s17], $0x3800  }
0x20: {  	p1 =	seq.s32 s24, $0x0;
	[sflag:s17] =	ssyncset.done $0x0  }
0x21: {  	s0 =	simm.s32 @!p1 $0x4;
	[sflag:s17] =	ssyncadd.s32 $0xFFFFC800  }
0x22: {  	_ =	swait.ge @!p1 [sflag:s0], $0x3800  }
0x23: {  	[sflag:s0] =	ssyncset.done @!p1 $0x0  }
0x24: {  	s6 =	simm.s32 $0xC100;
	[sflag:s0] =	ssyncadd.s32 @!p1 $0xFFFFC800  }
0x25: {  	s14 =	sshll.u32 s24, $0x1;
	v0 =	vld [tilespmem:s6+$0x80]  }
0x26: {  	s26 =	sand.u32 $0x1, s24;
	s25 =	sadd.s32 s4, s14  }
0x27: {  	p0 =	seq.s32 s26, $0x1;
	p2 =	seq.s32 s25, $0x0  }
0x28: {  	p2 =	por !p2, !p0  }
0x29: {  	p2 =	por !p2, !p2;
	s0 =	simm.s32 $0x1  }
0x2a: {  	s26 =	sshrl.u32 s25, $0x2;
	s0 =	simm.s32 @!p2 $0x0;
	v0 =	vmul.f32 $3.187499810e+01, v0  }
0x2b: {  	s28 =	ssub.s32 s26, s0  }
0x2c: {  	s0 =	smulhi.u32 $0x2AAAAAAB, s28;
	s1 =	sshra.s32 s28, $0x1F;
	v0 =	vadd.f32 $1.275000000e+02, v0  }
0x2d: {  	s1 =	smul.u32 $0x2AAAAAAB, s1  }
0x2e: {  	v1 =	vmax.f32 v0, $0.0e+00  }
0x2f: {  	s0 =	sadd.s32 s1, s0;
	v1 =	vmin.f32 v1, $2.539999850e+02  }
0x30: {  	s1 =	sshrl.u32 s0, $0x1F;
	s0 =	sshrl.u32 s0, $0x5;
	v1 =	vtrunc.f32 v1  }
0x31: {  	s0 =	sadd.s32 s1, s0;
	v1 =	vcvt.f32.s32 v1  }
0x32: {  	s0 =	smul.u32 $0xC0, s0  }
0x33: {  	v2 =	vadd.s32 $0x1, v1  }
0x34: {  	s0 =	ssub.s32 s28, s0  }
0x35: {  	s0 =	sshll.u32 s0, $0xA  }
0x36: {  	s29 =	sshra.s32 s0, $0x2  }
0x37: {  	v3 =	vld.idx.msk [tilespmem:v1+s29+$0x0], $0xffff  }
0x38: {  	v2 =	vld.idx.msk [tilespmem:v2+s29+$0x0], $0xffff  }
0x39: {  	v4 =	vld [tilespmem:s6+$0xFFFFFF00];
	_ =	sdelay $0x1  }
0x3a: {  	v5 =	vld [tilespmem:s6+$0xFFFFFF80];
	v1 =	vcvt.s32.f32 v1;
	_ =	sdelay $0x1  }
0x3b: {  	v6 =	vld [tilespmem:s6+$0x0];
	v0 =	vsub.f32 v0, v1;
	v1 =	vsub.f32 v2, v3  }
0x3c: {  	v2 =	vmul.f32 $3.187499810e+01, v4  }
0x3d: {  	v0 =	vmul.f32 v0, v1  }
0x3e: {  	v4 =	vmul.f32 $3.187499810e+01, v5;
	v2 =	vadd.f32 $1.275000000e+02, v2  }
0x3f: {  	v0 =	vadd.f32 v0, v3  }
0x40: {  	s30 =	simm.s32 $0x13100;
	v1 =	vmul.f32 $3.187499810e+01, v6;
	v4 =	vadd.f32 $1.275000000e+02, v4;
	v3 =	vmax.f32 v2, $0.0e+00  }
0x41: {  	v3 =	vmin.f32 v3, $2.539999850e+02;
	[tilespmem:s30+$0x80] =	vst v0  }
0x42: {  	v1 =	vadd.f32 $1.275000000e+02, v1;
	v5 =	vmax.f32 v4, $0.0e+00;
	v3 =	vtrunc.f32 v3;
	v6 =	vld [tilespmem:s6+$0x90]  }
0x43: {  	v5 =	vmin.f32 v5, $2.539999850e+02;
	v3 =	vcvt.f32.s32 v3  }
0x44: {  	v0 =	vmax.f32 v1, $0.0e+00;
	v5 =	vtrunc.f32 v5  }
0x45: {  	v0 =	vmin.f32 v0, $2.539999850e+02;
	v5 =	vcvt.f32.s32 v5;
	v7 =	vadd.s32 $0x1, v3  }
0x46: {  	v0 =	vtrunc.f32 v0  }
0x47: {  	v0 =	vcvt.f32.s32 v0;
	v8 =	vadd.s32 $0x1, v5;
	v6 =	vmul.f32 $3.187499810e+01, v6;
	_ =	sdelay $0x1  }
0x48: {  	v9 =	vadd.s32 $0x1, v0;
	v10 =	vld.idx.msk [tilespmem:v3+s29+$0x0], $0xffff;
	v6 =	vadd.f32 $1.275000000e+02, v6  }
0x49: {  	v7 =	vld.idx.msk [tilespmem:v7+s29+$0x0], $0xffff  }
0x4a: {  	v12 =	vld.idx.msk [tilespmem:v5+s29+$0x0], $0xffff;
	v11 =	vmax.f32 v6, $0.0e+00  }
0x4b: {  	v8 =	vld.idx.msk [tilespmem:v8+s29+$0x0], $0xffff;
	v11 =	vmin.f32 v11, $2.539999850e+02  }
0x4c: {  	v3 =	vcvt.s32.f32 v3;
	v13 =	vld.idx.msk [tilespmem:v0+s29+$0x0], $0xffff;
	v11 =	vtrunc.f32 v11  }
0x4d: {  	v9 =	vld.idx.msk [tilespmem:v9+s29+$0x0], $0xffff;
	v11 =	vcvt.f32.s32 v11  }
0x4e: {  	v5 =	vcvt.s32.f32 v5;
	v2 =	vsub.f32 v2, v3;
	v3 =	vsub.f32 v7, v10  }
0x4f: {  	v0 =	vcvt.s32.f32 v0;
	v7 =	vadd.s32 $0x1, v11  }
0x50: {  	v4 =	vsub.f32 v4, v5;
	v2 =	vmul.f32 v2, v3;
	v3 =	vsub.f32 v8, v12  }
0x51: {  	v0 =	vsub.f32 v1, v0  }
0x52: {  	v1 =	vsub.f32 v9, v13;
	v2 =	vadd.f32 v2, v10;
	v3 =	vmul.f32 v4, v3  }
0x53: {  	v4 =	vld.idx.msk [tilespmem:v11+s29+$0x0], $0xffff  }
0x54: {  	v0 =	vmul.f32 v0, v1;
	[tilespmem:s30+$0xFFFFFF00] =	vst v2;
	v2 =	vadd.f32 v3, v12;
	v1 =	vld.idx.msk [tilespmem:v7+s29+$0x0], $0xffff  }
0x55: {  	v3 =	vld [tilespmem:s6+$0xFFFFFF10]  }
0x56: {  	[tilespmem:s30+$0xFFFFFF80] =	vst v2  }
0x57: {  	v2 =	vcvt.s32.f32 v11;
	v5 =	vld [tilespmem:s6+$0xFFFFFF90]  }
0x58: {  	v0 =	vadd.f32 v0, v13  }
0x59: {  	v2 =	vsub.f32 v6, v2;
	v1 =	vsub.f32 v1, v4  }
0x5a: {  	[tilespmem:s30+$0x0] =	vst v0;
	v3 =	vmul.f32 $3.187499810e+01, v3  }
0x5b: {  	v0 =	vld [tilespmem:s6+$0x10];
	v1 =	vmul.f32 v2, v1  }
0x5c: {  	v2 =	vadd.f32 $1.275000000e+02, v3;
	v3 =	vmul.f32 $3.187499810e+01, v5  }
0x5d: {  	v1 =	vadd.f32 v1, v4  }
0x5e: {  	v4 =	vmax.f32 v2, $0.0e+00;
	v3 =	vadd.f32 $1.275000000e+02, v3  }
0x5f: {  	[tilespmem:s30+$0x90] =	vst v1;
	v1 =	vmin.f32 v4, $2.539999850e+02  }
0x60: {  	v0 =	vmul.f32 $3.187499810e+01, v0;
	v5 =	vmax.f32 v3, $0.0e+00;
	v4 =	vld [tilespmem:s6+$0xA0];
	v1 =	vtrunc.f32 v1  }
0x61: {  	v5 =	vmin.f32 v5, $2.539999850e+02;
	v1 =	vcvt.f32.s32 v1  }
0x62: {  	v0 =	vadd.f32 $1.275000000e+02, v0;
	v5 =	vtrunc.f32 v5  }
0x63: {  	v5 =	vcvt.f32.s32 v5;
	v7 =	vadd.s32 $0x1, v1  }
0x64: {  	v6 =	vmax.f32 v0, $0.0e+00  }
0x65: {  	v6 =	vmin.f32 v6, $2.539999850e+02;
	v8 =	vadd.s32 $0x1, v5;
	v4 =	vmul.f32 $3.187499810e+01, v4  }
0x66: {  	v6 =	vtrunc.f32 v6  }
0x67: {  	v6 =	vcvt.f32.s32 v6;
	v4 =	vadd.f32 $1.275000000e+02, v4;
	v10 =	vld.idx.msk [tilespmem:v1+s29+$0x0], $0xffff  }
0x68: {  	v7 =	vld.idx.msk [tilespmem:v7+s29+$0x0], $0xffff  }
0x69: {  	v9 =	vadd.s32 $0x1, v6;
	v12 =	vld.idx.msk [tilespmem:v5+s29+$0x0], $0xffff;
	v11 =	vmax.f32 v4, $0.0e+00  }
0x6a: {  	v8 =	vld.idx.msk [tilespmem:v8+s29+$0x0], $0xffff;
	v11 =	vmin.f32 v11, $2.539999850e+02  }
0x6b: {  	v1 =	vcvt.s32.f32 v1;
	v11 =	vtrunc.f32 v11  }
0x6c: {  	v11 =	vcvt.f32.s32 v11  }
0x6d: {  	v5 =	vcvt.s32.f32 v5;
	v13 =	vld.idx.msk [tilespmem:v6+s29+$0x0], $0xffff;
	v1 =	vsub.f32 v2, v1;
	v2 =	vsub.f32 v7, v10  }
0x6e: {  	v9 =	vld.idx.msk [tilespmem:v9+s29+$0x0], $0xffff;
	v7 =	vadd.s32 $0x1, v11  }
0x6f: {  	v3 =	vsub.f32 v3, v5;
	v1 =	vmul.f32 v1, v2;
	v2 =	vsub.f32 v8, v12  }
0x70: {  	v6 =	vcvt.s32.f32 v6  }
0x71: {  	v1 =	vadd.f32 v1, v10;
	v2 =	vmul.f32 v3, v2  }
0x72: {  	v0 =	vsub.f32 v0, v6;
	v5 =	vld.idx.msk [tilespmem:v11+s29+$0x0], $0xffff  }
0x73: {  	v3 =	vsub.f32 v9, v13;
	v6 =	vld.idx.msk [tilespmem:v7+s29+$0x0], $0xffff;
	[tilespmem:s30+$0xFFFFFF10] =	vst v1;
	v1 =	vadd.f32 v2, v12  }
0x74: {  	v2 =	vld [tilespmem:s6+$0xFFFFFF20]  }
0x75: {  	v0 =	vmul.f32 v0, v3;
	[tilespmem:s30+$0xFFFFFF90] =	vst v1  }
0x76: {  	v3 =	vld [tilespmem:s6+$0xFFFFFFA0]  }
0x77: {  	v0 =	vadd.f32 v0, v13;
	v1 =	vcvt.s32.f32 v11;
	_ =	sdelay $0x1  }
0x78: {  	[tilespmem:s30+$0x10] =	vst v0;
	v0 =	vsub.f32 v4, v1;
	v1 =	vsub.f32 v6, v5;
	v2 =	vmul.f32 $3.187499810e+01, v2  }
0x79: {  	v4 =	vld [tilespmem:s6+$0x20]  }
0x7a: {  	v0 =	vmul.f32 v0, v1;
	v1 =	vadd.f32 $1.275000000e+02, v2;
	v2 =	vmul.f32 $3.187499810e+01, v3;
	_ =	sdelay $0x1  }
0x7b: {  	v0 =	vadd.f32 v0, v5;
	v2 =	vadd.f32 $1.275000000e+02, v2  }
0x7c: {  	v3 =	vmax.f32 v1, $0.0e+00  }
0x7d: {  	v4 =	vmul.f32 $3.187499810e+01, v4;
	[tilespmem:s30+$0xA0] =	vst v0;
	v0 =	vmin.f32 v3, $2.539999850e+02;
	v5 =	vmax.f32 v2, $0.0e+00  }
0x7e: {  	v3 =	vld [tilespmem:s6+$0xB0];
	v0 =	vtrunc.f32 v0;
	v5 =	vmin.f32 v5, $2.539999850e+02  }
0x7f: {  	v4 =	vadd.f32 $1.275000000e+02, v4;
	v0 =	vcvt.f32.s32 v0;
	v5 =	vtrunc.f32 v5  }
0x80: {  	v5 =	vcvt.f32.s32 v5  }
0x81: {  	v6 =	vmax.f32 v4, $0.0e+00  }
0x82: {  	v6 =	vmin.f32 v6, $2.539999850e+02;
	v8 =	vadd.s32 $0x1, v5  }
0x83: {  	v7 =	vadd.s32 $0x1, v0;
	v6 =	vtrunc.f32 v6;
	v3 =	vmul.f32 $3.187499810e+01, v3  }
0x84: {  	v6 =	vcvt.f32.s32 v6  }
0x85: {  	v3 =	vadd.f32 $1.275000000e+02, v3;
	v9 =	vld.idx.msk [tilespmem:v0+s29+$0x0], $0xffff  }
0x86: {  	v10 =	vadd.s32 $0x1, v6;
	v12 =	vld.idx.msk [tilespmem:v5+s29+$0x0], $0xffff  }
0x87: {  	v11 =	vmax.f32 v3, $0.0e+00;
	v8 =	vld.idx.msk [tilespmem:v8+s29+$0x0], $0xffff  }
0x88: {  	v7 =	vld.idx.msk [tilespmem:v7+s29+$0x0], $0xffff;
	v11 =	vmin.f32 v11, $2.539999850e+02  }
0x89: {  	v5 =	vcvt.s32.f32 v5;
	v11 =	vtrunc.f32 v11  }
0x8a: {  	v13 =	vld.idx.msk [tilespmem:v6+s29+$0x0], $0xffff;
	v11 =	vcvt.f32.s32 v11  }
0x8b: {  	v0 =	vcvt.s32.f32 v0;
	v2 =	vsub.f32 v2, v5;
	v10 =	vld.idx.msk [tilespmem:v10+s29+$0x0], $0xffff  }
0x8c: {  	v5 =	vcvt.s32.f32 v6;
	v14 =	vadd.s32 $0x1, v11;
	v6 =	vsub.f32 v8, v12  }
0x8d: {  	v0 =	vsub.f32 v1, v0;
	v1 =	vsub.f32 v7, v9  }
0x8e: {  	s1 =	simm.s32 $0xC300;
	v2 =	vmul.f32 v2, v6  }
0x8f: {  	v7 =	vld [tilespmem:s1+$0xFFFFFF80];
	v0 =	vmul.f32 v0, v1;
	v1 =	vsub.f32 v4, v5  }
0x90: {  	v4 =	vsub.f32 v10, v13;
	v5 =	vld.idx.msk [tilespmem:v11+s29+$0x0], $0xffff;
	v2 =	vadd.f32 v2, v12  }
0x91: {  	v0 =	vadd.f32 v0, v9;
	v6 =	vld.idx.msk [tilespmem:v14+s29+$0x0], $0xffff  }
0x92: {  	v8 =	vld [tilespmem:s1+$0xFFFFFF00];
	v1 =	vmul.f32 v1, v4;
	[tilespmem:s30+$0xFFFFFFA0] =	vst v2  }
0x93: {  	[tilespmem:s30+$0xFFFFFF20] =	vst v0;
	v4 =	vld [tilespmem:s6+$0xFFFFFFB0]  }
0x94: {  	v0 =	vld [tilespmem:s6+$0xFFFFFF30];
	v1 =	vadd.f32 v1, v13;
	v2 =	vcvt.s32.f32 v11;
	_ =	sdelay $0x1  }
0x95: {  	[tilespmem:s30+$0x20] =	vst v1;
	v1 =	vsub.f32 v3, v2;
	v2 =	vsub.f32 v6, v5  }
0x96: {  	v10 =	vld [tilespmem:s1+$0x0];
	v7 =	vmul.f32 $3.187499810e+01, v7;
	v8 =	vmul.f32 $3.187499810e+01, v8  }
0x97: {  	v1 =	vmul.f32 v1, v2;
	v2 =	vmul.f32 $3.187499810e+01, v4;
	v4 =	vld [tilespmem:s1+$0x80]  }
0x98: {  	v7 =	vadd.f32 $1.275000000e+02, v7;
	v0 =	vmul.f32 $3.187499810e+01, v0  }
0x99: {  	v8 =	vadd.f32 $1.275000000e+02, v8  }
0x9a: {  	v17 =	vmax.f32 v7, $0.0e+00;
	v0 =	vadd.f32 $1.275000000e+02, v0;
	v1 =	vadd.f32 v1, v5  }
0x9b: {  	v10 =	vmul.f32 $3.187499810e+01, v10;
	v17 =	vmin.f32 v17, $2.539999850e+02;
	v3 =	vld [tilespmem:s6+$0x30];
	v15 =	vmax.f32 v8, $0.0e+00  }
0x9c: {  	v2 =	vadd.f32 $1.275000000e+02, v2;
	[tilespmem:s30+$0xB0] =	vst v1;
	v1 =	vmax.f32 v0, $0.0e+00;
	v4 =	vmul.f32 $3.187499810e+01, v4  }
0x9d: {  	v17 =	vtrunc.f32 v17;
	v15 =	vmin.f32 v15, $2.539999850e+02;
	v1 =	vmin.f32 v1, $2.539999850e+02  }
0x9e: {  	v6 =	vmax.f32 v2, $0.0e+00;
	v1 =	vtrunc.f32 v1;
	v4 =	vadd.f32 $1.275000000e+02, v4  }
0x9f: {  	v17 =	vcvt.f32.s32 v17;
	v5 =	vld [tilespmem:s6+$0xC0];
	v6 =	vmin.f32 v6, $2.539999850e+02;
	v1 =	vcvt.f32.s32 v1  }
0xa0: {  	v3 =	vmul.f32 $3.187499810e+01, v3;
	v6 =	vtrunc.f32 v6;
	v13 =	vmax.f32 v4, $0.0e+00  }
0xa1: {  	v6 =	vcvt.f32.s32 v6;
	v11 =	vadd.s32 $0x1, v1;
	v13 =	vmin.f32 v13, $2.539999850e+02  }
0xa2: {  	v10 =	vadd.f32 $1.275000000e+02, v10;
	v15 =	vtrunc.f32 v15;
	v13 =	vtrunc.f32 v13  }
0xa3: {  	v3 =	vadd.f32 $1.275000000e+02, v3;
	v12 =	vadd.s32 $0x1, v6;
	v13 =	vcvt.f32.s32 v13  }
0xa4: {  	v20 =	vmax.f32 v10, $0.0e+00;
	v15 =	vcvt.f32.s32 v15;
	v5 =	vmul.f32 $3.187499810e+01, v5  }
0xa5: {  	v20 =	vmin.f32 v20, $2.539999850e+02;
	v9 =	vmax.f32 v3, $0.0e+00;
	v16 =	vld.idx.msk [tilespmem:v1+s29+$0x0], $0xffff;
	v18 =	vadd.s32 $0x1, v13  }
0xa6: {  	v23 =	vadd.s32 $0x1, v17;
	v9 =	vmin.f32 v9, $2.539999850e+02;
	v5 =	vadd.f32 $1.275000000e+02, v5;
	v11 =	vld.idx.msk [tilespmem:v11+s29+$0x0], $0xffff  }
0xa7: {  	v20 =	vtrunc.f32 v20;
	v21 =	vadd.s32 $0x1, v15;
	v9 =	vtrunc.f32 v9;
	v19 =	vld.idx.msk [tilespmem:v6+s29+$0x0], $0xffff  }
0xa8: {  	v20 =	vcvt.f32.s32 v20;
	v9 =	vcvt.f32.s32 v9;
	v14 =	vmax.f32 v5, $0.0e+00;
	v12 =	vld.idx.msk [tilespmem:v12+s29+$0x0], $0xffff  }
0xa9: {  	v14 =	vmin.f32 v14, $2.539999850e+02;
	v22 =	vld.idx.msk [tilespmem:v13+s29+$0x0], $0xffff  }
0xaa: {  	v26 =	vadd.s32 $0x1, v20;
	v14 =	vtrunc.f32 v14;
	v18 =	vld.idx.msk [tilespmem:v18+s29+$0x0], $0xffff  }
0xab: {  	v23 =	vld.idx.msk [tilespmem:v23+s29+$0x0], $0xffff;
	v1 =	vcvt.s32.f32 v1;
	v14 =	vcvt.f32.s32 v14  }
0xac: {  	v27 =	vld.idx.msk [tilespmem:v15+s29+$0x0], $0xffff;
	v6 =	vcvt.s32.f32 v6  }
0xad: {  	v21 =	vld.idx.msk [tilespmem:v21+s29+$0x0], $0xffff;
	v0 =	vsub.f32 v0, v1;
	v13 =	vcvt.s32.f32 v13;
	v1 =	vsub.f32 v11, v16  }
0xae: {  	v24 =	vld.idx.msk [tilespmem:v9+s29+$0x0], $0xffff;
	v2 =	vsub.f32 v2, v6;
	v11 =	vadd.s32 $0x1, v14;
	v6 =	vsub.f32 v12, v19  }
0xaf: {  	v12 =	vld.idx.msk [tilespmem:v26+s29+$0x0], $0xffff;
	v4 =	vsub.f32 v4, v13;
	v0 =	vmul.f32 v0, v1;
	v13 =	vsub.f32 v18, v22  }
0xb0: {  	v28 =	vadd.s32 $0x1, v9;
	v1 =	vcvt.s32.f32 v15;
	v15 =	vld.idx.msk [tilespmem:v17+s29+$0x0], $0xffff  }
0xb1: {  	v25 =	vld.idx.msk [tilespmem:v14+s29+$0x0], $0xffff;
	v0 =	vadd.f32 v0, v16;
	v4 =	vmul.f32 v4, v13  }
0xb2: {  	v1 =	vsub.f32 v8, v1;
	v8 =	vld.idx.msk [tilespmem:v20+s29+$0x0], $0xffff;
	v16 =	vsub.f32 v21, v27  }
0xb3: {  	v2 =	vmul.f32 v2, v6;
	v11 =	vld.idx.msk [tilespmem:v11+s29+$0x0], $0xffff;
	[tilespmem:s30+$0xFFFFFF30] =	vst v0;
	v13 =	vcvt.s32.f32 v17;
	v4 =	vadd.f32 v4, v22  }
0xb4: {  	s31 =	simm.s32 $0x13300;
	v0 =	vcvt.s32.f32 v20;
	v1 =	vmul.f32 v1, v16;
	v6 =	vld [tilespmem:s6+$0xFFFFFF40]  }
0xb5: {  	v9 =	vcvt.s32.f32 v9;
	v17 =	vld.idx.msk [tilespmem:v28+s29+$0x0], $0xffff;
	v7 =	vsub.f32 v7, v13;
	v13 =	vsub.f32 v23, v15;
	[tilespmem:s31+$0x80] =	vst v4  }
0xb6: {  	v2 =	vadd.f32 v2, v19;
	v0 =	vsub.f32 v10, v0;
	v4 =	vcvt.s32.f32 v14;
	v10 =	vld [tilespmem:s1+$0x90]  }
0xb7: {  	v1 =	vadd.f32 v1, v27;
	v12 =	vsub.f32 v12, v8;
	v7 =	vmul.f32 v7, v13  }
0xb8: {  	v4 =	vsub.f32 v5, v4;
	v5 =	vsub.f32 v11, v25  }
0xb9: {  	v3 =	vsub.f32 v3, v9;
	[tilespmem:s31+$0xFFFFFF00] =	vst v1;
	v0 =	vmul.f32 v0, v12;
	v1 =	vadd.f32 v7, v15  }
0xba: {  	[tilespmem:s30+$0xFFFFFFB0] =	vst v2;
	v2 =	vmul.f32 $3.187499810e+01, v6;
	v7 =	vsub.f32 v17, v24;
	v4 =	vmul.f32 v4, v5;
	v5 =	vld [tilespmem:s1+$0xFFFFFF10]  }
0xbb: {  	v6 =	vld [tilespmem:s6+$0xFFFFFFC0];
	v0 =	vadd.f32 v0, v8;
	[tilespmem:s31+$0xFFFFFF80] =	vst v1;
	v1 =	vmul.f32 $3.187499810e+01, v10  }
0xbc: {  	v2 =	vadd.f32 $1.275000000e+02, v2;
	v3 =	vmul.f32 v3, v7;
	v7 =	vld [tilespmem:s1+$0xFFFFFF90]  }
0xbd: {  	[tilespmem:s31+$0x0] =	vst v0;
	v4 =	vadd.f32 v4, v25;
	v0 =	vadd.f32 $1.275000000e+02, v1  }
0xbe: {  	v1 =	vadd.f32 v3, v24  }
0xbf: {  	v3 =	vmax.f32 v2, $0.0e+00;
	[tilespmem:s30+$0xC0] =	vst v4;
	v4 =	vld [tilespmem:s1+$0x10];
	v5 =	vmul.f32 $3.187499810e+01, v5;
	v9 =	vmax.f32 v0, $0.0e+00  }
0xc0: {  	v3 =	vmin.f32 v3, $2.539999850e+02;
	v8 =	vld [tilespmem:s6+$0xD0];
	[tilespmem:s30+$0x30] =	vst v1;
	v1 =	vmul.f32 $3.187499810e+01, v6;
	v6 =	vmin.f32 v9, $2.539999850e+02  }
0xc1: {  	v7 =	vmul.f32 $3.187499810e+01, v7;
	v5 =	vadd.f32 $1.275000000e+02, v5;
	v6 =	vtrunc.f32 v6  }
0xc2: {  	v3 =	vtrunc.f32 v3;
	v6 =	vcvt.f32.s32 v6  }
0xc3: {  	v3 =	vcvt.f32.s32 v3;
	v7 =	vadd.f32 $1.275000000e+02, v7;
	v10 =	vmax.f32 v5, $0.0e+00  }
0xc4: {  	v4 =	vmul.f32 $3.187499810e+01, v4;
	v10 =	vmin.f32 v10, $2.539999850e+02;
	v11 =	vadd.s32 $0x1, v6  }
0xc5: {  	v8 =	vmul.f32 $3.187499810e+01, v8;
	v12 =	vmax.f32 v7, $0.0e+00;
	v10 =	vtrunc.f32 v10  }
0xc6: {  	v9 =	vld [tilespmem:s6+$0x40];
	v4 =	vadd.f32 $1.275000000e+02, v4;
	v12 =	vmin.f32 v12, $2.539999850e+02;
	v10 =	vcvt.f32.s32 v10  }
0xc7: {  	v8 =	vadd.f32 $1.275000000e+02, v8;
	v12 =	vtrunc.f32 v12  }
0xc8: {  	v13 =	vmax.f32 v4, $0.0e+00;
	v12 =	vcvt.f32.s32 v12;
	v14 =	vadd.s32 $0x1, v10;
	v15 =	vld.idx.msk [tilespmem:v6+s29+$0x0], $0xffff  }
0xc9: {  	v1 =	vadd.f32 $1.275000000e+02, v1;
	v19 =	vadd.s32 $0x1, v3;
	v13 =	vmin.f32 v13, $2.539999850e+02;
	v11 =	vld.idx.msk [tilespmem:v11+s29+$0x0], $0xffff  }
0xca: {  	v16 =	vmax.f32 v8, $0.0e+00;
	v13 =	vtrunc.f32 v13;
	v17 =	vadd.s32 $0x1, v12  }
0xcb: {  	v9 =	vmul.f32 $3.187499810e+01, v9;
	v20 =	vld.idx.msk [tilespmem:v3+s29+$0x0], $0xffff;
	v16 =	vmin.f32 v16, $2.539999850e+02;
	v13 =	vcvt.f32.s32 v13  }
0xcc: {  	v18 =	vmax.f32 v1, $0.0e+00;
	v6 =	vcvt.s32.f32 v6;
	v16 =	vtrunc.f32 v16;
	v50 =	vld.idx.msk [tilespmem:v10+s29+$0x0], $0xffff  }
0xcd: {  	v9 =	vadd.f32 $1.275000000e+02, v9;
	v16 =	vcvt.f32.s32 v16;
	v49 =	vadd.s32 $0x1, v13;
	v14 =	vld.idx.msk [tilespmem:v14+s29+$0x0], $0xffff  }
0xce: {  	v18 =	vmin.f32 v18, $2.539999850e+02;
	v0 =	vsub.f32 v0, v6;
	v52 =	vld.idx.msk [tilespmem:v12+s29+$0x0], $0xffff;
	v6 =	vsub.f32 v11, v15  }
0xcf: {  	v18 =	vtrunc.f32 v18;
	v10 =	vcvt.s32.f32 v10;
	v53 =	vadd.s32 $0x1, v16;
	v17 =	vld.idx.msk [tilespmem:v17+s29+$0x0], $0xffff  }
0xd0: {  	v18 =	vcvt.f32.s32 v18;
	v19 =	vld.idx.msk [tilespmem:v19+s29+$0x0], $0xffff;
	v51 =	vmax.f32 v9, $0.0e+00;
	v0 =	vmul.f32 v0, v6  }
0xd1: {  	v12 =	vcvt.s32.f32 v12;
	v5 =	vsub.f32 v5, v10;
	v11 =	vmin.f32 v51, $2.539999850e+02;
	v54 =	vld.idx.msk [tilespmem:v13+s29+$0x0], $0xffff  }
0xd2: {  	v6 =	vadd.s32 $0x1, v18;
	v10 =	vld.idx.msk [tilespmem:v49+s29+$0x0], $0xffff;
	v14 =	vsub.f32 v14, v50;
	v0 =	vadd.f32 v0, v15  }
0xd3: {  	v7 =	vsub.f32 v7, v12;
	v11 =	vtrunc.f32 v11;
	v13 =	vcvt.s32.f32 v13;
	v15 =	vld.idx.msk [tilespmem:v16+s29+$0x0], $0xffff  }
0xd4: {  	v11 =	vcvt.f32.s32 v11;
	v12 =	vsub.f32 v17, v52;
	v17 =	vld.idx.msk [tilespmem:v53+s29+$0x0], $0xffff;
	v5 =	vmul.f32 v5, v14;
	[tilespmem:s31+$0x90] =	vst v0  }
0xd5: {  	v3 =	vcvt.s32.f32 v3;
	v4 =	vsub.f32 v4, v13;
	v14 =	vld [tilespmem:s1+$0xA0]  }
0xd6: {  	v13 =	vld.idx.msk [tilespmem:v18+s29+$0x0], $0xffff;
	v16 =	vcvt.s32.f32 v16;
	v7 =	vmul.f32 v7, v12;
	v5 =	vadd.f32 v5, v50  }
0xd7: {  	v0 =	vadd.s32 $0x1, v11;
	v12 =	vcvt.s32.f32 v18;
	v6 =	vld.idx.msk [tilespmem:v6+s29+$0x0], $0xffff;
	v10 =	vsub.f32 v10, v54  }
0xd8: {  	v2 =	vsub.f32 v2, v3;
	[tilespmem:s31+$0xFFFFFF10] =	vst v5;
	v5 =	vadd.f32 v7, v52  }
0xd9: {  	v1 =	vsub.f32 v1, v12;
	v3 =	vmul.f32 v4, v10;
	v7 =	vsub.f32 v8, v16;
	v4 =	vld [tilespmem:s1+$0xFFFFFF20]  }
0xda: {  	v8 =	vcvt.s32.f32 v11;
	v10 =	vsub.f32 v17, v15;
	v11 =	vld.idx.msk [tilespmem:v11+s29+$0x0], $0xffff;
	[tilespmem:s31+$0xFFFFFF90] =	vst v5;
	v5 =	vmul.f32 $3.187499810e+01, v14  }
0xdb: {  	v3 =	vadd.f32 v3, v54;
	v12 =	vld [tilespmem:s1+$0xFFFFFFA0];
	v14 =	vsub.f32 v19, v20  }
0xdc: {  	v0 =	vld.idx.msk [tilespmem:v0+s29+$0x0], $0xffff;
	v6 =	vsub.f32 v6, v13;
	v5 =	vadd.f32 $1.275000000e+02, v5  }
0xdd: {  	v8 =	vsub.f32 v9, v8;
	v7 =	vmul.f32 v7, v10;
	[tilespmem:s31+$0x10] =	vst v3;
	v2 =	vmul.f32 v2, v14  }
0xde: {  	v3 =	vld [tilespmem:s1+$0x20];
	v1 =	vmul.f32 v1, v6;
	v4 =	vmul.f32 $3.187499810e+01, v4;
	v9 =	vmax.f32 v5, $0.0e+00  }
0xdf: {  	v6 =	vadd.f32 v7, v15;
	v2 =	vadd.f32 v2, v20;
	v7 =	vmin.f32 v9, $2.539999850e+02  }
0xe0: {  	v4 =	vadd.f32 $1.275000000e+02, v4;
	v9 =	vmul.f32 $3.187499810e+01, v12;
	v7 =	vtrunc.f32 v7  }
0xe1: {  	v0 =	vsub.f32 v0, v11;
	[tilespmem:s30+$0xD0] =	vst v6;
	v7 =	vcvt.f32.s32 v7  }
0xe2: {  	v1 =	vadd.f32 v1, v13;
	[tilespmem:s30+$0xFFFFFF40] =	vst v2;
	v2 =	vld [tilespmem:s6+$0xE0];
	v6 =	vmax.f32 v4, $0.0e+00;
	v9 =	vadd.f32 $1.275000000e+02, v9  }
0xe3: {  	v3 =	vmul.f32 $3.187499810e+01, v3;
	v6 =	vmin.f32 v6, $2.539999850e+02;
	v10 =	vadd.s32 $0x1, v7  }
0xe4: {  	v0 =	vmul.f32 v8, v0;
	[tilespmem:s30+$0xFFFFFFC0] =	vst v1;
	v8 =	vld [tilespmem:s6+$0xFFFFFF50];
	v6 =	vtrunc.f32 v6;
	v1 =	vmax.f32 v9, $0.0e+00  }
0xe5: {  	v3 =	vadd.f32 $1.275000000e+02, v3;
	v6 =	vcvt.f32.s32 v6;
	v1 =	vmin.f32 v1, $2.539999850e+02  }
0xe6: {  	v0 =	vadd.f32 v0, v11;
	v11 =	vld [tilespmem:s6+$0xFFFFFFD0];
	v1 =	vtrunc.f32 v1  }
0xe7: {  	v12 =	vmax.f32 v3, $0.0e+00;
	v2 =	vmul.f32 $3.187499810e+01, v2;
	v13 =	vadd.s32 $0x1, v6;
	v14 =	vld.idx.msk [tilespmem:v7+s29+$0x0], $0xffff  }
0xe8: {  	v1 =	vcvt.f32.s32 v1;
	v12 =	vmin.f32 v12, $2.539999850e+02;
	v10 =	vld.idx.msk [tilespmem:v10+s29+$0x0], $0xffff  }
0xe9: {  	[tilespmem:s30+$0x40] =	vst v0;
	v0 =	vmul.f32 $3.187499810e+01, v8;
	v8 =	vtrunc.f32 v12;
	v2 =	vadd.f32 $1.275000000e+02, v2  }
0xea: {  	v12 =	vld [tilespmem:s6+$0x50];
	v7 =	vcvt.s32.f32 v7;
	v15 =	vadd.s32 $0x1, v1;
	v8 =	vcvt.f32.s32 v8  }
0xeb: {  	v11 =	vmul.f32 $3.187499810e+01, v11;
	v0 =	vadd.f32 $1.275000000e+02, v0;
	v16 =	vld.idx.msk [tilespmem:v6+s29+$0x0], $0xffff  }
0xec: {  	v17 =	vmax.f32 v2, $0.0e+00;
	v5 =	vsub.f32 v5, v7;
	v18 =	vadd.s32 $0x1, v8;
	v13 =	vld.idx.msk [tilespmem:v13+s29+$0x0], $0xffff  }
0xed: {  	v17 =	vmin.f32 v17, $2.539999850e+02;
	v6 =	vcvt.s32.f32 v6;
	v7 =	vsub.f32 v10, v14  }
0xee: {  	v19 =	vmax.f32 v0, $0.0e+00;
	v10 =	vadd.f32 $1.275000000e+02, v11;
	v11 =	vtrunc.f32 v17;
	v17 =	vld.idx.msk [tilespmem:v1+s29+$0x0], $0xffff  }
0xef: {  	v4 =	vsub.f32 v4, v6;
	v15 =	vld.idx.msk [tilespmem:v15+s29+$0x0], $0xffff;
	v11 =	vcvt.f32.s32 v11;
	v5 =	vmul.f32 v5, v7  }
0xf0: {  	v1 =	vcvt.s32.f32 v1;
	v6 =	vld.idx.msk [tilespmem:v8+s29+$0x0], $0xffff;
	v7 =	vmul.f32 $3.187499810e+01, v12;
	v12 =	vmin.f32 v19, $2.539999850e+02  }
0xf1: {  	v18 =	vld.idx.msk [tilespmem:v18+s29+$0x0], $0xffff;
	v19 =	vadd.s32 $0x1, v11;
	v13 =	vsub.f32 v13, v16;
	v5 =	vadd.f32 v5, v14  }
0xf2: {  	v12 =	vtrunc.f32 v12  }
0xf3: {  	v1 =	vsub.f32 v9, v1;
	v12 =	vcvt.f32.s32 v12;
	v4 =	vmul.f32 v4, v13;
	[tilespmem:s31+$0xA0] =	vst v5  }
0xf4: {  	v14 =	vmax.f32 v10, $0.0e+00;
	v5 =	vcvt.s32.f32 v8;
	v8 =	vsub.f32 v15, v17;
	v9 =	vld [tilespmem:s1+$0xB0]  }
0xf5: {  	v7 =	vadd.f32 $1.275000000e+02, v7;
	v15 =	vadd.s32 $0x1, v12;
	v13 =	vld.idx.msk [tilespmem:v11+s29+$0x0], $0xffff;
	v4 =	vadd.f32 v4, v16  }
0xf6: {  	v16 =	vld.idx.msk [tilespmem:v19+s29+$0x0], $0xffff;
	v3 =	vsub.f32 v3, v5;
	v1 =	vmul.f32 v1, v8;
	v5 =	vsub.f32 v18, v6  }
0xf7: {  	v8 =	vmin.f32 v14, $2.539999850e+02;
	v14 =	vmax.f32 v7, $0.0e+00  }
0xf8: {  	[tilespmem:s31+$0xFFFFFF20] =	vst v4;
	v4 =	vcvt.s32.f32 v11;
	v1 =	vadd.f32 v1, v17;
	v3 =	vmul.f32 v3, v5  }
0xf9: {  	v11 =	vmin.f32 v14, $2.539999850e+02;
	v8 =	vtrunc.f32 v8;
	v5 =	vld [tilespmem:s1+$0xFFFFFF30]  }
0xfa: {  	v2 =	vsub.f32 v2, v4;
	v4 =	vld.idx.msk [tilespmem:v15+s29+$0x0], $0xffff;
	v9 =	vmul.f32 $3.187499810e+01, v9;
	[tilespmem:s31+$0xFFFFFFA0] =	vst v1;
	v1 =	vadd.f32 v3, v6  }
0xfb: {  	v8 =	vcvt.f32.s32 v8;
	v3 =	vtrunc.f32 v11;
	v6 =	vsub.f32 v16, v13;
	v11 =	vld [tilespmem:s1+$0xFFFFFFB0]  }
0xfc: {  	v15 =	vld.idx.msk [tilespmem:v12+s29+$0x0], $0xffff;
	v12 =	vcvt.s32.f32 v12;
	v9 =	vadd.f32 $1.275000000e+02, v9;
	[tilespmem:s31+$0x20] =	vst v1  }
0xfd: {  	v14 =	vadd.s32 $0x1, v8;
	v3 =	vcvt.f32.s32 v3;
	v1 =	vmul.f32 v2, v6;
	v2 =	vld [tilespmem:s1+$0x30]  }
0xfe: {  	v5 =	vmul.f32 $3.187499810e+01, v5;
	v6 =	vmax.f32 v9, $0.0e+00  }
0xff: {  	v0 =	vsub.f32 v0, v12;
	v6 =	vmin.f32 v6, $2.539999850e+02;
	v1 =	vadd.f32 v1, v13  }
0x100: {  	v5 =	vadd.f32 $1.275000000e+02, v5;
	v6 =	vtrunc.f32 v6;
	v11 =	vmul.f32 $3.187499810e+01, v11  }
0x101: {  	v16 =	vadd.s32 $0x1, v3;
	v6 =	vcvt.f32.s32 v6;
	[tilespmem:s30+$0xE0] =	vst v1;
	v1 =	vsub.f32 v4, v15  }
0x102: {  	v12 =	vld.idx.msk [tilespmem:v14+s29+$0x0], $0xffff;
	v4 =	vmax.f32 v5, $0.0e+00;
	v11 =	vadd.f32 $1.275000000e+02, v11;
	v2 =	vmul.f32 $3.187499810e+01, v2  }
0x103: {  	v18 =	vld.idx.msk [tilespmem:v3+s29+$0x0], $0xffff;
	v14 =	vadd.s32 $0x1, v6;
	v0 =	vmul.f32 v0, v1;
	v1 =	vmin.f32 v4, $2.539999850e+02  }
0x104: {  	v3 =	vcvt.s32.f32 v3;
	v13 =	vld [tilespmem:s6+$0xF0];
	v1 =	vtrunc.f32 v1;
	v17 =	vmax.f32 v11, $0.0e+00  }
0x105: {  	v4 =	vld.idx.msk [tilespmem:v8+s29+$0x0], $0xffff;
	v2 =	vadd.f32 $1.275000000e+02, v2;
	v19 =	vcvt.f32.s32 v1;
	v1 =	vmin.f32 v17, $2.539999850e+02  }
0x106: {  	v16 =	vld.idx.msk [tilespmem:v16+s29+$0x0], $0xffff;
	v8 =	vcvt.s32.f32 v8;
	v1 =	vtrunc.f32 v1  }
0x107: {  	v0 =	vadd.f32 v0, v15;
	v17 =	vmax.f32 v2, $0.0e+00;
	v15 =	vld.idx.msk [tilespmem:v6+s29+$0x0], $0xffff;
	v55 =	vcvt.f32.s32 v1  }
0x108: {  	v8 =	vsub.f32 v10, v8;
	v20 =	vadd.s32 $0x1, v19;
	v1 =	vmin.f32 v17, $2.539999850e+02;
	v14 =	vld.idx.msk [tilespmem:v14+s29+$0x0], $0xffff  }
0x109: {  	v10 =	vmul.f32 $3.187499810e+01, v13;
	[tilespmem:s30+$0xFFFFFF50] =	vst v0;
	v1 =	vtrunc.f32 v1;
	v0 =	vadd.s32 $0x1, v55  }
0x10a: {  	v13 =	vcvt.f32.s32 v1;
	v1 =	vsub.f32 v7, v3;
	v3 =	vsub.f32 v12, v4;
	v7 =	vld [tilespmem:s6+$0xFFFFFF60]  }
0x10b: {  	v6 =	vcvt.s32.f32 v6;
	v10 =	vadd.f32 $1.275000000e+02, v10  }
0x10c: {  	v12 =	vsub.f32 v16, v18;
	v16 =	vld.idx.msk [tilespmem:v19+s29+$0x0], $0xffff;
	v17 =	vadd.s32 $0x1, v13;
	v3 =	vmul.f32 v8, v3  }
0x10d: {  	v6 =	vsub.f32 v9, v6;
	v8 =	vld.idx.msk [tilespmem:v20+s29+$0x0], $0xffff;
	v9 =	vsub.f32 v14, v15  }
0x10e: {  	v1 =	vmul.f32 v1, v12;
	v14 =	vmax.f32 v10, $0.0e+00;
	v12 =	vld.idx.msk [tilespmem:v55+s29+$0x0], $0xffff;
	v3 =	vadd.f32 v3, v4  }
0x10f: {  	v14 =	vmin.f32 v14, $2.539999850e+02;
	v0 =	vld.idx.msk [tilespmem:v0+s29+$0x0], $0xffff;
	v7 =	vmul.f32 $3.187499810e+01, v7;
	v4 =	vmul.f32 v6, v9  }
0x110: {  	v6 =	vtrunc.f32 v14;
	v9 =	vadd.f32 v1, v18;
	v14 =	vld.idx.msk [tilespmem:v13+s29+$0x0], $0xffff;
	v13 =	vcvt.s32.f32 v13  }
0x111: {  	[tilespmem:s30+$0xFFFFFFD0] =	vst v3;
	v1 =	vcvt.f32.s32 v6;
	v6 =	vcvt.s32.f32 v19;
	v3 =	vld.idx.msk [tilespmem:v17+s29+$0x0], $0xffff  }
0x112: {  	v7 =	vadd.f32 $1.275000000e+02, v7;
	v4 =	vadd.f32 v4, v15;
	v15 =	vcvt.s32.f32 v55;
	[tilespmem:s30+$0x50] =	vst v9;
	v9 =	vld [tilespmem:s6+$0xFFFFFFE0]  }
0x113: {  	v8 =	vsub.f32 v8, v16;
	v2 =	vsub.f32 v2, v13;
	v17 =	vld [tilespmem:s6+$0x60]  }
0x114: {  	v5 =	vsub.f32 v5, v6;
	[tilespmem:s31+$0xB0] =	vst v4;
	v4 =	vsub.f32 v11, v15;
	v11 =	vmax.f32 v7, $0.0e+00  }
0x115: {  	s0 =	simm.s32 $0xC500;
	v6 =	vcvt.s32.f32 v1;
	v13 =	vsub.f32 v0, v12;
	v15 =	vld [tilespmem:s1+$0xC0];
	v0 =	vmin.f32 v11, $2.539999850e+02  }
0x116: {  	v5 =	vmul.f32 v5, v8;
	v11 =	vld [tilespmem:s0+$0xFFFFFF80];
	v8 =	vtrunc.f32 v0  }
0x117: {  	v3 =	vsub.f32 v3, v14;
	v0 =	vsub.f32 v10, v6;
	v4 =	vmul.f32 v4, v13;
	v6 =	vld [tilespmem:s0+$0x80]  }
0x118: {  	v9 =	vmul.f32 $3.187499810e+01, v9;
	v5 =	vadd.f32 v5, v16;
	v10 =	vmul.f32 $3.187499810e+01, v17  }
0x119: {  	v8 =	vcvt.f32.s32 v8;
	v13 =	vmul.f32 v2, v3;
	v4 =	vadd.f32 v4, v12;
	v12 =	vld [tilespmem:s0+$0xFFFFFF00]  }
0x11a: {  	v17 =	vld [tilespmem:s0+$0x0];
	v2 =	vadd.f32 $1.275000000e+02, v9;
	v15 =	vmul.f32 $3.187499810e+01, v15;
	v3 =	vadd.f32 $1.275000000e+02, v10  }
0x11b: {  	v9 =	vadd.f32 v13, v14;
	v10 =	vadd.s32 $0x1, v8;
	v11 =	vmul.f32 $3.187499810e+01, v11  }
0x11c: {  	v14 =	vcvt.s32.f32 v8;
	v6 =	vmul.f32 $3.187499810e+01, v6;
	v13 =	vadd.f32 $1.275000000e+02, v15  }
0x11d: {  	v15 =	vmax.f32 v2, $0.0e+00;
	v18 =	vmax.f32 v3, $0.0e+00;
	v11 =	vadd.f32 $1.275000000e+02, v11  }
0x11e: {  	v6 =	vadd.f32 $1.275000000e+02, v6;
	v12 =	vmul.f32 $3.187499810e+01, v12;
	v19 =	vmax.f32 v13, $0.0e+00  }
0x11f: {  	[tilespmem:s31+$0xFFFFFF30] =	vst v5;
	v17 =	vmul.f32 $3.187499810e+01, v17;
	v15 =	vmin.f32 v15, $2.539999850e+02;
	v19 =	vmin.f32 v19, $2.539999850e+02  }
0x120: {  	v58 =	vld [tilespmem:s1+$0xFFFFFF40];
	v18 =	vmin.f32 v18, $2.539999850e+02;
	v56 =	vmax.f32 v11, $0.0e+00;
	v19 =	vtrunc.f32 v19  }
0x121: {  	[tilespmem:s31+$0xFFFFFFB0] =	vst v4;
	v20 =	vmax.f32 v6, $0.0e+00;
	v12 =	vadd.f32 $1.275000000e+02, v12;
	v19 =	vcvt.f32.s32 v19  }
0x122: {  	v59 =	vld [tilespmem:s1+$0xFFFFFFC0];
	v15 =	vtrunc.f32 v15;
	v18 =	vtrunc.f32 v18;
	v20 =	vmin.f32 v20, $2.539999850e+02  }
0x123: {  	v5 =	vtrunc.f32 v20;
	v20 =	vmax.f32 v12, $0.0e+00;
	v57 =	vadd.s32 $0x1, v19  }
0x124: {  	[tilespmem:s31+$0x30] =	vst v9;
	v17 =	vadd.f32 $1.275000000e+02, v17;
	v5 =	vcvt.f32.s32 v5;
	v20 =	vmin.f32 v20, $2.539999850e+02  }
0x125: {  	v60 =	vld [tilespmem:s1+$0x40];
	v9 =	vmin.f32 v56, $2.539999850e+02;
	v23 =	vmul.f32 $3.187499810e+01, v58;
	v20 =	vtrunc.f32 v20  }
0x126: {  	v8 =	vld.idx.msk [tilespmem:v8+s29+$0x0], $0xffff;
	v18 =	vcvt.f32.s32 v18;
	v61 =	vadd.s32 $0x1, v5;
	v20 =	vcvt.f32.s32 v20  }
0x127: {  	v9 =	vtrunc.f32 v9;
	v24 =	vmul.f32 $3.187499810e+01, v59;
	v4 =	vmax.f32 v17, $0.0e+00;
	v62 =	vld.idx.msk [tilespmem:v19+s29+$0x0], $0xffff  }
0x128: {  	v9 =	vcvt.f32.s32 v9;
	v4 =	vmin.f32 v4, $2.539999850e+02;
	v33 =	vadd.s32 $0x1, v20;
	v22 =	vld.idx.msk [tilespmem:v57+s29+$0x0], $0xffff  }
0x129: {  	v16 =	vadd.s32 $0x1, v1;
	v10 =	vld.idx.msk [tilespmem:v10+s29+$0x0], $0xffff;
	v52 =	vcvt.s32.f32 v18;
	v4 =	vtrunc.f32 v4  }
0x12a: {  	v23 =	vadd.f32 $1.275000000e+02, v23;
	v21 =	vmul.f32 $3.187499810e+01, v60;
	v63 =	vcvt.f32.s32 v4;
	v31 =	vld.idx.msk [tilespmem:v5+s29+$0x0], $0xffff  }
0x12b: {  	v4 =	vsub.f32 v7, v14;
	v14 =	vadd.s32 $0x1, v9;
	v19 =	vcvt.s32.f32 v19;
	v25 =	vld.idx.msk [tilespmem:v61+s29+$0x0], $0xffff  }
0x12c: {  	v48 =	vadd.s32 $0x1, v18;
	v29 =	vcvt.s32.f32 v9;
	v7 =	vcvt.s32.f32 v20;
	v20 =	vld.idx.msk [tilespmem:v20+s29+$0x0], $0xffff  }
0x12d: {  	v30 =	vadd.s32 $0x1, v63;
	v13 =	vsub.f32 v13, v19;
	v28 =	vld.idx.msk [tilespmem:v33+s29+$0x0], $0xffff;
	v19 =	vsub.f32 v22, v62  }
0x12e: {  	v34 =	vmax.f32 v23, $0.0e+00;
	v21 =	vadd.f32 $1.275000000e+02, v21;
	v5 =	vcvt.s32.f32 v5  }
0x12f: {  	v10 =	vsub.f32 v10, v8;
	v11 =	vsub.f32 v11, v29;
	v9 =	vld.idx.msk [tilespmem:v9+s29+$0x0], $0xffff;
	v13 =	vmul.f32 v13, v19  }
0x130: {  	v38 =	vmax.f32 v21, $0.0e+00;
	v14 =	vld.idx.msk [tilespmem:v14+s29+$0x0], $0xffff;
	v5 =	vsub.f32 v6, v5;
	v6 =	vsub.f32 v25, v31  }
0x131: {  	v7 =	vsub.f32 v12, v7;
	v12 =	vcvt.s32.f32 v63;
	v37 =	vld.idx.msk [tilespmem:v63+s29+$0x0], $0xffff;
	v13 =	vadd.f32 v13, v62  }
0x132: {  	v35 =	vld.idx.msk [tilespmem:v30+s29+$0x0], $0xffff;
	v19 =	vmin.f32 v34, $2.539999850e+02;
	v5 =	vmul.f32 v5, v6;
	v40 =	vsub.f32 v28, v20  }
0x133: {  	v12 =	vsub.f32 v17, v12;
	v17 =	vadd.f32 $1.275000000e+02, v24;
	v19 =	vtrunc.f32 v19;
	[tilespmem:s31+$0xC0] =	vst v13  }
0x134: {  	v5 =	vadd.f32 v5, v31;
	v7 =	vmul.f32 v7, v40;
	v13 =	vcvt.f32.s32 v19;
	v19 =	vld [tilespmem:s1+$0xD0]  }
0x135: {  	s5 =	simm.s32 $0x13500;
	v4 =	vmul.f32 v4, v10;
	v36 =	vmax.f32 v17, $0.0e+00;
	v14 =	vsub.f32 v14, v9  }
0x136: {  	v39 =	vmin.f32 v38, $2.539999850e+02;
	v6 =	vmin.f32 v36, $2.539999850e+02;
	[tilespmem:s5+$0x80] =	vst v5;
	v7 =	vadd.f32 v7, v20  }
0x137: {  	v11 =	vmul.f32 v11, v14;
	v6 =	vtrunc.f32 v6;
	v5 =	vsub.f32 v35, v37;
	v20 =	vld [tilespmem:s0+$0x90]  }
0x138: {  	v3 =	vsub.f32 v3, v52;
	v22 =	vtrunc.f32 v39;
	v6 =	vcvt.f32.s32 v6;
	[tilespmem:s5+$0xFFFFFF00] =	vst v7  }
0x139: {  	v5 =	vmul.f32 v12, v5;
	v7 =	vadd.f32 v11, v9;
	v43 =	vld [tilespmem:s0+$0xFFFFFF10];
	v9 =	vmul.f32 $3.187499810e+01, v19  }
0x13a: {  	v1 =	vld.idx.msk [tilespmem:v1+s29+$0x0], $0xffff;
	v4 =	vadd.f32 v4, v8;
	v22 =	vcvt.f32.s32 v22;
	v11 =	vcvt.s32.f32 v6  }
0x13b: {  	v18 =	vld.idx.msk [tilespmem:v18+s29+$0x0], $0xffff;
	v41 =	vcvt.s32.f32 v13;
	v5 =	vadd.f32 v5, v37;
	[tilespmem:s5+$0xFFFFFF80] =	vst v7;
	v7 =	vadd.f32 $1.275000000e+02, v9  }
0x13c: {  	v14 =	vld.idx.msk [tilespmem:v16+s29+$0x0], $0xffff;
	v9 =	vsub.f32 v17, v11;
	v11 =	vcvt.f32.s32 v15;
	v15 =	vmul.f32 $3.187499810e+01, v20  }
0x13d: {  	v44 =	vcvt.s32.f32 v22;
	v16 =	vadd.s32 $0x1, v13;
	v19 =	vsub.f32 v23, v41;
	v17 =	vld [tilespmem:s0+$0xFFFFFF90]  }
0x13e: {  	v27 =	vld.idx.msk [tilespmem:v48+s29+$0x0], $0xffff;
	[tilespmem:s5+$0x0] =	vst v5;
	v23 =	vmul.f32 $3.187499810e+01, v43;
	v45 =	vmax.f32 v7, $0.0e+00;
	v15 =	vadd.f32 $1.275000000e+02, v15  }
0x13f: {  	[tilespmem:s30+$0xFFFFFF60] =	vst v4;
	v42 =	vadd.s32 $0x1, v6;
	v5 =	vsub.f32 v21, v44;
	v20 =	vld [tilespmem:s0+$0x10];
	v21 =	vmin.f32 v45, $2.539999850e+02  }
0x140: {  	v60 =	vld [tilespmem:s6+$0xFFFFFF70];
	v23 =	vadd.f32 $1.275000000e+02, v23;
	v21 =	vtrunc.f32 v21;
	v49 =	vmax.f32 v15, $0.0e+00  }
0x141: {  	v12 =	vadd.s32 $0x1, v22;
	v13 =	vld.idx.msk [tilespmem:v13+s29+$0x0], $0xffff;
	v21 =	vcvt.f32.s32 v21;
	v28 =	vmin.f32 v49, $2.539999850e+02  }
0x142: {  	v16 =	vld.idx.msk [tilespmem:v16+s29+$0x0], $0xffff;
	v17 =	vmul.f32 $3.187499810e+01, v17;
	v51 =	vmax.f32 v23, $0.0e+00;
	v28 =	vtrunc.f32 v28  }
0x143: {  	v22 =	vld.idx.msk [tilespmem:v22+s29+$0x0], $0xffff;
	v30 =	vmin.f32 v51, $2.539999850e+02;
	v50 =	vadd.s32 $0x1, v21;
	v28 =	vcvt.f32.s32 v28  }
0x144: {  	v6 =	vld.idx.msk [tilespmem:v6+s29+$0x0], $0xffff;
	v20 =	vmul.f32 $3.187499810e+01, v20;
	v17 =	vadd.f32 $1.275000000e+02, v17;
	v30 =	vtrunc.f32 v30  }
0x145: {  	v26 =	vld.idx.msk [tilespmem:v42+s29+$0x0], $0xffff;
	v46 =	vcvt.s32.f32 v11;
	v30 =	vcvt.f32.s32 v30;
	v32 =	vadd.s32 $0x1, v28  }
0x146: {  	v12 =	vld.idx.msk [tilespmem:v12+s29+$0x0], $0xffff;
	v47 =	vadd.s32 $0x1, v11;
	v20 =	vadd.f32 $1.275000000e+02, v20;
	v33 =	vmax.f32 v17, $0.0e+00  }
0x147: {  	v16 =	vsub.f32 v16, v13;
	v33 =	vmin.f32 v33, $2.539999850e+02;
	v36 =	vadd.s32 $0x1, v30;
	v35 =	vld.idx.msk [tilespmem:v21+s29+$0x0], $0xffff  }
0x148: {  	v24 =	vsub.f32 v2, v46;
	v34 =	vmax.f32 v20, $0.0e+00;
	v33 =	vtrunc.f32 v33;
	v29 =	vld.idx.msk [tilespmem:v50+s29+$0x0], $0xffff  }
0x149: {  	v2 =	vmul.f32 v19, v16;
	v34 =	vmin.f32 v34, $2.539999850e+02;
	v33 =	vcvt.f32.s32 v33;
	v53 =	vld.idx.msk [tilespmem:v28+s29+$0x0], $0xffff  }
0x14a: {  	v26 =	vsub.f32 v26, v6;
	v34 =	vtrunc.f32 v34;
	v28 =	vcvt.s32.f32 v28;
	v16 =	vld.idx.msk [tilespmem:v32+s29+$0x0], $0xffff  }
0x14b: {  	v21 =	vcvt.s32.f32 v21;
	v34 =	vcvt.f32.s32 v34;
	v19 =	vadd.s32 $0x1, v33;
	v55 =	vld.idx.msk [tilespmem:v30+s29+$0x0], $0xffff  }
0x14c: {  	v9 =	vmul.f32 v9, v26;
	v2 =	vadd.f32 v2, v13;
	v13 =	vsub.f32 v15, v28;
	v15 =	vld.idx.msk [tilespmem:v36+s29+$0x0], $0xffff  }
0x14d: {  	v11 =	vld.idx.msk [tilespmem:v11+s29+$0x0], $0xffff;
	v7 =	vsub.f32 v7, v21;
	v54 =	vadd.s32 $0x1, v34;
	v29 =	vsub.f32 v29, v35  }
0x14e: {  	v12 =	vsub.f32 v12, v22;
	v25 =	vld.idx.msk [tilespmem:v47+s29+$0x0], $0xffff;
	v6 =	vadd.f32 v9, v6;
	v57 =	vcvt.s32.f32 v30  }
0x14f: {  	v10 =	vsub.f32 v27, v18;
	v56 =	vld.idx.msk [tilespmem:v33+s29+$0x0], $0xffff;
	v7 =	vmul.f32 v7, v29;
	v16 =	vsub.f32 v16, v53  }
0x150: {  	v5 =	vmul.f32 v5, v12;
	[tilespmem:s31+$0xFFFFFFC0] =	vst v6;
	v12 =	vsub.f32 v23, v57;
	v19 =	vld.idx.msk [tilespmem:v19+s29+$0x0], $0xffff  }
0x151: {  	v59 =	vld.idx.msk [tilespmem:v34+s29+$0x0], $0xffff;
	v15 =	vsub.f32 v15, v55;
	v13 =	vmul.f32 v13, v16;
	v7 =	vadd.f32 v7, v35  }
0x152: {  	v14 =	vsub.f32 v14, v1;
	v5 =	vadd.f32 v5, v22;
	[tilespmem:s31+$0xFFFFFF40] =	vst v2;
	v58 =	vcvt.s32.f32 v33;
	v9 =	vld.idx.msk [tilespmem:v54+s29+$0x0], $0xffff  }
0x153: {  	v6 =	vld [tilespmem:s1+$0xFFFFFF50];
	v12 =	vmul.f32 v12, v15;
	v13 =	vadd.f32 v13, v53;
	[tilespmem:s31+$0xD0] =	vst v7  }
0x154: {  	v3 =	vmul.f32 v3, v10;
	v2 =	vmul.f32 v0, v14;
	[tilespmem:s31+$0x40] =	vst v5;
	v0 =	vsub.f32 v17, v58;
	v5 =	vld [tilespmem:s1+$0xE0]  }
0x155: {  	v14 =	vcvt.s32.f32 v34;
	v15 =	vsub.f32 v19, v56;
	v10 =	vadd.f32 v12, v55;
	[tilespmem:s5+$0x90] =	vst v13;
	v13 =	vld [tilespmem:s1+$0x50]  }
0x156: {  	v3 =	vadd.f32 v3, v18;
	v1 =	vadd.f32 v2, v1;
	v8 =	vld [tilespmem:s0+$0xA0]  }
0x157: {  	v14 =	vsub.f32 v20, v14;
	v16 =	vld [tilespmem:s1+$0xFFFFFFD0];
	v9 =	vsub.f32 v9, v59;
	v0 =	vmul.f32 v0, v15;
	[tilespmem:s5+$0xFFFFFF10] =	vst v10  }
0x158: {  	v21 =	vmul.f32 $3.187499810e+01, v60;
	v6 =	vmul.f32 $3.187499810e+01, v6;
	v7 =	vsub.f32 v25, v11;
	v10 =	vld [tilespmem:s0+$0xFFFFFF20]  }
0x159: {  	v9 =	vmul.f32 v14, v9;
	v0 =	vadd.f32 v0, v56;
	v5 =	vmul.f32 $3.187499810e+01, v5  }
0x15a: {  	v6 =	vadd.f32 $1.275000000e+02, v6;
	v7 =	vmul.f32 v24, v7;
	v12 =	vmul.f32 $3.187499810e+01, v13  }
0x15b: {  	[tilespmem:s5+$0xFFFFFF90] =	vst v0;
	v0 =	vadd.f32 v9, v59;
	v8 =	vmul.f32 $3.187499810e+01, v8;
	v5 =	vadd.f32 $1.275000000e+02, v5  }
0x15c: {  	v7 =	vadd.f32 v7, v11;
	v11 =	vmul.f32 $3.187499810e+01, v16;
	v9 =	vld [tilespmem:s0+$0xFFFFFFA0];
	v12 =	vadd.f32 $1.275000000e+02, v12  }
0x15d: {  	[tilespmem:s5+$0x10] =	vst v0;
	v10 =	vmul.f32 $3.187499810e+01, v10;
	v0 =	vadd.f32 $1.275000000e+02, v8;
	v8 =	vmax.f32 v5, $0.0e+00  }
0x15e: {  	v11 =	vadd.f32 $1.275000000e+02, v11;
	v15 =	vld [tilespmem:s0+$0x20];
	v8 =	vmin.f32 v8, $2.539999850e+02;
	v17 =	vmax.f32 v12, $0.0e+00  }
0x15f: {  	v10 =	vadd.f32 $1.275000000e+02, v10;
	v16 =	vmax.f32 v0, $0.0e+00;
	v8 =	vtrunc.f32 v8  }
0x160: {  	v17 =	vmin.f32 v17, $2.539999850e+02;
	v16 =	vmin.f32 v16, $2.539999850e+02;
	v8 =	vcvt.f32.s32 v8  }
0x161: {  	v9 =	vmul.f32 $3.187499810e+01, v9;
	v19 =	vmax.f32 v10, $0.0e+00;
	v16 =	vtrunc.f32 v16  }
0x162: {  	v17 =	vtrunc.f32 v17;
	v19 =	vmin.f32 v19, $2.539999850e+02;
	v16 =	vcvt.f32.s32 v16  }
0x163: {  	v18 =	vadd.s32 $0x1, v8;
	v9 =	vadd.f32 $1.275000000e+02, v9;
	v15 =	vmul.f32 $3.187499810e+01, v15  }
0x164: {  	[tilespmem:s30+$0x60] =	vst v3;
	v13 =	vmax.f32 v6, $0.0e+00;
	v17 =	vcvt.f32.s32 v17;
	v4 =	vtrunc.f32 v19  }
0x165: {  	v37 =	vld [tilespmem:s6+$0x70];
	[tilespmem:s30+$0xFFFFFFE0] =	vst v7;
	v20 =	vadd.s32 $0x1, v16;
	v19 =	vmax.f32 v9, $0.0e+00;
	v15 =	vadd.f32 $1.275000000e+02, v15  }
0x166: {  	v3 =	vld [tilespmem:s6+$0xFFFFFFF0];
	v14 =	vmax.f32 v11, $0.0e+00;
	v4 =	vcvt.f32.s32 v4;
	v19 =	vmin.f32 v19, $2.539999850e+02  }
0x167: {  	v13 =	vmin.f32 v13, $2.539999850e+02;
	v61 =	vld.idx.msk [tilespmem:v8+s29+$0x0], $0xffff;
	v19 =	vtrunc.f32 v19;
	v62 =	vmax.f32 v15, $0.0e+00  }
0x168: {  	v63 =	vadd.s32 $0x1, v4;
	v18 =	vld.idx.msk [tilespmem:v18+s29+$0x0], $0xffff;
	v19 =	vcvt.f32.s32 v19;
	v23 =	vmin.f32 v62, $2.539999850e+02  }
0x169: {  	v14 =	vmin.f32 v14, $2.539999850e+02;
	v13 =	vtrunc.f32 v13;
	v33 =	vld.idx.msk [tilespmem:v16+s29+$0x0], $0xffff;
	v23 =	vtrunc.f32 v23  }
0x16a: {  	v14 =	vtrunc.f32 v14;
	v7 =	vld.idx.msk [tilespmem:v20+s29+$0x0], $0xffff;
	v23 =	vcvt.f32.s32 v23;
	v36 =	vadd.s32 $0x1, v19  }
0x16b: {  	v42 =	vadd.s32 $0x1, v17;
	v44 =	vcvt.s32.f32 v17;
	v8 =	vcvt.s32.f32 v8;
	v17 =	vld.idx.msk [tilespmem:v17+s29+$0x0], $0xffff  }
0x16c: {  	v14 =	vcvt.f32.s32 v14;
	v34 =	vcvt.s32.f32 v4;
	v4 =	vld.idx.msk [tilespmem:v4+s29+$0x0], $0xffff;
	v39 =	vadd.s32 $0x1, v23  }
0x16d: {  	v16 =	vcvt.s32.f32 v16;
	v5 =	vsub.f32 v5, v8;
	v8 =	vsub.f32 v18, v61;
	v18 =	vld.idx.msk [tilespmem:v63+s29+$0x0], $0xffff  }
0x16e: {  	v21 =	vadd.f32 $1.275000000e+02, v21;
	v13 =	vcvt.f32.s32 v13;
	v35 =	vcvt.s32.f32 v19;
	v19 =	vld.idx.msk [tilespmem:v19+s29+$0x0], $0xffff  }
0x16f: {  	v0 =	vsub.f32 v0, v16;
	v7 =	vsub.f32 v7, v33;
	v5 =	vmul.f32 v5, v8;
	v16 =	vld.idx.msk [tilespmem:v36+s29+$0x0], $0xffff  }
0x170: {  	v40 =	vcvt.s32.f32 v13;
	v38 =	vcvt.s32.f32 v23;
	v8 =	vadd.s32 $0x1, v14;
	v23 =	vld.idx.msk [tilespmem:v23+s29+$0x0], $0xffff  }
0x171: {  	v3 =	vmul.f32 $3.187499810e+01, v3;
	v0 =	vmul.f32 v0, v7;
	v5 =	vadd.f32 v5, v61;
	v7 =	vld.idx.msk [tilespmem:v39+s29+$0x0], $0xffff  }
0x172: {  	v41 =	vcvt.s32.f32 v14;
	v10 =	vsub.f32 v10, v34;
	v45 =	vld.idx.msk [tilespmem:v42+s29+$0x0], $0xffff;
	v18 =	vsub.f32 v18, v4  }
0x173: {  	v6 =	vsub.f32 v6, v40;
	v20 =	vadd.s32 $0x1, v13;
	v14 =	vld.idx.msk [tilespmem:v14+s29+$0x0], $0xffff;
	v0 =	vadd.f32 v0, v33;
	[tilespmem:s31+$0xE0] =	vst v5  }
0x174: {  	v9 =	vsub.f32 v9, v35;
	v43 =	vld [tilespmem:s1+$0xF0];
	v10 =	vmul.f32 v10, v18;
	v16 =	vsub.f32 v16, v19  }
0x175: {  	v3 =	vadd.f32 $1.275000000e+02, v3;
	v15 =	vsub.f32 v15, v38;
	v5 =	vmul.f32 $3.187499810e+01, v37;
	v8 =	vld.idx.msk [tilespmem:v8+s29+$0x0], $0xffff;
	[tilespmem:s5+$0xA0] =	vst v0  }
0x176: {  	v0 =	vld [tilespmem:s0+$0xB0];
	v4 =	vadd.f32 v10, v4;
	v9 =	vmul.f32 v9, v16;
	v7 =	vsub.f32 v7, v23  }
0x177: {  	v11 =	vsub.f32 v11, v41;
	v47 =	vsub.f32 v45, v17;
	v18 =	vmax.f32 v21, $0.0e+00  }
0x178: {  	v20 =	vld.idx.msk [tilespmem:v20+s29+$0x0], $0xffff;
	v5 =	vadd.f32 $1.275000000e+02, v5;
	[tilespmem:s5+$0xFFFFFF20] =	vst v4;
	v4 =	vadd.f32 v9, v19;
	v7 =	vmul.f32 v15, v7  }
0x179: {  	v10 =	vld.idx.msk [tilespmem:v13+s29+$0x0], $0xffff;
	v13 =	vmin.f32 v18, $2.539999850e+02;
	v16 =	vmax.f32 v3, $0.0e+00;
	v9 =	vmul.f32 $3.187499810e+01, v43  }
0x17a: {  	v16 =	vmin.f32 v16, $2.539999850e+02;
	v15 =	vld [tilespmem:s0+$0xFFFFFF30];
	v8 =	vsub.f32 v8, v14;
	[tilespmem:s5+$0xFFFFFFA0] =	vst v4;
	v4 =	vadd.f32 v7, v23  }
0x17b: {  	v0 =	vmul.f32 $3.187499810e+01, v0;
	v7 =	vadd.f32 $1.275000000e+02, v9;
	v9 =	vsub.f32 v12, v44;
	v12 =	vld [tilespmem:s0+$0xFFFFFFB0]  }
0x17c: {  	v18 =	vmax.f32 v5, $0.0e+00;
	v13 =	vtrunc.f32 v13;
	v16 =	vtrunc.f32 v16  }
0x17d: {  	v46 =	vcvt.f32.s32 v13;
	v8 =	vmul.f32 v11, v8;
	[tilespmem:s5+$0x20] =	vst v4;
	v4 =	vadd.f32 $1.275000000e+02, v0  }
0x17e: {  	v0 =	vsub.f32 v20, v10;
	v19 =	vmax.f32 v7, $0.0e+00;
	v20 =	vld [tilespmem:s0+$0x30];
	v9 =	vmul.f32 v9, v47  }
0x17f: {  	v19 =	vmin.f32 v19, $2.539999850e+02;
	v13 =	vmul.f32 $3.187499810e+01, v15;
	v15 =	vmax.f32 v4, $0.0e+00  }
0x180: {  	v19 =	vtrunc.f32 v19;
	v15 =	vmin.f32 v15, $2.539999850e+02;
	v12 =	vmul.f32 $3.187499810e+01, v12  }
0x181: {  	v19 =	vcvt.f32.s32 v19;
	v13 =	vadd.f32 $1.275000000e+02, v13;
	v15 =	vtrunc.f32 v15  }
0x182: {  	v6 =	vmul.f32 v6, v0;
	v15 =	vcvt.f32.s32 v15;
	v12 =	vadd.f32 $1.275000000e+02, v12  }
0x183: {  	v48 =	vadd.s32 $0x1, v19;
	v0 =	vmax.f32 v13, $0.0e+00;
	v20 =	vmul.f32 $3.187499810e+01, v20  }
0x184: {  	v0 =	vmin.f32 v0, $2.539999850e+02;
	v49 =	vadd.s32 $0x1, v15;
	v50 =	vmax.f32 v12, $0.0e+00  }
0x185: {  	v11 =	vtrunc.f32 v0;
	v20 =	vadd.f32 $1.275000000e+02, v20;
	v26 =	vmin.f32 v50, $2.539999850e+02  }
0x186: {  	v18 =	vmin.f32 v18, $2.539999850e+02;
	v0 =	vld.idx.msk [tilespmem:v46+s29+$0x0], $0xffff;
	v11 =	vcvt.f32.s32 v11;
	v26 =	vtrunc.f32 v26  }
0x187: {  	v6 =	vadd.f32 v6, v10;
	v51 =	vld.idx.msk [tilespmem:v19+s29+$0x0], $0xffff;
	v52 =	vmax.f32 v20, $0.0e+00;
	v26 =	vcvt.f32.s32 v26  }
0x188: {  	v10 =	vld.idx.msk [tilespmem:v48+s29+$0x0], $0xffff;
	v53 =	vadd.s32 $0x1, v11;
	v27 =	vmin.f32 v52, $2.539999850e+02;
	v54 =	vcvt.s32.f32 v11  }
0x189: {  	v8 =	vadd.f32 v8, v14;
	[tilespmem:s31+$0xFFFFFF50] =	vst v6;
	v2 =	vld.idx.msk [tilespmem:v15+s29+$0x0], $0xffff;
	v27 =	vtrunc.f32 v27;
	v6 =	vadd.s32 $0x1, v26  }
0x18a: {  	v25 =	vld.idx.msk [tilespmem:v49+s29+$0x0], $0xffff;
	v27 =	vcvt.f32.s32 v27;
	v28 =	vsub.f32 v13, v54;
	v13 =	vcvt.s32.f32 v19  }
0x18b: {  	v9 =	vadd.f32 v9, v17;
	v55 =	vld [tilespmem:s1+$0xFFFFFF60];
	v15 =	vcvt.s32.f32 v15;
	v14 =	vcvt.s32.f32 v26  }
0x18c: {  	v17 =	vld.idx.msk [tilespmem:v11+s29+$0x0], $0xffff;
	v11 =	vcvt.s32.f32 v27;
	v19 =	vadd.s32 $0x1, v27;
	v7 =	vsub.f32 v7, v13  }
0x18d: {  	v56 =	vsub.f32 v12, v14;
	v12 =	vcvt.f32.s32 v16;
	v24 =	vld.idx.msk [tilespmem:v53+s29+$0x0], $0xffff;
	v10 =	vsub.f32 v10, v51  }
0x18e: {  	v18 =	vtrunc.f32 v18;
	v4 =	vsub.f32 v4, v15;
	v14 =	vld.idx.msk [tilespmem:v26+s29+$0x0], $0xffff;
	v13 =	vsub.f32 v20, v11  }
0x18f: {  	v58 =	vcvt.s32.f32 v12;
	v16 =	vld.idx.msk [tilespmem:v6+s29+$0x0], $0xffff;
	v11 =	vsub.f32 v25, v2;
	v7 =	vmul.f32 v7, v10  }
0x190: {  	v6 =	vcvt.f32.s32 v18;
	v10 =	vmul.f32 $3.187499810e+01, v55;
	v18 =	vadd.s32 $0x1, v46;
	v15 =	vld.idx.msk [tilespmem:v27+s29+$0x0], $0xffff  }
0x191: {  	[tilespmem:s31+$0xFFFFFFD0] =	vst v8;
	v8 =	vcvt.s32.f32 v46;
	v3 =	vsub.f32 v3, v58;
	v57 =	vld.idx.msk [tilespmem:v19+s29+$0x0], $0xffff;
	v4 =	vmul.f32 v4, v11  }
0x192: {  	[tilespmem:s31+$0x50] =	vst v9;
	v20 =	vadd.s32 $0x1, v12;
	v19 =	vadd.f32 v7, v51;
	v9 =	vadd.f32 $1.275000000e+02, v10;
	v10 =	vld [tilespmem:s1+$0xFFFFFFE0]  }
0x193: {  	v11 =	vld [tilespmem:s1+$0x60];
	v59 =	vsub.f32 v24, v17;
	v2 =	vadd.f32 v4, v2  }
0x194: {  	[tilespmem:s30+$0xF0] =	vst v1;
	v60 =	vcvt.s32.f32 v6;
	v1 =	vld.idx.msk [tilespmem:v12+s29+$0x0], $0xffff;
	v61 =	vmax.f32 v9, $0.0e+00;
	v4 =	vsub.f32 v21, v8  }
0x195: {  	v62 =	vmul.f32 v28, v59;
	v63 =	vsub.f32 v16, v14;
	v8 =	vld.idx.msk [tilespmem:v18+s29+$0x0], $0xffff;
	[tilespmem:s5+$0xB0] =	vst v2;
	v2 =	vmin.f32 v61, $2.539999850e+02  }
0x196: {  	s7 =	simm.s32 $0x8;
	v7 =	vadd.s32 $0x1, v6;
	[tilespmem:s31+$0xF0] =	vst v19;
	v16 =	vld [tilespmem:s0+$0xC0];
	v12 =	vtrunc.f32 v2;
	v2 =	vsub.f32 v5, v60  }
0x197: {  	s9 =	simm.s32 $0xC700;
	s14 =	sand.u32 $0x2, s14;
	s6 =	simm.s32 $0x13500;
	v17 =	vadd.f32 v62, v17;
	v19 =	vmul.f32 v56, v63;
	v18 =	vsub.f32 v57, v15;
	v5 =	vld.idx.msk [tilespmem:v20+s29+$0x0], $0xffff  }
.LBB2_3:
0x198: {  	v20 =	vld [tilespmem:s9+$0x80];
	s7 =	sadd.s32 $0x4, s7;
	v10 =	vmul.f32 $3.187499810e+01, v10;
	v11 =	vmul.f32 $3.187499810e+01, v11  }
0x199: {  	v21 =	vld [tilespmem:s9+$0xFFFFFF80];
	p2 =	slt.u32 s7, $0x6C;
	[tilespmem:s5+$0xFFFFFF30] =	vst v17;
	v14 =	vadd.f32 v19, v14;
	v13 =	vmul.f32 v13, v18;
	v17 =	vcvt.f32.s32 v12  }
0x19a: {  	v18 =	vld [tilespmem:s9+$0x0];
	v12 =	vadd.f32 $1.275000000e+02, v10;
	v11 =	vadd.f32 $1.275000000e+02, v11  }
0x19b: {  	v19 =	vld [tilespmem:s9+$0xFFFFFF00];
	[tilespmem:s5+$0xFFFFFFB0] =	vst v14;
	v10 =	vadd.f32 v13, v15;
	v13 =	vmul.f32 $3.187499810e+01, v16;
	v14 =	vadd.s32 $0x1, v17  }
0x19c: {  	v16 =	vcvt.s32.f32 v17;
	v15 =	vld [tilespmem:s0+$0xFFFFFF40];
	v22 =	vmax.f32 v12, $0.0e+00;
	v23 =	vmax.f32 v11, $0.0e+00  }
0x19d: {  	v20 =	vmul.f32 $3.187499810e+01, v20;
	v24 =	vld [tilespmem:s0+$0xFFFFFFC0];
	[tilespmem:s5+$0x30] =	vst v10;
	v25 =	vadd.f32 $1.275000000e+02, v13;
	v10 =	vsub.f32 v8, v0  }
0x19e: {  	v22 =	vmin.f32 v22, $2.539999850e+02;
	v13 =	vmin.f32 v23, $2.539999850e+02;
	v21 =	vmul.f32 $3.187499810e+01, v21;
	v26 =	vld [tilespmem:s0+$0x40]  }
0x19f: {  	v18 =	vmul.f32 $3.187499810e+01, v18;
	v20 =	vadd.f32 $1.275000000e+02, v20;
	v23 =	vmax.f32 v25, $0.0e+00;
	v8 =	vld.idx.msk [tilespmem:v17+s29+$0x0], $0xffff  }
0x1a0: {  	v17 =	vmul.f32 $3.187499810e+01, v19;
	v19 =	vadd.f32 $1.275000000e+02, v21;
	v21 =	vmin.f32 v23, $2.539999850e+02;
	v14 =	vld.idx.msk [tilespmem:v14+s29+$0x0], $0xffff  }
0x1a1: {  	v18 =	vadd.f32 $1.275000000e+02, v18;
	v23 =	vmax.f32 v20, $0.0e+00;
	v21 =	vtrunc.f32 v21;
	v7 =	vld.idx.msk [tilespmem:v7+s29+$0x0], $0xffff  }
0x1a2: {  	v17 =	vadd.f32 $1.275000000e+02, v17;
	v23 =	vmin.f32 v23, $2.539999850e+02;
	v21 =	vcvt.f32.s32 v21;
	v6 =	vld.idx.msk [tilespmem:v6+s29+$0x0], $0xffff  }
0x1a3: {  	v27 =	vmax.f32 v19, $0.0e+00;
	v28 =	vmax.f32 v18, $0.0e+00;
	v23 =	vtrunc.f32 v23  }
0x1a4: {  	v29 =	vmax.f32 v17, $0.0e+00;
	v23 =	vcvt.f32.s32 v23;
	v30 =	vadd.s32 $0x1, v21  }
0x1a5: {  	v27 =	vmin.f32 v27, $2.539999850e+02;
	v28 =	vmin.f32 v28, $2.539999850e+02;
	v29 =	vmin.f32 v29, $2.539999850e+02  }
0x1a6: {  	v27 =	vtrunc.f32 v27;
	v29 =	vtrunc.f32 v29;
	v31 =	vadd.s32 $0x1, v23  }
0x1a7: {  	v28 =	vtrunc.f32 v28;
	v14 =	vsub.f32 v14, v8;
	v29 =	vcvt.f32.s32 v29  }
0x1a8: {  	v9 =	vsub.f32 v9, v16;
	v27 =	vcvt.f32.s32 v27;
	v28 =	vcvt.f32.s32 v28;
	v32 =	vld.idx.msk [tilespmem:v21+s29+$0x0], $0xffff  }
0x1a9: {  	v15 =	vmul.f32 $3.187499810e+01, v15;
	v16 =	vcvt.s32.f32 v29;
	v33 =	vadd.s32 $0x1, v29;
	v30 =	vld.idx.msk [tilespmem:v30+s29+$0x0], $0xffff  }
0x1aa: {  	v34 =	vcvt.s32.f32 v27;
	v35 =	vadd.s32 $0x1, v27;
	v36 =	vadd.s32 $0x1, v28;
	v37 =	vld.idx.msk [tilespmem:v23+s29+$0x0], $0xffff  }
0x1ab: {  	v24 =	vmul.f32 $3.187499810e+01, v24;
	v16 =	vsub.f32 v17, v16;
	v17 =	vcvt.s32.f32 v28;
	v31 =	vld.idx.msk [tilespmem:v31+s29+$0x0], $0xffff  }
0x1ac: {  	v15 =	vadd.f32 $1.275000000e+02, v15;
	v26 =	vmul.f32 $3.187499810e+01, v26;
	v19 =	vsub.f32 v19, v34  }
0x1ad: {  	v21 =	vcvt.s32.f32 v21;
	v29 =	vld.idx.msk [tilespmem:v29+s29+$0x0], $0xffff;
	v17 =	vsub.f32 v18, v17;
	v18 =	vadd.f32 $1.275000000e+02, v24  }
0x1ae: {  	v22 =	vtrunc.f32 v22;
	v26 =	vadd.f32 $1.275000000e+02, v26;
	v24 =	vld.idx.msk [tilespmem:v33+s29+$0x0], $0xffff;
	v33 =	vmax.f32 v15, $0.0e+00  }
0x1af: {  	v23 =	vcvt.s32.f32 v23;
	v21 =	vsub.f32 v25, v21;
	v25 =	vsub.f32 v30, v32;
	v34 =	vld.idx.msk [tilespmem:v35+s29+$0x0], $0xffff  }
0x1b0: {  	v33 =	vmin.f32 v33, $2.539999850e+02;
	v35 =	vmax.f32 v18, $0.0e+00;
	v30 =	vld.idx.msk [tilespmem:v36+s29+$0x0], $0xffff;
	v36 =	vmax.f32 v26, $0.0e+00  }
0x1b1: {  	v20 =	vsub.f32 v20, v23;
	v23 =	vsub.f32 v31, v37;
	v21 =	vmul.f32 v21, v25;
	v27 =	vld.idx.msk [tilespmem:v27+s29+$0x0], $0xffff  }
0x1b2: {  	v31 =	vmin.f32 v35, $2.539999850e+02;
	v25 =	vld.idx.msk [tilespmem:v28+s29+$0x0], $0xffff;
	v28 =	vtrunc.f32 v33;
	v33 =	vmin.f32 v36, $2.539999850e+02  }
0x1b3: {  	v20 =	vmul.f32 v20, v23;
	v23 =	vtrunc.f32 v31;
	v21 =	vadd.f32 v21, v32  }
0x1b4: {  	v24 =	vsub.f32 v24, v29;
	v28 =	vcvt.f32.s32 v28;
	v31 =	vtrunc.f32 v33  }
0x1b5: {  	v23 =	vcvt.f32.s32 v23;
	v20 =	vadd.f32 v20, v37;
	v31 =	vcvt.f32.s32 v31;
	[tilespmem:s5+$0xC0] =	vst v21  }
0x1b6: {  	v16 =	vmul.f32 v16, v24;
	v21 =	vcvt.s32.f32 v28;
	v24 =	vadd.s32 $0x1, v28;
	s5 =	sadd.s32 $0x200, s5;
	v32 =	vld [tilespmem:s0+$0xD0]  }
0x1b7: {  	v33 =	vsub.f32 v34, v27;
	v34 =	vadd.s32 $0x1, v31;
	[tilespmem:s5+$0x80] =	vst v20;
	v20 =	vadd.s32 $0x1, v23  }
0x1b8: {  	v35 =	vcvt.s32.f32 v23;
	v16 =	vadd.f32 v16, v29;
	v29 =	vsub.f32 v30, v25;
	v30 =	vld [tilespmem:s9+$0x90]  }
0x1b9: {  	v15 =	vsub.f32 v15, v21;
	v21 =	vcvt.s32.f32 v31;
	v19 =	vmul.f32 v19, v33  }
0x1ba: {  	v13 =	vtrunc.f32 v13;
	v18 =	vsub.f32 v18, v35;
	[tilespmem:s5+$0xFFFFFF00] =	vst v16;
	v16 =	vmul.f32 v17, v29;
	v17 =	vld.idx.msk [tilespmem:v28+s29+$0x0], $0xffff  }
0x1bb: {  	v21 =	vsub.f32 v26, v21;
	v19 =	vadd.f32 v19, v27;
	v28 =	vld [tilespmem:s9+$0xFFFFFF10];
	v26 =	vmul.f32 $3.187499810e+01, v32  }
0x1bc: {  	v22 =	vcvt.f32.s32 v22;
	v13 =	vcvt.f32.s32 v13;
	v16 =	vadd.f32 v16, v25;
	v24 =	vld.idx.msk [tilespmem:v24+s29+$0x0], $0xffff  }
0x1bd: {  	v9 =	vmul.f32 v9, v14;
	[tilespmem:s5+$0xFFFFFF80] =	vst v19;
	v19 =	vmul.f32 $3.187499810e+01, v30;
	v20 =	vld.idx.msk [tilespmem:v20+s29+$0x0], $0xffff;
	v25 =	vadd.f32 $1.275000000e+02, v26  }
0x1be: {  	v27 =	vadd.s32 $0x1, v13;
	v26 =	vadd.s32 $0x1, v22;
	v14 =	vld [tilespmem:s9+$0xFFFFFF90];
	[tilespmem:s5+$0x0] =	vst v16;
	v16 =	vcvt.s32.f32 v22  }
0x1bf: {  	v32 =	vcvt.s32.f32 v13;
	v29 =	vld [tilespmem:s9+$0x10];
	v19 =	vadd.f32 $1.275000000e+02, v19;
	v30 =	vmax.f32 v25, $0.0e+00  }
0x1c0: {  	v28 =	vmul.f32 $3.187499810e+01, v28;
	v33 =	vld.idx.msk [tilespmem:v34+s29+$0x0], $0xffff;
	v30 =	vmin.f32 v30, $2.539999850e+02;
	v12 =	vsub.f32 v12, v16  }
0x1c1: {  	v11 =	vsub.f32 v11, v32;
	v16 =	vmax.f32 v19, $0.0e+00;
	v23 =	vld.idx.msk [tilespmem:v23+s29+$0x0], $0xffff;
	v30 =	vtrunc.f32 v30  }
0x1c2: {  	v28 =	vadd.f32 $1.275000000e+02, v28;
	v16 =	vmin.f32 v16, $2.539999850e+02;
	v31 =	vld.idx.msk [tilespmem:v31+s29+$0x0], $0xffff;
	v30 =	vcvt.f32.s32 v30  }
0x1c3: {  	v24 =	vsub.f32 v24, v17;
	v14 =	vmul.f32 $3.187499810e+01, v14;
	v16 =	vtrunc.f32 v16;
	v26 =	vld.idx.msk [tilespmem:v26+s29+$0x0], $0xffff  }
0x1c4: {  	v29 =	vmul.f32 $3.187499810e+01, v29;
	v16 =	vcvt.f32.s32 v16;
	v32 =	vadd.s32 $0x1, v30;
	v27 =	vld.idx.msk [tilespmem:v27+s29+$0x0], $0xffff  }
0x1c5: {  	v15 =	vmul.f32 v15, v24;
	v34 =	vmax.f32 v28, $0.0e+00;
	v14 =	vadd.f32 $1.275000000e+02, v14;
	v22 =	vld.idx.msk [tilespmem:v22+s29+$0x0], $0xffff  }
0x1c6: {  	v24 =	vmin.f32 v34, $2.539999850e+02;
	v29 =	vadd.f32 $1.275000000e+02, v29;
	v34 =	vadd.s32 $0x1, v16;
	v13 =	vld.idx.msk [tilespmem:v13+s29+$0x0], $0xffff  }
0x1c7: {  	v24 =	vtrunc.f32 v24;
	v20 =	vsub.f32 v20, v23;
	v35 =	vmax.f32 v14, $0.0e+00  }
0x1c8: {  	v24 =	vcvt.f32.s32 v24;
	v35 =	vmin.f32 v35, $2.539999850e+02;
	v36 =	vmax.f32 v29, $0.0e+00;
	v37 =	vld.idx.msk [tilespmem:v30+s29+$0x0], $0xffff  }
0x1c9: {  	v33 =	vsub.f32 v33, v31;
	v35 =	vtrunc.f32 v35;
	v36 =	vmin.f32 v36, $2.539999850e+02;
	v32 =	vld.idx.msk [tilespmem:v32+s29+$0x0], $0xffff  }
0x1ca: {  	v38 =	vadd.s32 $0x1, v24;
	v35 =	vcvt.f32.s32 v35;
	v36 =	vtrunc.f32 v36;
	v39 =	vld.idx.msk [tilespmem:v16+s29+$0x0], $0xffff  }
0x1cb: {  	v15 =	vadd.f32 v15, v17;
	v40 =	vcvt.s32.f32 v24;
	v36 =	vcvt.f32.s32 v36;
	v34 =	vld.idx.msk [tilespmem:v34+s29+$0x0], $0xffff  }
0x1cc: {  	v18 =	vmul.f32 v18, v20;
	v17 =	vcvt.s32.f32 v35;
	v41 =	vadd.s32 $0x1, v35  }
0x1cd: {  	v20 =	vcvt.s32.f32 v36;
	v42 =	vadd.s32 $0x1, v36;
	[tilespmem:s6+$0xFFFFFF40] =	vst v15;
	v15 =	vcvt.s32.f32 v30  }
0x1ce: {  	v28 =	vsub.f32 v28, v40;
	v24 =	vld.idx.msk [tilespmem:v24+s29+$0x0], $0xffff;
	v14 =	vsub.f32 v14, v17;
	v17 =	vmul.f32 v21, v33  }
0x1cf: {  	v16 =	vcvt.s32.f32 v16;
	v21 =	vld.idx.msk [tilespmem:v38+s29+$0x0], $0xffff;
	v15 =	vsub.f32 v25, v15;
	v25 =	vsub.f32 v32, v37  }
0x1d0: {  	v4 =	vmul.f32 v4, v10;
	v18 =	vadd.f32 v18, v23;
	v20 =	vsub.f32 v29, v20;
	v30 =	vld.idx.msk [tilespmem:v35+s29+$0x0], $0xffff  }
0x1d1: {  	v16 =	vsub.f32 v19, v16;
	v19 =	vsub.f32 v34, v39;
	v10 =	vld.idx.msk [tilespmem:v41+s29+$0x0], $0xffff;
	v15 =	vmul.f32 v15, v25  }
0x1d2: {  	v17 =	vadd.f32 v17, v31;
	v23 =	vld.idx.msk [tilespmem:v42+s29+$0x0], $0xffff;
	[tilespmem:s6+$0xFFFFFFC0] =	vst v18;
	v18 =	vsub.f32 v26, v22  }
0x1d3: {  	v16 =	vmul.f32 v16, v19;
	v19 =	vsub.f32 v27, v13;
	v25 =	vld.idx.msk [tilespmem:v36+s29+$0x0], $0xffff;
	v15 =	vadd.f32 v15, v37  }
0x1d4: {  	v5 =	vsub.f32 v5, v1;
	v8 =	vadd.f32 v9, v8;
	v26 =	vld [tilespmem:s0+$0xFFFFFF50];
	[tilespmem:s6+$0x40] =	vst v17;
	v9 =	vmul.f32 v12, v18  }
0x1d5: {  	v12 =	vsub.f32 v21, v24;
	v16 =	vadd.f32 v16, v39;
	v11 =	vmul.f32 v11, v19;
	v17 =	vld [tilespmem:s0+$0xFFFFFFD0];
	[tilespmem:s6+$0xD0] =	vst v15  }
0x1d6: {  	v3 =	vmul.f32 v3, v5;
	v5 =	vsub.f32 v7, v6;
	v15 =	vld [tilespmem:s0+$0xE0];
	[tilespmem:s31+$0xFFFFFF60] =	vst v8;
	v8 =	vadd.f32 v9, v22  }
0x1d7: {  	v7 =	vmul.f32 v28, v12;
	v9 =	vsub.f32 v10, v30;
	v11 =	vadd.f32 v11, v13;
	[tilespmem:s5+$0x90] =	vst v16;
	v10 =	vld [tilespmem:s0+$0x50]  }
0x1d8: {  	v3 =	vadd.f32 v3, v1;
	v4 =	vadd.f32 v4, v0;
	v2 =	vmul.f32 v2, v5;
	v12 =	vld [tilespmem:s9+$0xA0];
	[tilespmem:s31+$0xFFFFFFE0] =	vst v8  }
0x1d9: {  	v5 =	vadd.f32 v7, v24;
	v7 =	vmul.f32 v14, v9;
	v8 =	vsub.f32 v23, v25;
	v1 =	vld [tilespmem:s1+$0xFFFFFF70];
	[tilespmem:s31+$0x60] =	vst v11  }
0x1da: {  	v9 =	vmul.f32 $3.187499810e+01, v26;
	v11 =	vmul.f32 $3.187499810e+01, v17;
	v0 =	vld [tilespmem:s1+$0xFFFFFFF0];
	[tilespmem:s30+$0xFFFFFF70] =	vst v4;
	v4 =	vadd.f32 v2, v6  }
0x1db: {  	v6 =	vmul.f32 v20, v8;
	[tilespmem:s5+$0xFFFFFF10] =	vst v5;
	v5 =	vadd.f32 v7, v30;
	v7 =	vmul.f32 $3.187499810e+01, v15;
	v2 =	vld [tilespmem:s1+$0x70];
	s1 =	smov.u32 s0;
	s0 =	smov.u32 s9  }
0x1dc: {  	v9 =	vadd.f32 $1.275000000e+02, v9;
	v8 =	vld [tilespmem:s9+$0xFFFFFF20];
	v11 =	vadd.f32 $1.275000000e+02, v11;
	v10 =	vmul.f32 $3.187499810e+01, v10;
	[tilespmem:s30+$0xFFFFFFF0] =	vst v3  }
0x1dd: {  	v3 =	vadd.f32 v6, v25;
	[tilespmem:s5+$0xFFFFFF90] =	vst v5;
	v5 =	vmul.f32 $3.187499810e+01, v12;
	v6 =	vadd.f32 $1.275000000e+02, v7  }
0x1de: {  	v12 =	vmax.f32 v9, $0.0e+00;
	v7 =	vld [tilespmem:s9+$0xFFFFFFA0];
	v13 =	vmax.f32 v11, $0.0e+00;
	v10 =	vadd.f32 $1.275000000e+02, v10;
	[tilespmem:s30+$0x70] =	vst v4;
	s30 =	smov.u32 s31;
	s31 =	smov.u32 s6;
	s6 =	smov.u32 s5  }
0x1df: {  	v4 =	vmin.f32 v12, $2.539999850e+02;
	[tilespmem:s5+$0x10] =	vst v3;
	v3 =	vadd.f32 $1.275000000e+02, v5;
	v5 =	vmax.f32 v6, $0.0e+00  }
0x1e0: {  	v13 =	vmin.f32 v13, $2.539999850e+02;
	v12 =	vld [tilespmem:s9+$0x20];
	v14 =	vmax.f32 v10, $0.0e+00;
	v5 =	vmin.f32 v5, $2.539999850e+02  }
0x1e1: {  	v8 =	vmul.f32 $3.187499810e+01, v8;
	v15 =	vmax.f32 v3, $0.0e+00;
	v5 =	vtrunc.f32 v5  }
0x1e2: {  	v14 =	vmin.f32 v14, $2.539999850e+02;
	v15 =	vmin.f32 v15, $2.539999850e+02;
	v5 =	vcvt.f32.s32 v5  }
0x1e3: {  	v8 =	vadd.f32 $1.275000000e+02, v8;
	v7 =	vmul.f32 $3.187499810e+01, v7;
	v15 =	vtrunc.f32 v15  }
0x1e4: {  	v4 =	vtrunc.f32 v4;
	v15 =	vcvt.f32.s32 v15;
	v16 =	vadd.s32 $0x1, v5  }
0x1e5: {  	v17 =	vmax.f32 v8, $0.0e+00;
	v7 =	vadd.f32 $1.275000000e+02, v7;
	v12 =	vmul.f32 $3.187499810e+01, v12  }
0x1e6: {  	v13 =	vtrunc.f32 v13;
	v17 =	vmin.f32 v17, $2.539999850e+02;
	v18 =	vadd.s32 $0x1, v15  }
0x1e7: {  	v17 =	vtrunc.f32 v17;
	v19 =	vmax.f32 v7, $0.0e+00;
	v12 =	vadd.f32 $1.275000000e+02, v12  }
0x1e8: {  	v14 =	vtrunc.f32 v14;
	v17 =	vcvt.f32.s32 v17;
	v19 =	vmin.f32 v19, $2.539999850e+02;
	v20 =	vld.idx.msk [tilespmem:v5+s29+$0x0], $0xffff  }
0x1e9: {  	v4 =	vcvt.f32.s32 v4;
	v19 =	vtrunc.f32 v19;
	v21 =	vmax.f32 v12, $0.0e+00;
	v16 =	vld.idx.msk [tilespmem:v16+s29+$0x0], $0xffff  }
0x1ea: {  	v22 =	vadd.s32 $0x1, v17;
	v19 =	vcvt.f32.s32 v19;
	v21 =	vmin.f32 v21, $2.539999850e+02;
	v23 =	vld.idx.msk [tilespmem:v15+s29+$0x0], $0xffff  }
0x1eb: {  	v25 =	vadd.s32 $0x1, v4;
	v24 =	vcvt.s32.f32 v17;
	v21 =	vtrunc.f32 v21;
	v18 =	vld.idx.msk [tilespmem:v18+s29+$0x0], $0xffff  }
0x1ec: {  	v26 =	vcvt.s32.f32 v19;
	v27 =	vadd.s32 $0x1, v19;
	v21 =	vcvt.f32.s32 v21  }
0x1ed: {  	v13 =	vcvt.f32.s32 v13;
	v5 =	vcvt.s32.f32 v5;
	v8 =	vsub.f32 v8, v24  }
0x1ee: {  	v17 =	vld.idx.msk [tilespmem:v17+s29+$0x0], $0xffff;
	v7 =	vsub.f32 v7, v26;
	v24 =	vcvt.s32.f32 v21;
	v26 =	vadd.s32 $0x1, v21  }
0x1ef: {  	v15 =	vcvt.s32.f32 v15;
	v5 =	vsub.f32 v6, v5;
	v6 =	vsub.f32 v16, v20;
	v22 =	vld.idx.msk [tilespmem:v22+s29+$0x0], $0xffff  }
0x1f0: {  	v14 =	vcvt.f32.s32 v14;
	v16 =	vld.idx.msk [tilespmem:v19+s29+$0x0], $0xffff;
	v12 =	vsub.f32 v12, v24;
	v19 =	vadd.s32 $0x1, v13  }
0x1f1: {  	v3 =	vsub.f32 v3, v15;
	v15 =	vsub.f32 v18, v23;
	v5 =	vmul.f32 v5, v6;
	v24 =	vld.idx.msk [tilespmem:v27+s29+$0x0], $0xffff  }
0x1f2: {  	v18 =	vcvt.s32.f32 v4;
	v27 =	vadd.s32 $0x1, v14;
	v6 =	vld.idx.msk [tilespmem:v21+s29+$0x0], $0xffff;
	v21 =	vcvt.s32.f32 v13  }
0x1f3: {  	v3 =	vmul.f32 v3, v15;
	v15 =	vcvt.s32.f32 v14;
	v5 =	vadd.f32 v5, v20;
	v26 =	vld.idx.msk [tilespmem:v26+s29+$0x0], $0xffff  }
0x1f4: {  	v1 =	vmul.f32 $3.187499810e+01, v1;
	v9 =	vsub.f32 v9, v18;
	v18 =	vld.idx.msk [tilespmem:v25+s29+$0x0], $0xffff;
	v11 =	vsub.f32 v11, v21  }
0x1f5: {  	v0 =	vmul.f32 $3.187499810e+01, v0;
	v20 =	vsub.f32 v22, v17;
	v3 =	vadd.f32 v3, v23;
	v19 =	vld.idx.msk [tilespmem:v19+s29+$0x0], $0xffff;
	[tilespmem:s31+$0xE0] =	vst v5  }
0x1f6: {  	v1 =	vadd.f32 $1.275000000e+02, v1;
	v2 =	vmul.f32 $3.187499810e+01, v2;
	v5 =	vsub.f32 v10, v15;
	v10 =	vld [tilespmem:s1+$0xF0]  }
0x1f7: {  	v8 =	vmul.f32 v8, v20;
	v15 =	vsub.f32 v24, v16;
	[tilespmem:s5+$0xA0] =	vst v3;
	v20 =	vld.idx.msk [tilespmem:v27+s29+$0x0], $0xffff;
	v3 =	vadd.f32 $1.275000000e+02, v0  }
0x1f8: {  	v2 =	vadd.f32 $1.275000000e+02, v2;
	v21 =	vmax.f32 v1, $0.0e+00;
	v0 =	vld [tilespmem:s9+$0xB0]  }
0x1f9: {  	v8 =	vadd.f32 v8, v17;
	v7 =	vmul.f32 v7, v15;
	v15 =	vsub.f32 v26, v6;
	v4 =	vld.idx.msk [tilespmem:v4+s29+$0x0], $0xffff  }
0x1fa: {  	v22 =	vmax.f32 v2, $0.0e+00;
	v17 =	vmin.f32 v21, $2.539999850e+02;
	v21 =	vmax.f32 v3, $0.0e+00;
	v13 =	vld.idx.msk [tilespmem:v13+s29+$0x0], $0xffff  }
0x1fb: {  	v7 =	vadd.f32 v7, v16;
	[tilespmem:s5+$0xFFFFFF20] =	vst v8;
	v8 =	vmul.f32 v12, v15;
	v12 =	vld.idx.msk [tilespmem:v14+s29+$0x0], $0xffff;
	v10 =	vmul.f32 $3.187499810e+01, v10  }
0x1fc: {  	v16 =	vmin.f32 v21, $2.539999850e+02;
	v15 =	vtrunc.f32 v17;
	v17 =	vmin.f32 v22, $2.539999850e+02;
	v14 =	vld [tilespmem:s9+$0xFFFFFF30]  }
0x1fd: {  	[tilespmem:s5+$0xFFFFFFA0] =	vst v7;
	v6 =	vadd.f32 v8, v6;
	v0 =	vmul.f32 $3.187499810e+01, v0;
	v7 =	vadd.f32 $1.275000000e+02, v10  }
0x1fe: {  	v10 =	vtrunc.f32 v16;
	v16 =	vtrunc.f32 v17;
	v8 =	vld [tilespmem:s9+$0xFFFFFFB0]  }
0x1ff: {  	[tilespmem:s5+$0x20] =	vst v6;
	v17 =	vadd.f32 $1.275000000e+02, v0;
	v0 =	vsub.f32 v18, v4;
	v6 =	vmax.f32 v7, $0.0e+00  }
0x200: {  	v21 =	vcvt.f32.s32 v15;
	v19 =	vsub.f32 v19, v13;
	v18 =	vld [tilespmem:s9+$0x30];
	v6 =	vmin.f32 v6, $2.539999850e+02  }
0x201: {  	v14 =	vmul.f32 $3.187499810e+01, v14;
	v15 =	vmax.f32 v17, $0.0e+00;
	v6 =	vtrunc.f32 v6  }
0x202: {  	v20 =	vsub.f32 v20, v12;
	v15 =	vmin.f32 v15, $2.539999850e+02;
	v6 =	vcvt.f32.s32 v6  }
0x203: {  	v14 =	vadd.f32 $1.275000000e+02, v14;
	v8 =	vmul.f32 $3.187499810e+01, v8;
	v15 =	vtrunc.f32 v15  }
0x204: {  	v9 =	vmul.f32 v9, v0;
	v15 =	vcvt.f32.s32 v15;
	v22 =	vadd.s32 $0x1, v6  }
0x205: {  	v0 =	vmax.f32 v14, $0.0e+00;
	v8 =	vadd.f32 $1.275000000e+02, v8;
	v18 =	vmul.f32 $3.187499810e+01, v18  }
0x206: {  	v11 =	vmul.f32 v11, v19;
	v23 =	vmin.f32 v0, $2.539999850e+02;
	v24 =	vadd.s32 $0x1, v15;
	v0 =	vld.idx.msk [tilespmem:v21+s29+$0x0], $0xffff  }
0x207: {  	v19 =	vtrunc.f32 v23;
	v23 =	vmax.f32 v8, $0.0e+00;
	v18 =	vadd.f32 $1.275000000e+02, v18  }
0x208: {  	v5 =	vmul.f32 v5, v20;
	v19 =	vcvt.f32.s32 v19;
	v23 =	vmin.f32 v23, $2.539999850e+02;
	v20 =	vld.idx.msk [tilespmem:v6+s29+$0x0], $0xffff  }
0x209: {  	v4 =	vadd.f32 v9, v4;
	v23 =	vtrunc.f32 v23;
	v25 =	vmax.f32 v18, $0.0e+00;
	v9 =	vld.idx.msk [tilespmem:v22+s29+$0x0], $0xffff  }
0x20a: {  	v22 =	vadd.s32 $0x1, v19;
	v23 =	vcvt.f32.s32 v23;
	v25 =	vmin.f32 v25, $2.539999850e+02;
	v26 =	vld.idx.msk [tilespmem:v15+s29+$0x0], $0xffff  }
0x20b: {  	v27 =	vcvt.s32.f32 v19;
	v25 =	vtrunc.f32 v25;
	v24 =	vld.idx.msk [tilespmem:v24+s29+$0x0], $0xffff;
	[tilespmem:s31+$0xFFFFFF50] =	vst v4;
	v4 =	vadd.f32 v11, v13  }
0x20c: {  	v11 =	vcvt.s32.f32 v23;
	v28 =	vadd.s32 $0x1, v23;
	v25 =	vcvt.f32.s32 v25;
	v29 =	vld [tilespmem:s1+$0xFFFFFF60]  }
0x20d: {  	v27 =	vsub.f32 v14, v27;
	[tilespmem:s31+$0xFFFFFFD0] =	vst v4;
	v4 =	vadd.f32 v5, v12;
	v5 =	vcvt.s32.f32 v6  }
0x20e: {  	v19 =	vld.idx.msk [tilespmem:v19+s29+$0x0], $0xffff;
	v30 =	vsub.f32 v8, v11;
	v6 =	vcvt.s32.f32 v25;
	v8 =	vadd.s32 $0x1, v25  }
0x20f: {  	v12 =	vcvt.s32.f32 v15;
	v11 =	vld.idx.msk [tilespmem:v22+s29+$0x0], $0xffff;
	[tilespmem:s31+$0x50] =	vst v4;
	v4 =	vsub.f32 v7, v5;
	v5 =	vsub.f32 v9, v20  }
0x210: {  	v14 =	vld.idx.msk [tilespmem:v23+s29+$0x0], $0xffff;
	v13 =	vsub.f32 v18, v6;
	v18 =	vcvt.f32.s32 v10;
	v6 =	vcvt.f32.s32 v16  }
0x211: {  	v7 =	vsub.f32 v17, v12;
	v9 =	vsub.f32 v24, v26;
	v16 =	vld.idx.msk [tilespmem:v28+s29+$0x0], $0xffff;
	v4 =	vmul.f32 v4, v5  }
0x212: {  	v12 =	vadd.s32 $0x1, v21;
	v5 =	vmul.f32 $3.187499810e+01, v29;
	v15 =	vld.idx.msk [tilespmem:v25+s29+$0x0], $0xffff;
	v22 =	vadd.s32 $0x1, v18  }
0x213: {  	v23 =	vld.idx.msk [tilespmem:v8+s29+$0x0], $0xffff;
	v8 =	vmul.f32 v7, v9;
	v4 =	vadd.f32 v4, v20;
	v7 =	vadd.s32 $0x1, v6  }
0x214: {  	v17 =	vcvt.s32.f32 v18;
	v9 =	vadd.f32 $1.275000000e+02, v5;
	v5 =	vcvt.s32.f32 v21;
	v10 =	vld [tilespmem:s1+$0xFFFFFFE0]  }
.Ltmp2:
0x215: {  	v21 =	vcvt.s32.f32 v6;
	v20 =	vsub.f32 v11, v19;
	v8 =	vadd.f32 v8, v26;
	v11 =	vld [tilespmem:s1+$0x60];
	[tilespmem:s31+$0xF0] =	vst v4;
	(pc) =	sbr.rel @p2 .LBB2_3-.Ltmp2, $4  }
0x216: {  	v3 =	vsub.f32 v3, v17;
	v24 =	vmax.f32 v9, $0.0e+00;
	v4 =	vsub.f32 v1, v5;
	v1 =	vld.idx.msk [tilespmem:v18+s29+$0x0], $0xffff  }
0x217: {  	v5 =	vmul.f32 v27, v20;
	v18 =	vsub.f32 v16, v14;
	v17 =	vmin.f32 v24, $2.539999850e+02;
	[tilespmem:s5+$0xB0] =	vst v8;
	v8 =	vld.idx.msk [tilespmem:v12+s29+$0x0], $0xffff  }
0x218: {  	v2 =	vsub.f32 v2, v21;
	v12 =	vtrunc.f32 v17;
	v16 =	vld [tilespmem:s9+$0xC0]  }
0x219: {  	v17 =	vadd.f32 v5, v19;
	v19 =	vmul.f32 v30, v18;
	v18 =	vsub.f32 v23, v15;
	s9 =	sadd.s32 $0x200, s9;
	v5 =	vld.idx.msk [tilespmem:v22+s29+$0x0], $0xffff  }
0x21a: {  	_ = 	snop  }
0x21b: {  	v14 =	vadd.f32 v19, v14  }
0x21c: {  	[tilespmem:s5+$0xFFFFFF30] =	vst v17;
	v13 =	vmul.f32 v13, v18  }
0x21d: {  	[tilespmem:s5+$0xFFFFFFB0] =	vst v14;
	v14 =	vld [tilespmem:s0+$0xFFFFFF40]  }
0x21e: {  	v13 =	vadd.f32 v13, v15;
	v15 =	vmul.f32 $3.187499810e+01, v16;
	v16 =	vld [tilespmem:s0+$0xFFFFFFC0];
	_ =	sdelay $0x1  }
0x21f: {  	[tilespmem:s5+$0x30] =	vst v13;
	v13 =	vadd.f32 $1.275000000e+02, v15  }
0x220: {  	v15 =	vld [tilespmem:s0+$0x40]  }
0x221: {  	v17 =	vmax.f32 v13, $0.0e+00;
	v14 =	vmul.f32 $3.187499810e+01, v14  }
0x222: {  	v17 =	vmin.f32 v17, $2.539999850e+02;
	v16 =	vmul.f32 $3.187499810e+01, v16  }
0x223: {  	v17 =	vtrunc.f32 v17;
	v14 =	vadd.f32 $1.275000000e+02, v14  }
0x224: {  	v17 =	vcvt.f32.s32 v17;
	v16 =	vadd.f32 $1.275000000e+02, v16  }
0x225: {  	v15 =	vmul.f32 $3.187499810e+01, v15;
	v18 =	vmax.f32 v14, $0.0e+00  }
0x226: {  	v19 =	vadd.s32 $0x1, v17;
	v18 =	vmin.f32 v18, $2.539999850e+02;
	v20 =	vmax.f32 v16, $0.0e+00  }
0x227: {  	v15 =	vadd.f32 $1.275000000e+02, v15;
	v18 =	vtrunc.f32 v18;
	v20 =	vmin.f32 v20, $2.539999850e+02  }
0x228: {  	v20 =	vtrunc.f32 v20;
	v18 =	vcvt.f32.s32 v18  }
0x229: {  	v21 =	vmax.f32 v15, $0.0e+00;
	v20 =	vcvt.f32.s32 v20  }
0x22a: {  	v22 =	vld.idx.msk [tilespmem:v17+s29+$0x0], $0xffff;
	v21 =	vmin.f32 v21, $2.539999850e+02;
	v23 =	vadd.s32 $0x1, v18  }
0x22b: {  	v19 =	vld.idx.msk [tilespmem:v19+s29+$0x0], $0xffff;
	v21 =	vtrunc.f32 v21;
	v24 =	vadd.s32 $0x1, v20  }
0x22c: {  	v21 =	vcvt.f32.s32 v21;
	_ =	sdelay $0x1  }
0x22d: {  	v17 =	vcvt.s32.f32 v17;
	v25 =	vadd.s32 $0x1, v21;
	v26 =	vld.idx.msk [tilespmem:v18+s29+$0x0], $0xffff  }
0x22e: {  	v23 =	vld.idx.msk [tilespmem:v23+s29+$0x0], $0xffff  }
0x22f: {  	v13 =	vsub.f32 v13, v17;
	v17 =	vsub.f32 v19, v22;
	v19 =	vld.idx.msk [tilespmem:v24+s29+$0x0], $0xffff  }
0x230: {  	v24 =	vld.idx.msk [tilespmem:v20+s29+$0x0], $0xffff  }
0x231: {  	v13 =	vmul.f32 v13, v17  }
0x232: {  	v17 =	vcvt.s32.f32 v18;
	v18 =	vld.idx.msk [tilespmem:v25+s29+$0x0], $0xffff  }
0x233: {  	v20 =	vcvt.s32.f32 v20;
	v13 =	vadd.f32 v13, v22;
	v22 =	vld.idx.msk [tilespmem:v21+s29+$0x0], $0xffff  }
0x234: {  	v14 =	vsub.f32 v14, v17;
	v17 =	vsub.f32 v23, v26  }
0x235: {  	v16 =	vsub.f32 v16, v20;
	v21 =	vcvt.s32.f32 v21;
	v19 =	vsub.f32 v19, v24  }
0x236: {  	[tilespmem:s5+$0xC0] =	vst v13;
	v13 =	vmul.f32 v14, v17  }
0x237: {  	v15 =	vsub.f32 v15, v21;
	v14 =	vld [tilespmem:s0+$0xD0];
	v16 =	vmul.f32 v16, v19  }
0x238: {  	v17 =	vsub.f32 v18, v22;
	v13 =	vadd.f32 v13, v26  }
0x239: {  	v16 =	vadd.f32 v16, v24  }
0x23a: {  	[tilespmem:s6+$0xFFFFFF40] =	vst v13;
	v13 =	vmul.f32 v15, v17  }
0x23b: {  	[tilespmem:s6+$0xFFFFFFC0] =	vst v16;
	v15 =	vld [tilespmem:s0+$0xFFFFFF50]  }
0x23c: {  	v14 =	vmul.f32 $3.187499810e+01, v14;
	v13 =	vadd.f32 v13, v22;
	v16 =	vld [tilespmem:s0+$0xFFFFFFD0];
	_ =	sdelay $0x1  }
0x23d: {  	v14 =	vadd.f32 $1.275000000e+02, v14;
	[tilespmem:s6+$0x40] =	vst v13  }
0x23e: {  	v13 =	vld [tilespmem:s0+$0x50]  }
0x23f: {  	v17 =	vmax.f32 v14, $0.0e+00;
	v15 =	vmul.f32 $3.187499810e+01, v15  }
0x240: {  	v17 =	vmin.f32 v17, $2.539999850e+02;
	v16 =	vmul.f32 $3.187499810e+01, v16  }
0x241: {  	v17 =	vtrunc.f32 v17;
	v15 =	vadd.f32 $1.275000000e+02, v15  }
0x242: {  	v17 =	vcvt.f32.s32 v17;
	v16 =	vadd.f32 $1.275000000e+02, v16  }
0x243: {  	v13 =	vmul.f32 $3.187499810e+01, v13;
	v18 =	vmax.f32 v15, $0.0e+00  }
0x244: {  	v19 =	vadd.s32 $0x1, v17;
	v20 =	vmax.f32 v16, $0.0e+00;
	v18 =	vmin.f32 v18, $2.539999850e+02  }
0x245: {  	v13 =	vadd.f32 $1.275000000e+02, v13;
	v20 =	vmin.f32 v20, $2.539999850e+02;
	v18 =	vtrunc.f32 v18  }
0x246: {  	v20 =	vtrunc.f32 v20;
	v18 =	vcvt.f32.s32 v18  }
0x247: {  	v21 =	vmax.f32 v13, $0.0e+00;
	v20 =	vcvt.f32.s32 v20  }
0x248: {  	v22 =	vld.idx.msk [tilespmem:v17+s29+$0x0], $0xffff;
	v21 =	vmin.f32 v21, $2.539999850e+02;
	v23 =	vadd.s32 $0x1, v18  }
0x249: {  	v19 =	vld.idx.msk [tilespmem:v19+s29+$0x0], $0xffff;
	v21 =	vtrunc.f32 v21;
	v24 =	vadd.s32 $0x1, v20  }
0x24a: {  	v21 =	vcvt.f32.s32 v21;
	_ =	sdelay $0x1  }
0x24b: {  	v17 =	vcvt.s32.f32 v17;
	v25 =	vadd.s32 $0x1, v21  }
0x24c: {  	v23 =	vld.idx.msk [tilespmem:v23+s29+$0x0], $0xffff  }
0x24d: {  	v14 =	vsub.f32 v14, v17;
	v17 =	vsub.f32 v19, v22;
	v19 =	vld.idx.msk [tilespmem:v24+s29+$0x0], $0xffff  }
0x24e: {  	v24 =	vld.idx.msk [tilespmem:v18+s29+$0x0], $0xffff  }
0x24f: {  	v14 =	vmul.f32 v14, v17;
	v17 =	vld.idx.msk [tilespmem:v20+s29+$0x0], $0xffff  }
0x250: {  	v25 =	vld.idx.msk [tilespmem:v25+s29+$0x0], $0xffff  }
0x251: {  	v18 =	vcvt.s32.f32 v18;
	v14 =	vadd.f32 v14, v22;
	v22 =	vld.idx.msk [tilespmem:v21+s29+$0x0], $0xffff  }
0x252: {  	v10 =	vmul.f32 $3.187499810e+01, v10;
	v20 =	vcvt.s32.f32 v20  }
0x253: {  	v11 =	vmul.f32 $3.187499810e+01, v11;
	[tilespmem:s6+$0xD0] =	vst v14;
	v14 =	vsub.f32 v15, v18;
	v15 =	vsub.f32 v23, v24  }
0x254: {  	v21 =	vcvt.s32.f32 v21;
	v16 =	vsub.f32 v16, v20;
	v18 =	vld [tilespmem:s0+$0xE0];
	v19 =	vsub.f32 v19, v17  }
0x255: {  	v12 =	vcvt.f32.s32 v12;
	v10 =	vadd.f32 $1.275000000e+02, v10;
	v14 =	vmul.f32 v14, v15  }
0x256: {  	v13 =	vsub.f32 v13, v21;
	v15 =	vsub.f32 v25, v22;
	v16 =	vmul.f32 v16, v19  }
0x257: {  	v11 =	vadd.f32 $1.275000000e+02, v11;
	v14 =	vadd.f32 v14, v24  }
0x258: {  	v13 =	vmul.f32 v13, v15;
	v15 =	vadd.f32 v16, v17;
	v17 =	vmax.f32 v10, $0.0e+00  }
0x259: {  	v16 =	vadd.s32 $0x1, v12;
	v18 =	vmul.f32 $3.187499810e+01, v18;
	[tilespmem:s6+$0xFFFFFF50] =	vst v14;
	v17 =	vmin.f32 v17, $2.539999850e+02  }
0x25a: {  	v14 =	vmax.f32 v11, $0.0e+00;
	v19 =	vld [tilespmem:s0+$0xFFFFFF60];
	[tilespmem:s6+$0xFFFFFFD0] =	vst v15;
	v13 =	vadd.f32 v13, v22;
	v15 =	vtrunc.f32 v17  }
0x25b: {  	v20 =	vld.idx.msk [tilespmem:v12+s29+$0x0], $0xffff;
	v14 =	vmin.f32 v14, $2.539999850e+02;
	v17 =	vadd.f32 $1.275000000e+02, v18;
	v15 =	vcvt.f32.s32 v15  }
0x25c: {  	v18 =	vld [tilespmem:s0+$0xFFFFFFE0];
	v14 =	vtrunc.f32 v14;
	[tilespmem:s6+$0x50] =	vst v13  }
0x25d: {  	v13 =	vcvt.f32.s32 v14;
	v14 =	vmax.f32 v17, $0.0e+00;
	v21 =	vld [tilespmem:s0+$0x60];
	v22 =	vadd.s32 $0x1, v15  }
0x25e: {  	v16 =	vld.idx.msk [tilespmem:v16+s29+$0x0], $0xffff;
	v14 =	vmin.f32 v14, $2.539999850e+02  }
0x25f: {  	v23 =	vadd.s32 $0x1, v13;
	v14 =	vtrunc.f32 v14;
	v19 =	vmul.f32 $3.187499810e+01, v19  }
0x260: {  	v12 =	vcvt.s32.f32 v12;
	v14 =	vcvt.f32.s32 v14  }
0x261: {  	v18 =	vmul.f32 $3.187499810e+01, v18;
	v19 =	vadd.f32 $1.275000000e+02, v19  }
0x262: {  	v9 =	vsub.f32 v9, v12;
	v24 =	vadd.s32 $0x1, v14;
	v21 =	vmul.f32 $3.187499810e+01, v21;
	v12 =	vld.idx.msk [tilespmem:v22+s29+$0x0], $0xffff  }
0x263: {  	v18 =	vadd.f32 $1.275000000e+02, v18;
	v16 =	vsub.f32 v16, v20;
	v28 =	vld.idx.msk [tilespmem:v13+s29+$0x0], $0xffff;
	v22 =	vmax.f32 v19, $0.0e+00  }
0x264: {  	v13 =	vcvt.s32.f32 v13;
	v23 =	vld.idx.msk [tilespmem:v23+s29+$0x0], $0xffff;
	v22 =	vmin.f32 v22, $2.539999850e+02;
	v21 =	vadd.f32 $1.275000000e+02, v21  }
0x265: {  	v25 =	vmax.f32 v18, $0.0e+00;
	v9 =	vmul.f32 v9, v16;
	v16 =	vld.idx.msk [tilespmem:v15+s29+$0x0], $0xffff;
	v22 =	vtrunc.f32 v22  }
0x266: {  	v15 =	vcvt.s32.f32 v15;
	v25 =	vmin.f32 v25, $2.539999850e+02;
	v26 =	vld.idx.msk [tilespmem:v14+s29+$0x0], $0xffff;
	v22 =	vcvt.f32.s32 v22  }
0x267: {  	v27 =	vmax.f32 v21, $0.0e+00;
	v25 =	vtrunc.f32 v25;
	v9 =	vadd.f32 v9, v20;
	v24 =	vld.idx.msk [tilespmem:v24+s29+$0x0], $0xffff  }
0x268: {  	v27 =	vmin.f32 v27, $2.539999850e+02;
	v25 =	vcvt.f32.s32 v25;
	v20 =	vadd.s32 $0x1, v22  }
0x269: {  	v11 =	vsub.f32 v11, v13;
	v10 =	vsub.f32 v10, v15;
	v27 =	vtrunc.f32 v27  }
0x26a: {  	[tilespmem:s31+$0xFFFFFF60] =	vst v9;
	v9 =	vcvt.s32.f32 v14;
	v27 =	vcvt.f32.s32 v27;
	v29 =	vadd.s32 $0x1, v25  }
0x26b: {  	v13 =	vsub.f32 v23, v28;
	v12 =	vsub.f32 v12, v16;
	v14 =	vld [tilespmem:s1+$0xFFFFFF70]  }
0x26c: {  	v9 =	vsub.f32 v17, v9;
	v15 =	vadd.s32 $0x1, v27;
	v17 =	vsub.f32 v24, v26;
	v24 =	vld.idx.msk [tilespmem:v22+s29+$0x0], $0xffff  }
0x26d: {  	v10 =	vmul.f32 v10, v12;
	v12 =	vld.idx.msk [tilespmem:v20+s29+$0x0], $0xffff  }
0x26e: {  	v11 =	vmul.f32 v11, v13;
	v13 =	vld.idx.msk [tilespmem:v25+s29+$0x0], $0xffff;
	v9 =	vmul.f32 v9, v17  }
0x26f: {  	v10 =	vadd.f32 v10, v16;
	v17 =	vld.idx.msk [tilespmem:v29+s29+$0x0], $0xffff  }
0x270: {  	v16 =	vld.idx.msk [tilespmem:v27+s29+$0x0], $0xffff;
	v9 =	vadd.f32 v9, v26  }
0x271: {  	v11 =	vadd.f32 v11, v28;
	[tilespmem:s31+$0xFFFFFFE0] =	vst v10;
	v10 =	vcvt.s32.f32 v22;
	v15 =	vld.idx.msk [tilespmem:v15+s29+$0x0], $0xffff  }
0x272: {  	v20 =	vld [tilespmem:s1+$0xFFFFFFF0];
	[tilespmem:s6+$0xE0] =	vst v9;
	v9 =	vcvt.s32.f32 v25  }
0x273: {  	[tilespmem:s31+$0x60] =	vst v11;
	v10 =	vsub.f32 v19, v10;
	v12 =	vsub.f32 v12, v24;
	v11 =	vld [tilespmem:s0+$0xF0]  }
0x274: {  	v17 =	vsub.f32 v17, v13;
	v9 =	vsub.f32 v18, v9  }
0x275: {  	v14 =	vmul.f32 $3.187499810e+01, v14;
	v22 =	vcvt.s32.f32 v27;
	v19 =	vld [tilespmem:s1+$0x70]  }
0x276: {  	v10 =	vmul.f32 v10, v12;
	v9 =	vmul.f32 v9, v17  }
0x277: {  	v12 =	vsub.f32 v21, v22;
	v15 =	vsub.f32 v15, v16;
	v17 =	vmul.f32 $3.187499810e+01, v20  }
0x278: {  	v10 =	vadd.f32 v10, v24;
	v11 =	vmul.f32 $3.187499810e+01, v11;
	v9 =	vadd.f32 v9, v13  }
0x279: {  	v12 =	vmul.f32 v12, v15;
	v13 =	vadd.f32 $1.275000000e+02, v14;
	v15 =	vadd.f32 $1.275000000e+02, v17  }
0x27a: {  	v14 =	vmul.f32 $3.187499810e+01, v19;
	[tilespmem:s6+$0xFFFFFF60] =	vst v10;
	v10 =	vadd.f32 $1.275000000e+02, v11  }
0x27b: {  	v11 =	vadd.f32 v12, v16;
	[tilespmem:s6+$0xFFFFFFE0] =	vst v9;
	v9 =	vld [tilespmem:s0+$0xFFFFFF70];
	v12 =	vmax.f32 v13, $0.0e+00;
	v16 =	vmax.f32 v15, $0.0e+00  }
0x27c: {  	v14 =	vadd.f32 $1.275000000e+02, v14;
	v17 =	vld [tilespmem:s0+$0xFFFFFFF0];
	v12 =	vmin.f32 v12, $2.539999850e+02;
	v16 =	vmin.f32 v16, $2.539999850e+02  }
0x27d: {  	v18 =	vmax.f32 v10, $0.0e+00;
	[tilespmem:s6+$0x60] =	vst v11;
	v11 =	vtrunc.f32 v12;
	v12 =	vtrunc.f32 v16  }
0x27e: {  	v19 =	vmax.f32 v14, $0.0e+00;
	v16 =	vmin.f32 v18, $2.539999850e+02;
	v11 =	vcvt.f32.s32 v11  }
0x27f: {  	v18 =	vld [tilespmem:s0+$0x70];
	v19 =	vmin.f32 v19, $2.539999850e+02;
	v12 =	vcvt.f32.s32 v12;
	v16 =	vtrunc.f32 v16  }
0x280: {  	v8 =	vsub.f32 v8, v0;
	v19 =	vtrunc.f32 v19;
	v9 =	vmul.f32 $3.187499810e+01, v9  }
0x281: {  	v16 =	vcvt.f32.s32 v16;
	v17 =	vmul.f32 $3.187499810e+01, v17  }
0x282: {  	v4 =	vmul.f32 v4, v8;
	v19 =	vcvt.f32.s32 v19;
	v9 =	vadd.f32 $1.275000000e+02, v9  }
0x283: {  	v7 =	vld.idx.msk [tilespmem:v7+s29+$0x0], $0xffff;
	v21 =	vadd.s32 $0x1, v11;
	v20 =	vadd.s32 $0x1, v16;
	v17 =	vadd.f32 $1.275000000e+02, v17  }
0x284: {  	v6 =	vld.idx.msk [tilespmem:v6+s29+$0x0], $0xffff;
	v22 =	vadd.s32 $0x1, v12;
	v18 =	vmul.f32 $3.187499810e+01, v18;
	v23 =	vmax.f32 v9, $0.0e+00  }
0x285: {  	v27 =	vadd.s32 $0x1, v19;
	v24 =	vld.idx.msk [tilespmem:v11+s29+$0x0], $0xffff;
	v23 =	vmin.f32 v23, $2.539999850e+02;
	v25 =	vmax.f32 v17, $0.0e+00  }
0x286: {  	v29 =	vld.idx.msk [tilespmem:v12+s29+$0x0], $0xffff;
	v18 =	vadd.f32 $1.275000000e+02, v18;
	v23 =	vtrunc.f32 v23;
	v25 =	vmin.f32 v25, $2.539999850e+02  }
0x287: {  	v26 =	vld.idx.msk [tilespmem:v16+s29+$0x0], $0xffff;
	v25 =	vtrunc.f32 v25;
	v23 =	vcvt.f32.s32 v23  }
0x288: {  	v5 =	vsub.f32 v5, v1;
	v20 =	vld.idx.msk [tilespmem:v20+s29+$0x0], $0xffff;
	v28 =	vmax.f32 v18, $0.0e+00;
	v25 =	vcvt.f32.s32 v25  }
0x289: {  	v7 =	vsub.f32 v7, v6;
	v0 =	vadd.f32 v4, v0;
	v22 =	vld.idx.msk [tilespmem:v22+s29+$0x0], $0xffff;
	v28 =	vmin.f32 v28, $2.539999850e+02  }
0x28a: {  	v4 =	vcvt.s32.f32 v11;
	v21 =	vld.idx.msk [tilespmem:v21+s29+$0x0], $0xffff;
	v28 =	vtrunc.f32 v28;
	v30 =	vadd.s32 $0x1, v23  }
0x28b: {  	v16 =	vcvt.s32.f32 v16;
	v8 =	vld.idx.msk [tilespmem:v27+s29+$0x0], $0xffff;
	v28 =	vcvt.f32.s32 v28;
	v27 =	vadd.s32 $0x1, v25  }
0x28c: {  	v3 =	vmul.f32 v3, v5;
	v4 =	vsub.f32 v13, v4;
	v11 =	vcvt.s32.f32 v12;
	v31 =	vld.idx.msk [tilespmem:v19+s29+$0x0], $0xffff  }
0x28d: {  	v5 =	vsub.f32 v10, v16;
	v32 =	vadd.s32 $0x1, v28;
	v10 =	vsub.f32 v20, v26;
	v12 =	vld.idx.msk [tilespmem:v23+s29+$0x0], $0xffff  }
0x28e: {  	v2 =	vmul.f32 v2, v7;
	v7 =	vsub.f32 v15, v11;
	v13 =	vsub.f32 v22, v29;
	v16 =	vld.idx.msk [tilespmem:v25+s29+$0x0], $0xffff  }
0x28f: {  	v11 =	vld.idx.msk [tilespmem:v30+s29+$0x0], $0xffff;
	v5 =	vmul.f32 v5, v10;
	v10 =	vsub.f32 v21, v24  }
0x290: {  	v1 =	vadd.f32 v3, v1;
	v3 =	vcvt.s32.f32 v19;
	v7 =	vmul.f32 v7, v13;
	v15 =	vld.idx.msk [tilespmem:v27+s29+$0x0], $0xffff  }
0x291: {  	v13 =	vcvt.s32.f32 v23;
	v4 =	vmul.f32 v4, v10;
	v10 =	vld.idx.msk [tilespmem:v28+s29+$0x0], $0xffff  }
0x292: {  	v2 =	vadd.f32 v2, v6;
	v3 =	vsub.f32 v14, v3;
	v6 =	vld.idx.msk [tilespmem:v32+s29+$0x0], $0xffff  }
0x293: {  	v8 =	vsub.f32 v8, v31;
	v9 =	vsub.f32 v9, v13  }
0x294: {  	[tilespmem:s30+$0xFFFFFF70] =	vst v0;
	v0 =	vadd.f32 v4, v24;
	v4 =	vadd.f32 v7, v29;
	v7 =	vcvt.s32.f32 v25  }
0x295: {  	[tilespmem:s30+$0xFFFFFFF0] =	vst v1;
	v1 =	vcvt.s32.f32 v28;
	v5 =	vadd.f32 v5, v26;
	v11 =	vsub.f32 v11, v12  }
0x296: {  	[tilespmem:s30+$0x70] =	vst v2;
	v2 =	vmul.f32 v3, v8;
	v3 =	vsub.f32 v17, v7;
	v7 =	vsub.f32 v15, v16  }
0x297: {  	v1 =	vsub.f32 v18, v1;
	[tilespmem:s6+$0xF0] =	vst v5;
	v5 =	vmul.f32 v9, v11;
	v6 =	vsub.f32 v6, v10  }
0x298: {  	s7 =	sshrl.u32 s14, $0x1;
	s5 =	smul.u32 $0xE000, s28;
	[tilespmem:s31+$0xFFFFFF70] =	vst v0;
	v0 =	vadd.f32 v2, v31;
	v2 =	vmul.f32 v3, v7  }
0x299: {  	s1 =	smul.u32 $0x7000, s7;
	[tilespmem:s31+$0xFFFFFFF0] =	vst v4;
	v3 =	vadd.f32 v5, v12;
	v1 =	vmul.f32 v1, v6  }
0x29a: {  	[tilespmem:s31+$0x70] =	vst v0;
	v0 =	vadd.f32 v2, v16  }
0x29b: {  	s0 =	sadd.s32 s1, s5;
	[tilespmem:s6+$0xFFFFFF70] =	vst v3;
	v1 =	vadd.f32 v1, v10  }
0x29c: {  	s0 =	sshrl.u32 s0, $0x3;
	[tilespmem:s6+$0xFFFFFFF0] =	vst v0  }
0x29d: {  	p2 =	seq.s32 s24, $0x17;
	s0 =	sadd.s32 s3, s0;
	[tilespmem:s6+$0x70] =	vst v1  }
0x29e: {  	[hbm4b:s0+s12] =	stream.strided.scatter [tilespmem:s18], [sflag:$0x4], $0x3800, s13, s12, $0x38;
	[tilespmem:$0x1A000] =	vst v63  }
0x29f: {  	s1 =	sand.u32 @!p2 $0x1, s24;
	s0 =	sadd.s32 @!p2 $0x2, s25  }
0x2a0: {  	p3 =	seq.s32 @!p2 s1, $0x1;
	s0 =	sshrl.u32 @!p2 s0, $0x2  }
0x2a1: {  	s1 =	simm.s32 @!p2 $0x0;
	p3 =	por !p3, p2;
	s0 =	smul.u32 @!p2 $0xE000, s0  }
0x2a2: {  	s1 =	simm.s32 @p3 $0x7000  }
0x2a3: {  	s0 =	sadd.s32 @!p2 s1, s0  }
0x2a4: {  	s5 =	simm.s32 @!p2 $0x800;
	s0 =	sshrl.u32 @!p2 s0, $0x3  }
0x2a5: {  	s6 =	simm.s32 @!p2 $0xC000;
	s1 =	simm.s32 @!p2 $0x400;
	s0 =	sadd.s32 @!p2 s2, s0  }
0x2a6: {  	[tilespmem:s6], [sflag:$0x2] =	stream.strided.gather @!p2 [hbm4b:s0+s1], $0x3800, s5, s1, $0x38;
	[tilespmem:$0x1A000] =	vst v63  }
0x2a7: {  	_ =	swait.ge [sflag:s19], $0x3800  }
0x2a8: {  	[sflag:s19] =	ssyncset.done $0x0  }
0x2a9: {  	s0 =	simm.s32 @!p1 $0x5;
	[sflag:s19] =	ssyncadd.s32 $0xFFFFC800  }
0x2aa: {  	_ =	swait.ge @!p1 [sflag:s0], $0x3800  }
0x2ab: {  	[sflag:s0] =	ssyncset.done @!p1 $0x0  }
0x2ac: {  	s9 =	simm.s32 $0xF900;
	[sflag:s0] =	ssyncadd.s32 @!p1 $0xFFFFC800  }
0x2ad: {  	v0 =	vld [tilespmem:s9+$0x80]  }
0x2ae: {  	v1 =	vld [tilespmem:s9+$0xFFFFFF80]  }
0x2af: {  	v2 =	vld [tilespmem:s9+$0xFFFFFF00]  }
0x2b0: {  	v3 =	vld [tilespmem:s9+$0x0];
	_ =	sdelay $0x1  }
0x2b1: {  	v0 =	vmul.f32 $3.187499810e+01, v0;
	_ =	sdelay $0x1  }
0x2b2: {  	v2 =	vmul.f32 $3.187499810e+01, v2;
	v1 =	vmul.f32 $3.187499810e+01, v1;
	v0 =	vadd.f32 $1.275000000e+02, v0  }
0x2b3: {  	v3 =	vmul.f32 $3.187499810e+01, v3  }
0x2b4: {  	v2 =	vadd.f32 $1.275000000e+02, v2;
	v1 =	vadd.f32 $1.275000000e+02, v1;
	v4 =	vmax.f32 v0, $0.0e+00  }
0x2b5: {  	s14 =	smulhi.u32 $0xAAAAAAB, s26;
	v3 =	vadd.f32 $1.275000000e+02, v3;
	v4 =	vmin.f32 v4, $2.539999850e+02  }
0x2b6: {  	v5 =	vmax.f32 v2, $0.0e+00;
	v6 =	vmax.f32 v1, $0.0e+00;
	v4 =	vtrunc.f32 v4  }
0x2b7: {  	s0 =	sshrl.u32 s14, $0x3;
	v7 =	vmax.f32 v3, $0.0e+00;
	v5 =	vmin.f32 v5, $2.539999850e+02;
	v4 =	vcvt.f32.s32 v4  }
0x2b8: {  	s0 =	smul.u32 $0xC0, s0;
	v6 =	vmin.f32 v6, $2.539999850e+02;
	v7 =	vmin.f32 v7, $2.539999850e+02;
	v5 =	vtrunc.f32 v5  }
0x2b9: {  	v7 =	vtrunc.f32 v7;
	v5 =	vcvt.f32.s32 v5;
	v8 =	vadd.s32 $0x1, v4  }
0x2ba: {  	s0 =	ssub.s32 s26, s0;
	v6 =	vtrunc.f32 v6;
	v7 =	vcvt.f32.s32 v7  }
0x2bb: {  	s0 =	sshll.u32 s0, $0x8;
	v6 =	vcvt.f32.s32 v6  }
0x2bc: {  	s28 =	sand.u32 $0x3FFFFF00, s0;
	v9 =	vadd.s32 $0x1, v5  }
0x2bd: {  	v10 =	vadd.s32 $0x1, v6;
	v11 =	vld.idx.msk [tilespmem:v4+s28+$0x0], $0xffff  }
0x2be: {  	v8 =	vld.idx.msk [tilespmem:v8+s28+$0x0], $0xffff  }
0x2bf: {  	v12 =	vadd.s32 $0x1, v7;
	v13 =	vld.idx.msk [tilespmem:v5+s28+$0x0], $0xffff  }
0x2c0: {  	v14 =	vld.idx.msk [tilespmem:v7+s28+$0x0], $0xffff  }
0x2c1: {  	v4 =	vcvt.s32.f32 v4;
	v9 =	vld.idx.msk [tilespmem:v9+s28+$0x0], $0xffff  }
0x2c2: {  	v10 =	vld.idx.msk [tilespmem:v10+s28+$0x0], $0xffff  }
0x2c3: {  	v0 =	vsub.f32 v0, v4;
	v4 =	vsub.f32 v8, v11;
	v8 =	vld.idx.msk [tilespmem:v6+s28+$0x0], $0xffff  }
0x2c4: {  	v5 =	vcvt.s32.f32 v5;
	v12 =	vld.idx.msk [tilespmem:v12+s28+$0x0], $0xffff  }
0x2c5: {  	v0 =	vmul.f32 v0, v4  }
0x2c6: {  	v2 =	vsub.f32 v2, v5;
	v5 =	vsub.f32 v9, v13;
	v4 =	vcvt.s32.f32 v6  }
0x2c7: {  	v6 =	vcvt.s32.f32 v7;
	v0 =	vadd.f32 v0, v11  }
0x2c8: {  	s29 =	simm.s32 $0x16900;
	v2 =	vmul.f32 v2, v5;
	v1 =	vsub.f32 v1, v4;
	v4 =	vsub.f32 v10, v8  }
0x2c9: {  	v3 =	vsub.f32 v3, v6;
	[tilespmem:s29+$0x80] =	vst v0;
	v0 =	vsub.f32 v12, v14  }
0x2ca: {  	v2 =	vadd.f32 v2, v13;
	v5 =	vld [tilespmem:s9+$0x90];
	v1 =	vmul.f32 v1, v4  }
0x2cb: {  	v0 =	vmul.f32 v3, v0  }
0x2cc: {  	[tilespmem:s29+$0xFFFFFF00] =	vst v2;
	v1 =	vadd.f32 v1, v8  }
0x2cd: {  	v2 =	vld [tilespmem:s9+$0xFFFFFF10];
	v0 =	vadd.f32 v0, v14  }
0x2ce: {  	[tilespmem:s29+$0xFFFFFF80] =	vst v1  }
0x2cf: {  	v1 =	vmul.f32 $3.187499810e+01, v5;
	v3 =	vld [tilespmem:s9+$0xFFFFFF90];
	[tilespmem:s29+$0x0] =	vst v0  }
0x2d0: {  	v0 =	vld [tilespmem:s9+$0x10]  }
0x2d1: {  	v1 =	vadd.f32 $1.275000000e+02, v1  }
0x2d2: {  	v2 =	vmul.f32 $3.187499810e+01, v2  }
0x2d3: {  	v4 =	vmax.f32 v1, $0.0e+00  }
0x2d4: {  	v2 =	vadd.f32 $1.275000000e+02, v2;
	v4 =	vmin.f32 v4, $2.539999850e+02;
	v3 =	vmul.f32 $3.187499810e+01, v3  }
0x2d5: {  	v4 =	vtrunc.f32 v4;
	v0 =	vmul.f32 $3.187499810e+01, v0  }
0x2d6: {  	v5 =	vmax.f32 v2, $0.0e+00;
	v4 =	vcvt.f32.s32 v4;
	v3 =	vadd.f32 $1.275000000e+02, v3  }
0x2d7: {  	v5 =	vmin.f32 v5, $2.539999850e+02;
	v0 =	vadd.f32 $1.275000000e+02, v0  }
0x2d8: {  	v5 =	vtrunc.f32 v5;
	v6 =	vadd.s32 $0x1, v4;
	v7 =	vmax.f32 v3, $0.0e+00  }
0x2d9: {  	v5 =	vcvt.f32.s32 v5;
	v7 =	vmin.f32 v7, $2.539999850e+02;
	v8 =	vmax.f32 v0, $0.0e+00  }
0x2da: {  	v7 =	vtrunc.f32 v7;
	v8 =	vmin.f32 v8, $2.539999850e+02  }
0x2db: {  	v9 =	vadd.s32 $0x1, v5;
	v7 =	vcvt.f32.s32 v7;
	v8 =	vtrunc.f32 v8  }
0x2dc: {  	v10 =	vld.idx.msk [tilespmem:v4+s28+$0x0], $0xffff;
	v8 =	vcvt.f32.s32 v8  }
0x2dd: {  	v6 =	vld.idx.msk [tilespmem:v6+s28+$0x0], $0xffff;
	v11 =	vadd.s32 $0x1, v7  }
0x2de: {  	v12 =	vadd.s32 $0x1, v8  }
0x2df: {  	v13 =	vld.idx.msk [tilespmem:v5+s28+$0x0], $0xffff  }
0x2e0: {  	v4 =	vcvt.s32.f32 v4;
	v9 =	vld.idx.msk [tilespmem:v9+s28+$0x0], $0xffff  }
0x2e1: {  	v14 =	vld.idx.msk [tilespmem:v7+s28+$0x0], $0xffff  }
0x2e2: {  	v1 =	vsub.f32 v1, v4;
	v11 =	vld.idx.msk [tilespmem:v11+s28+$0x0], $0xffff;
	v4 =	vsub.f32 v6, v10  }
0x2e3: {  	v6 =	vld.idx.msk [tilespmem:v12+s28+$0x0], $0xffff  }
0x2e4: {  	v12 =	vld.idx.msk [tilespmem:v8+s28+$0x0], $0xffff;
	v1 =	vmul.f32 v1, v4  }
0x2e5: {  	v4 =	vcvt.s32.f32 v5  }
0x2e6: {  	v5 =	vcvt.s32.f32 v7;
	v1 =	vadd.f32 v1, v10  }
0x2e7: {  	v7 =	vsub.f32 v9, v13;
	v2 =	vsub.f32 v2, v4;
	v4 =	vcvt.s32.f32 v8  }
0x2e8: {  	v3 =	vsub.f32 v3, v5;
	v5 =	vsub.f32 v11, v14;
	[tilespmem:s29+$0x90] =	vst v1  }
0x2e9: {  	v0 =	vsub.f32 v0, v4;
	v1 =	vmul.f32 v2, v7;
	v4 =	vsub.f32 v6, v12;
	v2 =	vld [tilespmem:s9+$0xA0]  }
0x2ea: {  	v3 =	vmul.f32 v3, v5  }
0x2eb: {  	v1 =	vadd.f32 v1, v13;
	v0 =	vmul.f32 v0, v4  }
0x2ec: {  	v3 =	vadd.f32 v3, v14  }
0x2ed: {  	[tilespmem:s29+$0xFFFFFF10] =	vst v1;
	v0 =	vadd.f32 v0, v12  }
0x2ee: {  	v1 =	vld [tilespmem:s9+$0xFFFFFF20];
	[tilespmem:s29+$0xFFFFFF90] =	vst v3;
	v2 =	vmul.f32 $3.187499810e+01, v2  }
0x2ef: {  	v3 =	vld [tilespmem:s9+$0xFFFFFFA0];
	[tilespmem:s29+$0x10] =	vst v0  }
0x2f0: {  	v0 =	vadd.f32 $1.275000000e+02, v2;
	v2 =	vld [tilespmem:s9+$0x20];
	_ =	sdelay $0x2  }
0x2f1: {  	v4 =	vmax.f32 v0, $0.0e+00;
	v1 =	vmul.f32 $3.187499810e+01, v1  }
0x2f2: {  	v4 =	vmin.f32 v4, $2.539999850e+02;
	v3 =	vmul.f32 $3.187499810e+01, v3  }
0x2f3: {  	v4 =	vtrunc.f32 v4;
	v1 =	vadd.f32 $1.275000000e+02, v1;
	v2 =	vmul.f32 $3.187499810e+01, v2  }
0x2f4: {  	v4 =	vcvt.f32.s32 v4;
	v3 =	vadd.f32 $1.275000000e+02, v3  }
0x2f5: {  	v5 =	vmax.f32 v1, $0.0e+00;
	v2 =	vadd.f32 $1.275000000e+02, v2  }
0x2f6: {  	v6 =	vadd.s32 $0x1, v4;
	v7 =	vmax.f32 v3, $0.0e+00;
	v5 =	vmin.f32 v5, $2.539999850e+02  }
0x2f7: {  	v7 =	vmin.f32 v7, $2.539999850e+02;
	v5 =	vtrunc.f32 v5;
	v8 =	vmax.f32 v2, $0.0e+00  }
0x2f8: {  	v7 =	vtrunc.f32 v7;
	v5 =	vcvt.f32.s32 v5;
	v8 =	vmin.f32 v8, $2.539999850e+02  }
0x2f9: {  	v7 =	vcvt.f32.s32 v7;
	v8 =	vtrunc.f32 v8  }
0x2fa: {  	v9 =	vld.idx.msk [tilespmem:v4+s28+$0x0], $0xffff;
	v10 =	vadd.s32 $0x1, v5;
	v8 =	vcvt.f32.s32 v8  }
0x2fb: {  	v6 =	vld.idx.msk [tilespmem:v6+s28+$0x0], $0xffff;
	v11 =	vadd.s32 $0x1, v7  }
0x2fc: {  	v12 =	vadd.s32 $0x1, v8;
	_ =	sdelay $0x1  }
0x2fd: {  	v4 =	vcvt.s32.f32 v4;
	v13 =	vld.idx.msk [tilespmem:v5+s28+$0x0], $0xffff  }
0x2fe: {  	v10 =	vld.idx.msk [tilespmem:v10+s28+$0x0], $0xffff  }
0x2ff: {  	v0 =	vsub.f32 v0, v4;
	v4 =	vsub.f32 v6, v9;
	v6 =	vld.idx.msk [tilespmem:v11+s28+$0x0], $0xffff  }
0x300: {  	v11 =	vld.idx.msk [tilespmem:v12+s28+$0x0], $0xffff  }
0x301: {  	v5 =	vcvt.s32.f32 v5;
	v0 =	vmul.f32 v0, v4;
	v4 =	vld.idx.msk [tilespmem:v7+s28+$0x0], $0xffff  }
0x302: {  	s31 =	simm.s32 $0xFB00;
	v12 =	vld.idx.msk [tilespmem:v8+s28+$0x0], $0xffff;
	v7 =	vcvt.s32.f32 v7  }
0x303: {  	v1 =	vsub.f32 v1, v5;
	v0 =	vadd.f32 v0, v9;
	v9 =	vld [tilespmem:s31+$0x80]  }
0x304: {  	v5 =	vsub.f32 v10, v13;
	v3 =	vsub.f32 v3, v7;
	v7 =	vld [tilespmem:s31+$0x0]  }
0x305: {  	v14 =	vld [tilespmem:s31+$0xFFFFFF80]  }
0x306: {  	[tilespmem:s29+$0xA0] =	vst v0;
	v0 =	vcvt.s32.f32 v8;
	v1 =	vmul.f32 v1, v5;
	v5 =	vld [tilespmem:s31+$0xFFFFFF00];
	v6 =	vsub.f32 v6, v4  }
0x307: {  	v8 =	vld [tilespmem:s9+$0xB0]  }
0x308: {  	v0 =	vsub.f32 v2, v0;
	v2 =	vsub.f32 v11, v12;
	v3 =	vmul.f32 v3, v6  }
0x309: {  	v6 =	vmul.f32 $3.187499810e+01, v9;
	v7 =	vmul.f32 $3.187499810e+01, v7  }
0x30a: {  	v1 =	vadd.f32 v1, v13;
	v0 =	vmul.f32 v0, v2;
	v2 =	vmul.f32 $3.187499810e+01, v14  }
0x30b: {  	v3 =	vadd.f32 v3, v4;
	v4 =	vadd.f32 $1.275000000e+02, v6;
	v5 =	vmul.f32 $3.187499810e+01, v5  }
0x30c: {  	v7 =	vadd.f32 $1.275000000e+02, v7;
	v6 =	vmul.f32 $3.187499810e+01, v8;
	v2 =	vadd.f32 $1.275000000e+02, v2  }
0x30d: {  	v0 =	vadd.f32 v0, v12;
	v8 =	vmax.f32 v4, $0.0e+00;
	v5 =	vadd.f32 $1.275000000e+02, v5  }
0x30e: {  	v6 =	vadd.f32 $1.275000000e+02, v6;
	v9 =	vmax.f32 v2, $0.0e+00;
	v8 =	vmin.f32 v8, $2.539999850e+02  }
0x30f: {  	v8 =	vtrunc.f32 v8;
	v11 =	vmax.f32 v5, $0.0e+00;
	v9 =	vmin.f32 v9, $2.539999850e+02  }
0x310: {  	[tilespmem:s29+$0xFFFFFF20] =	vst v1;
	v10 =	vmax.f32 v6, $0.0e+00;
	v8 =	vcvt.f32.s32 v8;
	v1 =	vmin.f32 v11, $2.539999850e+02  }
0x311: {  	v9 =	vtrunc.f32 v9;
	v10 =	vmin.f32 v10, $2.539999850e+02;
	v1 =	vtrunc.f32 v1  }
0x312: {  	v9 =	vcvt.f32.s32 v9;
	v11 =	vadd.s32 $0x1, v8;
	v1 =	vcvt.f32.s32 v1  }
0x313: {  	v12 =	vld [tilespmem:s9+$0xFFFFFF30];
	[tilespmem:s29+$0xFFFFFFA0] =	vst v3;
	v3 =	vmax.f32 v7, $0.0e+00;
	v10 =	vtrunc.f32 v10  }
0x314: {  	v13 =	vld [tilespmem:s9+$0xFFFFFFB0];
	[tilespmem:s29+$0x20] =	vst v0;
	v0 =	vmin.f32 v3, $2.539999850e+02;
	v10 =	vcvt.f32.s32 v10;
	v17 =	vadd.s32 $0x1, v9  }
0x315: {  	v14 =	vld [tilespmem:s9+$0x30];
	v0 =	vtrunc.f32 v0  }
0x316: {  	v0 =	vcvt.f32.s32 v0;
	v15 =	vadd.s32 $0x1, v1;
	v16 =	vld.idx.msk [tilespmem:v8+s28+$0x0], $0xffff  }
0x317: {  	v3 =	vadd.s32 $0x1, v10;
	v11 =	vld.idx.msk [tilespmem:v11+s28+$0x0], $0xffff  }
0x318: {  	v18 =	vadd.s32 $0x1, v0;
	v20 =	vld.idx.msk [tilespmem:v1+s28+$0x0], $0xffff  }
0x319: {  	v17 =	vld.idx.msk [tilespmem:v17+s28+$0x0], $0xffff  }
0x31a: {  	v8 =	vcvt.s32.f32 v8;
	v19 =	vld.idx.msk [tilespmem:v10+s28+$0x0], $0xffff  }
0x31b: {  	v15 =	vld.idx.msk [tilespmem:v15+s28+$0x0], $0xffff  }
0x31c: {  	v4 =	vsub.f32 v4, v8;
	v3 =	vld.idx.msk [tilespmem:v3+s28+$0x0], $0xffff  }
0x31d: {  	v1 =	vcvt.s32.f32 v1;
	v8 =	vsub.f32 v11, v16;
	v11 =	vmul.f32 $3.187499810e+01, v12;
	v12 =	vld.idx.msk [tilespmem:v18+s28+$0x0], $0xffff  }
0x31e: {  	v10 =	vcvt.s32.f32 v10;
	v18 =	vld.idx.msk [tilespmem:v9+s28+$0x0], $0xffff  }
0x31f: {  	v1 =	vsub.f32 v5, v1;
	v5 =	vcvt.s32.f32 v0;
	v0 =	vld.idx.msk [tilespmem:v0+s28+$0x0], $0xffff;
	v4 =	vmul.f32 v4, v8  }
0x320: {  	v6 =	vsub.f32 v6, v10;
	v8 =	vcvt.s32.f32 v9;
	v9 =	vsub.f32 v15, v20  }
0x321: {  	v3 =	vsub.f32 v3, v19;
	v4 =	vadd.f32 v4, v16  }
0x322: {  	s1 =	simm.s32 $0x16B00;
	v5 =	vsub.f32 v7, v5;
	v2 =	vsub.f32 v2, v8;
	v1 =	vmul.f32 v1, v9  }
0x323: {  	v3 =	vmul.f32 v6, v3;
	v6 =	vmul.f32 $3.187499810e+01, v13;
	v7 =	vsub.f32 v17, v18;
	[tilespmem:s1+$0x80] =	vst v4  }
0x324: {  	v10 =	vsub.f32 v12, v0;
	v4 =	vmul.f32 $3.187499810e+01, v14;
	v1 =	vadd.f32 v1, v20;
	v9 =	vld [tilespmem:s31+$0x90]  }
0x325: {  	v3 =	vadd.f32 v3, v19;
	v6 =	vadd.f32 $1.275000000e+02, v6;
	v2 =	vmul.f32 v2, v7  }
0x326: {  	v4 =	vadd.f32 $1.275000000e+02, v4;
	[tilespmem:s1+$0xFFFFFF00] =	vst v1;
	v1 =	vmul.f32 v5, v10  }
0x327: {  	v8 =	vadd.f32 $1.275000000e+02, v11;
	[tilespmem:s29+$0xB0] =	vst v3;
	v11 =	vmax.f32 v6, $0.0e+00;
	v10 =	vld [tilespmem:s31+$0xFFFFFF10];
	v2 =	vadd.f32 v2, v18  }
0x328: {  	v7 =	vld [tilespmem:s9+$0xC0];
	v5 =	vmin.f32 v11, $2.539999850e+02;
	v11 =	vmax.f32 v4, $0.0e+00;
	v0 =	vadd.f32 v1, v0  }
0x329: {  	v3 =	vmax.f32 v8, $0.0e+00;
	[tilespmem:s1+$0xFFFFFF80] =	vst v2;
	v1 =	vmul.f32 $3.187499810e+01, v9;
	v9 =	vmin.f32 v11, $2.539999850e+02  }
0x32a: {  	v3 =	vmin.f32 v3, $2.539999850e+02;
	[tilespmem:s1+$0x0] =	vst v0;
	v2 =	vtrunc.f32 v9;
	v9 =	vld [tilespmem:s31+$0xFFFFFF90]  }
0x32b: {  	v3 =	vtrunc.f32 v3;
	v5 =	vtrunc.f32 v5;
	v11 =	vld [tilespmem:s31+$0x10];
	v0 =	vadd.f32 $1.275000000e+02, v1  }
0x32c: {  	v5 =	vcvt.f32.s32 v5;
	v10 =	vmul.f32 $3.187499810e+01, v10  }
0x32d: {  	v3 =	vcvt.f32.s32 v3;
	v1 =	vmul.f32 $3.187499810e+01, v7;
	v12 =	vmax.f32 v0, $0.0e+00  }
0x32e: {  	v13 =	vadd.s32 $0x1, v5;
	v10 =	vadd.f32 $1.275000000e+02, v10;
	v12 =	vmin.f32 v12, $2.539999850e+02  }
0x32f: {  	v7 =	vadd.s32 $0x1, v3;
	v1 =	vadd.f32 $1.275000000e+02, v1;
	v12 =	vtrunc.f32 v12  }
0x330: {  	v9 =	vmul.f32 $3.187499810e+01, v9;
	v11 =	vmul.f32 $3.187499810e+01, v11;
	v16 =	vmax.f32 v10, $0.0e+00  }
0x331: {  	v15 =	vmax.f32 v1, $0.0e+00;
	v12 =	vcvt.f32.s32 v12;
	v16 =	vmin.f32 v16, $2.539999850e+02  }
0x332: {  	v15 =	vmin.f32 v15, $2.539999850e+02;
	v9 =	vadd.f32 $1.275000000e+02, v9;
	v16 =	vtrunc.f32 v16  }
0x333: {  	v15 =	vtrunc.f32 v15;
	v17 =	vadd.s32 $0x1, v12;
	v16 =	vcvt.f32.s32 v16  }
0x334: {  	v21 =	vld.idx.msk [tilespmem:v3+s28+$0x0], $0xffff;
	v11 =	vadd.f32 $1.275000000e+02, v11;
	v15 =	vcvt.f32.s32 v15  }
0x335: {  	v2 =	vcvt.f32.s32 v2;
	v13 =	vld.idx.msk [tilespmem:v13+s28+$0x0], $0xffff;
	v18 =	vmax.f32 v9, $0.0e+00  }
0x336: {  	v7 =	vld.idx.msk [tilespmem:v7+s28+$0x0], $0xffff;
	v20 =	vmax.f32 v11, $0.0e+00;
	v18 =	vmin.f32 v18, $2.539999850e+02;
	v19 =	vadd.s32 $0x1, v15  }
0x337: {  	v20 =	vmin.f32 v20, $2.539999850e+02;
	v23 =	vadd.s32 $0x1, v16;
	v18 =	vtrunc.f32 v18;
	v22 =	vld.idx.msk [tilespmem:v12+s28+$0x0], $0xffff  }
0x338: {  	v14 =	vadd.s32 $0x1, v2;
	v20 =	vtrunc.f32 v20;
	v18 =	vcvt.f32.s32 v18;
	v17 =	vld.idx.msk [tilespmem:v17+s28+$0x0], $0xffff  }
0x339: {  	v3 =	vcvt.s32.f32 v3;
	v20 =	vcvt.f32.s32 v20;
	v27 =	vld.idx.msk [tilespmem:v16+s28+$0x0], $0xffff  }
0x33a: {  	v12 =	vcvt.s32.f32 v12;
	v25 =	vadd.s32 $0x1, v18;
	v24 =	vld.idx.msk [tilespmem:v15+s28+$0x0], $0xffff  }
0x33b: {  	v3 =	vsub.f32 v8, v3;
	v7 =	vsub.f32 v7, v21;
	v26 =	vadd.s32 $0x1, v20;
	v19 =	vld.idx.msk [tilespmem:v19+s28+$0x0], $0xffff  }
0x33c: {  	v0 =	vsub.f32 v0, v12;
	v8 =	vld.idx.msk [tilespmem:v23+s28+$0x0], $0xffff  }
0x33d: {  	v14 =	vld.idx.msk [tilespmem:v14+s28+$0x0], $0xffff;
	v16 =	vcvt.s32.f32 v16;
	v3 =	vmul.f32 v3, v7;
	v12 =	vsub.f32 v17, v22  }
0x33e: {  	v15 =	vcvt.s32.f32 v15;
	v23 =	vld.idx.msk [tilespmem:v18+s28+$0x0], $0xffff  }
0x33f: {  	v3 =	vadd.f32 v3, v21;
	v10 =	vsub.f32 v10, v16;
	v7 =	vld.idx.msk [tilespmem:v25+s28+$0x0], $0xffff;
	v0 =	vmul.f32 v0, v12  }
0x340: {  	v1 =	vsub.f32 v1, v15;
	v17 =	vld.idx.msk [tilespmem:v26+s28+$0x0], $0xffff;
	v12 =	vcvt.s32.f32 v18;
	v15 =	vsub.f32 v19, v24  }
0x341: {  	[tilespmem:s29+$0xFFFFFF30] =	vst v3;
	v18 =	vld.idx.msk [tilespmem:v20+s28+$0x0], $0xffff;
	v3 =	vsub.f32 v8, v27;
	v0 =	vadd.f32 v0, v22  }
0x342: {  	v9 =	vsub.f32 v9, v12;
	v12 =	vld [tilespmem:s9+$0xFFFFFF40];
	v1 =	vmul.f32 v1, v15  }
0x343: {  	v15 =	vld.idx.msk [tilespmem:v2+s28+$0x0], $0xffff;
	[tilespmem:s1+$0x90] =	vst v0;
	v0 =	vcvt.s32.f32 v2;
	v2 =	vmul.f32 v10, v3  }
0x344: {  	v8 =	vcvt.s32.f32 v20;
	v19 =	vld.idx.msk [tilespmem:v5+s28+$0x0], $0xffff;
	v7 =	vsub.f32 v7, v23;
	v1 =	vadd.f32 v1, v24  }
0x345: {  	v5 =	vcvt.s32.f32 v5;
	v3 =	vld [tilespmem:s31+$0xA0];
	v2 =	vadd.f32 v2, v27  }
0x346: {  	v8 =	vsub.f32 v11, v8;
	[tilespmem:s29+$0xC0] =	vst v1;
	v1 =	vmul.f32 v9, v7;
	v7 =	vsub.f32 v17, v18  }
0x347: {  	v5 =	vsub.f32 v6, v5;
	v0 =	vsub.f32 v4, v0;
	v6 =	vld [tilespmem:s9+$0xD0];
	[tilespmem:s1+$0xFFFFFF10] =	vst v2  }
0x348: {  	v2 =	vmul.f32 $3.187499810e+01, v12;
	v1 =	vadd.f32 v1, v23;
	v4 =	vmul.f32 v8, v7;
	v9 =	vld [tilespmem:s31+$0xFFFFFF20]  }
0x349: {  	v7 =	vsub.f32 v13, v19;
	v8 =	vsub.f32 v14, v15  }
0x34a: {  	v3 =	vmul.f32 $3.187499810e+01, v3;
	v2 =	vadd.f32 $1.275000000e+02, v2;
	[tilespmem:s1+$0xFFFFFF90] =	vst v1;
	v1 =	vadd.f32 v4, v18  }
0x34b: {  	v4 =	vmul.f32 v5, v7;
	v0 =	vmul.f32 v0, v8;
	v5 =	vld [tilespmem:s31+$0xFFFFFFA0]  }
0x34c: {  	v7 =	vmax.f32 v2, $0.0e+00;
	v6 =	vmul.f32 $3.187499810e+01, v6;
	[tilespmem:s1+$0x10] =	vst v1;
	v1 =	vadd.f32 $1.275000000e+02, v3  }
0x34d: {  	v3 =	vadd.f32 v4, v19;
	v0 =	vadd.f32 v0, v15;
	v4 =	vld [tilespmem:s31+$0x20];
	v9 =	vmul.f32 $3.187499810e+01, v9  }
0x34e: {  	v7 =	vmin.f32 v7, $2.539999850e+02;
	v6 =	vadd.f32 $1.275000000e+02, v6;
	v8 =	vmax.f32 v1, $0.0e+00  }
0x34f: {  	[tilespmem:s29+$0xFFFFFFB0] =	vst v3;
	v3 =	vtrunc.f32 v7;
	v8 =	vmin.f32 v8, $2.539999850e+02;
	v9 =	vadd.f32 $1.275000000e+02, v9  }
0x350: {  	v10 =	vmax.f32 v6, $0.0e+00;
	v5 =	vmul.f32 $3.187499810e+01, v5;
	v8 =	vtrunc.f32 v8  }
0x351: {  	v3 =	vcvt.f32.s32 v3;
	v10 =	vmin.f32 v10, $2.539999850e+02;
	v8 =	vcvt.f32.s32 v8  }
0x352: {  	v10 =	vtrunc.f32 v10;
	v5 =	vadd.f32 $1.275000000e+02, v5;
	v4 =	vmul.f32 $3.187499810e+01, v4  }
0x353: {  	[tilespmem:s29+$0x30] =	vst v0;
	v7 =	vcvt.f32.s32 v10;
	v10 =	vmax.f32 v9, $0.0e+00;
	v14 =	vadd.s32 $0x1, v8  }
0x354: {  	v12 =	vld [tilespmem:s9+$0x40];
	v10 =	vmin.f32 v10, $2.539999850e+02  }
0x355: {  	v0 =	vld [tilespmem:s9+$0xFFFFFFC0];
	v11 =	vmax.f32 v5, $0.0e+00;
	v4 =	vadd.f32 $1.275000000e+02, v4;
	v10 =	vtrunc.f32 v10  }
0x356: {  	v13 =	vadd.s32 $0x1, v7;
	v11 =	vmin.f32 v11, $2.539999850e+02;
	v10 =	vcvt.f32.s32 v10  }
0x357: {  	v15 =	vmax.f32 v4, $0.0e+00;
	v11 =	vtrunc.f32 v11;
	v16 =	vld.idx.msk [tilespmem:v8+s28+$0x0], $0xffff  }
0x358: {  	v15 =	vmin.f32 v15, $2.539999850e+02;
	v11 =	vcvt.f32.s32 v11;
	v18 =	vadd.s32 $0x1, v10;
	v14 =	vld.idx.msk [tilespmem:v14+s28+$0x0], $0xffff  }
0x359: {  	v12 =	vmul.f32 $3.187499810e+01, v12;
	v21 =	vld.idx.msk [tilespmem:v3+s28+$0x0], $0xffff;
	v15 =	vtrunc.f32 v15  }
0x35a: {  	v0 =	vmul.f32 $3.187499810e+01, v0;
	v17 =	vld.idx.msk [tilespmem:v7+s28+$0x0], $0xffff;
	v15 =	vcvt.f32.s32 v15;
	v19 =	vadd.s32 $0x1, v11  }
0x35b: {  	v25 =	vadd.s32 $0x1, v3;
	v12 =	vadd.f32 $1.275000000e+02, v12;
	v8 =	vcvt.s32.f32 v8;
	v13 =	vld.idx.msk [tilespmem:v13+s28+$0x0], $0xffff  }
0x35c: {  	v3 =	vcvt.s32.f32 v3;
	v0 =	vadd.f32 $1.275000000e+02, v0;
	v20 =	vadd.s32 $0x1, v15;
	v23 =	vld.idx.msk [tilespmem:v10+s28+$0x0], $0xffff  }
0x35d: {  	v24 =	vmax.f32 v12, $0.0e+00;
	v1 =	vsub.f32 v1, v8;
	v18 =	vld.idx.msk [tilespmem:v18+s28+$0x0], $0xffff;
	v8 =	vsub.f32 v14, v16  }
0x35e: {  	v14 =	vmin.f32 v24, $2.539999850e+02;
	v24 =	vld.idx.msk [tilespmem:v11+s28+$0x0], $0xffff  }
0x35f: {  	v2 =	vsub.f32 v2, v3;
	v22 =	vmax.f32 v0, $0.0e+00;
	v19 =	vld.idx.msk [tilespmem:v19+s28+$0x0], $0xffff;
	v1 =	vmul.f32 v1, v8  }
0x360: {  	v22 =	vmin.f32 v22, $2.539999850e+02;
	v8 =	vcvt.s32.f32 v10;
	v10 =	vcvt.s32.f32 v11;
	v26 =	vld.idx.msk [tilespmem:v15+s28+$0x0], $0xffff  }
0x361: {  	s0 =	simm.s32 $0xFD00;
	v7 =	vcvt.s32.f32 v7;
	v15 =	vcvt.s32.f32 v15;
	v20 =	vld.idx.msk [tilespmem:v20+s28+$0x0], $0xffff;
	v1 =	vadd.f32 v1, v16  }
0x362: {  	v22 =	vtrunc.f32 v22;
	v8 =	vsub.f32 v9, v8;
	v5 =	vsub.f32 v5, v10;
	v9 =	vld [tilespmem:s0+$0x80]  }
0x363: {  	v22 =	vcvt.f32.s32 v22;
	v4 =	vsub.f32 v4, v15;
	v15 =	vld [tilespmem:s0+$0xFFFFFF80];
	v10 =	vsub.f32 v18, v23  }
0x364: {  	v25 =	vld.idx.msk [tilespmem:v25+s28+$0x0], $0xffff;
	v6 =	vsub.f32 v6, v7;
	v14 =	vtrunc.f32 v14;
	v13 =	vsub.f32 v13, v17;
	[tilespmem:s1+$0xA0] =	vst v1  }
0x365: {  	v14 =	vcvt.f32.s32 v14;
	v16 =	vld [tilespmem:s31+$0xB0];
	v7 =	vmul.f32 v8, v10;
	v8 =	vsub.f32 v19, v24  }
0x366: {  	v3 =	vcvt.s32.f32 v22;
	v11 =	vadd.s32 $0x1, v22;
	v6 =	vmul.f32 v6, v13;
	v19 =	vld [tilespmem:s0+$0xFFFFFF00]  }
0x367: {  	v1 =	vadd.s32 $0x1, v14;
	v18 =	vsub.f32 v20, v26;
	v20 =	vld [tilespmem:s0+$0x0];
	v5 =	vmul.f32 v5, v8  }
0x368: {  	v7 =	vadd.f32 v7, v23;
	v8 =	vmul.f32 $3.187499810e+01, v9;
	v15 =	vmul.f32 $3.187499810e+01, v15  }
0x369: {  	v9 =	vsub.f32 v25, v21;
	v4 =	vmul.f32 v4, v18;
	v5 =	vadd.f32 v5, v24  }
0x36a: {  	v10 =	vcvt.s32.f32 v14;
	v8 =	vadd.f32 $1.275000000e+02, v8;
	v13 =	vadd.f32 $1.275000000e+02, v15  }
0x36b: {  	v16 =	vmul.f32 $3.187499810e+01, v16;
	v4 =	vadd.f32 v4, v26;
	v15 =	vmul.f32 $3.187499810e+01, v19  }
0x36c: {  	v18 =	vmax.f32 v8, $0.0e+00;
	v19 =	vmul.f32 $3.187499810e+01, v20;
	v20 =	vmax.f32 v13, $0.0e+00  }
0x36d: {  	v16 =	vadd.f32 $1.275000000e+02, v16;
	v18 =	vmin.f32 v18, $2.539999850e+02;
	v15 =	vadd.f32 $1.275000000e+02, v15  }
0x36e: {  	v22 =	vld.idx.msk [tilespmem:v22+s28+$0x0], $0xffff;
	[tilespmem:s1+$0xFFFFFF20] =	vst v7;
	v20 =	vmin.f32 v20, $2.539999850e+02;
	v18 =	vtrunc.f32 v18;
	v7 =	vadd.f32 $1.275000000e+02, v19  }
0x36f: {  	v11 =	vld.idx.msk [tilespmem:v11+s28+$0x0], $0xffff;
	v20 =	vtrunc.f32 v20;
	v23 =	vmax.f32 v16, $0.0e+00;
	v18 =	vcvt.f32.s32 v18  }
0x370: {  	v1 =	vld.idx.msk [tilespmem:v1+s28+$0x0], $0xffff;
	v24 =	vmax.f32 v15, $0.0e+00;
	v20 =	vcvt.f32.s32 v20;
	v19 =	vmin.f32 v23, $2.539999850e+02  }
0x371: {  	[tilespmem:s1+$0xFFFFFFA0] =	vst v5;
	v5 =	vld.idx.msk [tilespmem:v14+s28+$0x0], $0xffff;
	v24 =	vmin.f32 v24, $2.539999850e+02;
	v14 =	vmax.f32 v7, $0.0e+00;
	v19 =	vtrunc.f32 v19  }
0x372: {  	v26 =	vld [tilespmem:s31+$0xFFFFFFB0];
	[tilespmem:s1+$0x20] =	vst v4;
	v25 =	vadd.s32 $0x1, v18;
	v24 =	vtrunc.f32 v24;
	v19 =	vcvt.f32.s32 v19  }
0x373: {  	v0 =	vsub.f32 v0, v3;
	v3 =	vld [tilespmem:s31+$0x30];
	v4 =	vmin.f32 v14, $2.539999850e+02;
	v14 =	vcvt.f32.s32 v24  }
0x374: {  	v2 =	vmul.f32 v2, v9;
	v11 =	vsub.f32 v11, v22;
	v23 =	vld [tilespmem:s31+$0xFFFFFF30];
	v4 =	vtrunc.f32 v4  }
0x375: {  	v29 =	vcvt.s32.f32 v20;
	v9 =	vcvt.f32.s32 v4;
	v24 =	vadd.s32 $0x1, v19;
	v28 =	vld.idx.msk [tilespmem:v18+s28+$0x0], $0xffff  }
0x376: {  	v4 =	vadd.f32 v6, v17;
	v6 =	vadd.s32 $0x1, v20;
	v27 =	vadd.s32 $0x1, v14;
	v20 =	vld.idx.msk [tilespmem:v20+s28+$0x0], $0xffff  }
0x377: {  	v10 =	vsub.f32 v12, v10;
	v0 =	vmul.f32 v0, v11;
	v12 =	vld.idx.msk [tilespmem:v25+s28+$0x0], $0xffff  }
0x378: {  	v2 =	vadd.f32 v2, v21;
	v1 =	vsub.f32 v1, v5;
	v25 =	vld.idx.msk [tilespmem:v19+s28+$0x0], $0xffff  }
0x379: {  	v0 =	vadd.f32 v0, v22;
	v17 =	vcvt.s32.f32 v14;
	v23 =	vmul.f32 $3.187499810e+01, v23;
	v14 =	vld.idx.msk [tilespmem:v14+s28+$0x0], $0xffff  }
0x37a: {  	v1 =	vmul.f32 v10, v1;
	v21 =	vadd.s32 $0x1, v9;
	v18 =	vcvt.s32.f32 v18;
	v24 =	vld.idx.msk [tilespmem:v24+s28+$0x0], $0xffff  }
0x37b: {  	v26 =	vmul.f32 $3.187499810e+01, v26;
	v13 =	vsub.f32 v13, v29;
	v23 =	vadd.f32 $1.275000000e+02, v23;
	v27 =	vld.idx.msk [tilespmem:v27+s28+$0x0], $0xffff  }
0x37c: {  	v3 =	vmul.f32 $3.187499810e+01, v3;
	v1 =	vadd.f32 v1, v5;
	v8 =	vsub.f32 v8, v18;
	v6 =	vld.idx.msk [tilespmem:v6+s28+$0x0], $0xffff  }
0x37d: {  	v18 =	vcvt.s32.f32 v19;
	v11 =	vmax.f32 v23, $0.0e+00;
	v12 =	vsub.f32 v12, v28  }
0x37e: {  	v15 =	vsub.f32 v15, v17;
	v17 =	vcvt.s32.f32 v9;
	v9 =	vld.idx.msk [tilespmem:v9+s28+$0x0], $0xffff;
	v11 =	vmin.f32 v11, $2.539999850e+02  }
0x37f: {  	v19 =	vld.idx.msk [tilespmem:v21+s28+$0x0], $0xffff;
	v8 =	vmul.f32 v8, v12;
	v12 =	vsub.f32 v16, v18;
	v16 =	vsub.f32 v24, v25  }
0x380: {  	v7 =	vsub.f32 v7, v17;
	v11 =	vtrunc.f32 v11;
	v18 =	vsub.f32 v27, v14  }
0x381: {  	[tilespmem:s29+$0xFFFFFF40] =	vst v2;
	v6 =	vsub.f32 v6, v20;
	v8 =	vadd.f32 v8, v28;
	v12 =	vmul.f32 v12, v16  }
0x382: {  	s30 =	simm.s32 $0x16D00;
	[tilespmem:s29+$0xFFFFFFC0] =	vst v0;
	v17 =	vadd.f32 $1.275000000e+02, v26;
	v11 =	vcvt.f32.s32 v11;
	v15 =	vmul.f32 v15, v18  }
0x383: {  	v3 =	vadd.f32 $1.275000000e+02, v3;
	v6 =	vmul.f32 v13, v6;
	[tilespmem:s30+$0x80] =	vst v8;
	v8 =	vadd.f32 v12, v25  }
0x384: {  	[tilespmem:s29+$0x40] =	vst v1;
	v16 =	vmax.f32 v17, $0.0e+00;
	v18 =	vld [tilespmem:s0+$0x90];
	v14 =	vadd.f32 v15, v14;
	v15 =	vsub.f32 v19, v9  }
0x385: {  	v1 =	vld [tilespmem:s9+$0xFFFFFFD0];
	v6 =	vadd.f32 v6, v20;
	v12 =	vmin.f32 v16, $2.539999850e+02;
	v16 =	vmax.f32 v3, $0.0e+00;
	[tilespmem:s1+$0xB0] =	vst v8  }
0x386: {  	v8 =	vtrunc.f32 v12;
	v12 =	vmin.f32 v16, $2.539999850e+02;
	[tilespmem:s30+$0xFFFFFF00] =	vst v14;
	v7 =	vmul.f32 v7, v15;
	v14 =	vld [tilespmem:s9+$0xFFFFFF50]  }
0x387: {  	v16 =	vadd.s32 $0x1, v11;
	v13 =	vld [tilespmem:s31+$0xC0];
	v12 =	vtrunc.f32 v12;
	v2 =	vcvt.f32.s32 v8  }
0x388: {  	v15 =	vcvt.s32.f32 v11;
	v11 =	vld.idx.msk [tilespmem:v11+s28+$0x0], $0xffff;
	v8 =	vcvt.f32.s32 v12;
	v7 =	vadd.f32 v7, v9  }
0x389: {  	[tilespmem:s30+$0xFFFFFF80] =	vst v6;
	v12 =	vld [tilespmem:s0+$0xFFFFFF10];
	v9 =	vmul.f32 $3.187499810e+01, v18;
	v20 =	vcvt.s32.f32 v2  }
0x38a: {  	v6 =	vsub.f32 v23, v15;
	v15 =	vld [tilespmem:s0+$0xFFFFFF90];
	v18 =	vadd.s32 $0x1, v2;
	[tilespmem:s30+$0x0] =	vst v7  }
0x38b: {  	v7 =	vadd.f32 $1.275000000e+02, v9;
	v17 =	vsub.f32 v17, v20;
	v20 =	vld [tilespmem:s0+$0x10]  }
0x38c: {  	v1 =	vmul.f32 $3.187499810e+01, v1;
	v16 =	vld.idx.msk [tilespmem:v16+s28+$0x0], $0xffff;
	v9 =	vmul.f32 $3.187499810e+01, v13  }
0x38d: {  	v10 =	vmul.f32 $3.187499810e+01, v14;
	v13 =	vcvt.s32.f32 v8;
	v21 =	vmax.f32 v7, $0.0e+00  }
0x38e: {  	v12 =	vmul.f32 $3.187499810e+01, v12;
	v2 =	vld.idx.msk [tilespmem:v2+s28+$0x0], $0xffff;
	v9 =	vadd.f32 $1.275000000e+02, v9;
	v14 =	vmin.f32 v21, $2.539999850e+02  }
0x38f: {  	v19 =	vadd.s32 $0x1, v8;
	v15 =	vmul.f32 $3.187499810e+01, v15;
	v18 =	vld.idx.msk [tilespmem:v18+s28+$0x0], $0xffff;
	v14 =	vtrunc.f32 v14  }
0x390: {  	v12 =	vadd.f32 $1.275000000e+02, v12;
	v21 =	vmax.f32 v9, $0.0e+00;
	v14 =	vcvt.f32.s32 v14  }
0x391: {  	v5 =	vmul.f32 $3.187499810e+01, v20;
	v16 =	vsub.f32 v16, v11;
	v21 =	vmin.f32 v21, $2.539999850e+02  }
0x392: {  	v15 =	vadd.f32 $1.275000000e+02, v15;
	v20 =	vtrunc.f32 v21;
	v21 =	vmax.f32 v12, $0.0e+00  }
0x393: {  	v22 =	vadd.s32 $0x1, v14;
	v5 =	vadd.f32 $1.275000000e+02, v5;
	v6 =	vmul.f32 v6, v16  }
0x394: {  	v20 =	vcvt.f32.s32 v20;
	v21 =	vmin.f32 v21, $2.539999850e+02;
	v18 =	vsub.f32 v18, v2  }
0x395: {  	v8 =	vld.idx.msk [tilespmem:v8+s28+$0x0], $0xffff;
	v0 =	vtrunc.f32 v21;
	v21 =	vmax.f32 v15, $0.0e+00;
	v25 =	vmax.f32 v5, $0.0e+00  }
0x396: {  	v19 =	vld.idx.msk [tilespmem:v19+s28+$0x0], $0xffff;
	v23 =	vadd.s32 $0x1, v20;
	v24 =	vcvt.f32.s32 v0;
	v21 =	vmin.f32 v21, $2.539999850e+02  }
0x397: {  	v0 =	vadd.f32 $1.275000000e+02, v10;
	v10 =	vld [tilespmem:s9+$0x50];
	v25 =	vmin.f32 v25, $2.539999850e+02;
	v17 =	vmul.f32 v17, v18  }
0x398: {  	v6 =	vadd.f32 v6, v11;
	v21 =	vtrunc.f32 v21;
	v26 =	vld.idx.msk [tilespmem:v14+s28+$0x0], $0xffff;
	v25 =	vtrunc.f32 v25  }
0x399: {  	v27 =	vadd.s32 $0x1, v24;
	v21 =	vcvt.f32.s32 v21;
	v22 =	vld.idx.msk [tilespmem:v22+s28+$0x0], $0xffff;
	v2 =	vadd.f32 v17, v2  }
0x39a: {  	[tilespmem:s1+$0xFFFFFF30] =	vst v6;
	v25 =	vcvt.f32.s32 v25;
	v28 =	vld.idx.msk [tilespmem:v20+s28+$0x0], $0xffff  }
0x39b: {  	v3 =	vsub.f32 v3, v13;
	v29 =	vadd.s32 $0x1, v21;
	[tilespmem:s1+$0xFFFFFFB0] =	vst v2;
	v2 =	vadd.f32 $1.275000000e+02, v1;
	v1 =	vld [tilespmem:s31+$0xFFFFFF40]  }
0x39c: {  	v19 =	vsub.f32 v19, v8;
	v14 =	vcvt.s32.f32 v14;
	v55 =	vadd.s32 $0x1, v25;
	v23 =	vld.idx.msk [tilespmem:v23+s28+$0x0], $0xffff  }
0x39d: {  	v16 =	vld.idx.msk [tilespmem:v24+s28+$0x0], $0xffff  }
0x39e: {  	v3 =	vmul.f32 v3, v19;
	v30 =	vcvt.s32.f32 v24;
	v7 =	vsub.f32 v7, v14;
	v27 =	vld.idx.msk [tilespmem:v27+s28+$0x0], $0xffff  }
0x39f: {  	v31 =	vcvt.s32.f32 v21;
	v20 =	vcvt.s32.f32 v20;
	v14 =	vsub.f32 v22, v26;
	v21 =	vld.idx.msk [tilespmem:v21+s28+$0x0], $0xffff  }
0x3a0: {  	v13 =	vmax.f32 v0, $0.0e+00;
	v3 =	vadd.f32 v3, v8;
	v12 =	vsub.f32 v12, v30;
	v11 =	vld.idx.msk [tilespmem:v29+s28+$0x0], $0xffff  }
0x3a1: {  	v9 =	vsub.f32 v9, v20;
	v18 =	vld.idx.msk [tilespmem:v55+s28+$0x0], $0xffff;
	v7 =	vmul.f32 v7, v14;
	v19 =	vsub.f32 v23, v28  }
0x3a2: {  	v8 =	vmul.f32 $3.187499810e+01, v10;
	v10 =	vmin.f32 v13, $2.539999850e+02;
	v24 =	vcvt.s32.f32 v25;
	v14 =	vld.idx.msk [tilespmem:v25+s28+$0x0], $0xffff  }
0x3a3: {  	v13 =	vld [tilespmem:s31+$0xFFFFFFC0];
	v15 =	vsub.f32 v15, v31;
	v7 =	vadd.f32 v7, v26;
	v6 =	vmul.f32 v9, v19  }
0x3a4: {  	[tilespmem:s1+$0x30] =	vst v3;
	v3 =	vtrunc.f32 v10;
	v10 =	vadd.f32 $1.275000000e+02, v8;
	v9 =	vsub.f32 v27, v16  }
0x3a5: {  	[tilespmem:s30+$0x90] =	vst v7;
	v6 =	vadd.f32 v6, v28;
	v11 =	vsub.f32 v11, v21  }
0x3a6: {  	v5 =	vsub.f32 v5, v24;
	v1 =	vmul.f32 $3.187499810e+01, v1;
	v7 =	vmul.f32 v12, v9;
	v8 =	vld [tilespmem:s0+$0xA0]  }
0x3a7: {  	v9 =	vmax.f32 v2, $0.0e+00;
	v12 =	vld [tilespmem:s31+$0x40];
	[tilespmem:s1+$0xC0] =	vst v6;
	v6 =	vmul.f32 v15, v11;
	v11 =	vsub.f32 v18, v14  }
0x3a8: {  	v13 =	vmul.f32 $3.187499810e+01, v13;
	v9 =	vmin.f32 v9, $2.539999850e+02;
	v7 =	vadd.f32 v7, v16;
	v16 =	vld [tilespmem:s31+$0xD0]  }
0x3a9: {  	v9 =	vtrunc.f32 v9;
	v6 =	vadd.f32 v6, v21;
	v5 =	vmul.f32 v5, v11  }
0x3aa: {  	v1 =	vadd.f32 $1.275000000e+02, v1;
	v15 =	vmax.f32 v10, $0.0e+00;
	v9 =	vcvt.f32.s32 v9;
	[tilespmem:s30+$0xFFFFFF10] =	vst v7  }
0x3ab: {  	v11 =	vmin.f32 v15, $2.539999850e+02;
	v7 =	vld [tilespmem:s0+$0xFFFFFF20];
	[tilespmem:s30+$0xFFFFFF90] =	vst v6;
	v5 =	vadd.f32 v5, v14;
	v6 =	vmul.f32 $3.187499810e+01, v8  }
0x3ac: {  	v11 =	vtrunc.f32 v11;
	v8 =	vmul.f32 $3.187499810e+01, v12;
	v12 =	vadd.f32 $1.275000000e+02, v13  }
0x3ad: {  	v14 =	vcvt.f32.s32 v3;
	v13 =	vld [tilespmem:s0+$0xFFFFFFA0];
	v3 =	vmul.f32 $3.187499810e+01, v16;
	[tilespmem:s30+$0x10] =	vst v5;
	v5 =	vadd.f32 $1.275000000e+02, v6  }
0x3ae: {  	v6 =	vadd.f32 $1.275000000e+02, v8;
	v8 =	vmax.f32 v1, $0.0e+00;
	v15 =	vmax.f32 v12, $0.0e+00  }
0x3af: {  	v8 =	vmin.f32 v8, $2.539999850e+02;
	v15 =	vmin.f32 v15, $2.539999850e+02;
	v3 =	vadd.f32 $1.275000000e+02, v3  }
0x3b0: {  	v16 =	vld [tilespmem:s0+$0x20];
	v17 =	vmax.f32 v5, $0.0e+00;
	v18 =	vmax.f32 v6, $0.0e+00;
	v7 =	vmul.f32 $3.187499810e+01, v7  }
0x3b1: {  	v8 =	vtrunc.f32 v8;
	v15 =	vtrunc.f32 v15;
	v17 =	vmin.f32 v17, $2.539999850e+02  }
0x3b2: {  	v8 =	vcvt.f32.s32 v8;
	v19 =	vmax.f32 v3, $0.0e+00;
	v13 =	vmul.f32 $3.187499810e+01, v13  }
0x3b3: {  	v17 =	vtrunc.f32 v17;
	v7 =	vadd.f32 $1.275000000e+02, v7;
	v19 =	vmin.f32 v19, $2.539999850e+02  }
0x3b4: {  	v18 =	vmin.f32 v18, $2.539999850e+02;
	v17 =	vcvt.f32.s32 v17;
	v19 =	vtrunc.f32 v19  }
0x3b5: {  	v13 =	vadd.f32 $1.275000000e+02, v13;
	v16 =	vmul.f32 $3.187499810e+01, v16;
	v20 =	vmax.f32 v7, $0.0e+00  }
0x3b6: {  	v19 =	vcvt.f32.s32 v19;
	v20 =	vmin.f32 v20, $2.539999850e+02;
	v23 =	vadd.s32 $0x1, v17  }
0x3b7: {  	v21 =	vmax.f32 v13, $0.0e+00;
	v16 =	vadd.f32 $1.275000000e+02, v16;
	v20 =	vtrunc.f32 v20  }
0x3b8: {  	v22 =	vadd.s32 $0x1, v19;
	v21 =	vmin.f32 v21, $2.539999850e+02;
	v20 =	vcvt.f32.s32 v20  }
0x3b9: {  	v15 =	vcvt.f32.s32 v15;
	v34 =	vld.idx.msk [tilespmem:v8+s28+$0x0], $0xffff;
	v24 =	vmax.f32 v16, $0.0e+00;
	v21 =	vtrunc.f32 v21  }
0x3ba: {  	v24 =	vmin.f32 v24, $2.539999850e+02;
	v21 =	vcvt.f32.s32 v21;
	v25 =	vld.idx.msk [tilespmem:v17+s28+$0x0], $0xffff;
	v27 =	vadd.s32 $0x1, v20  }
0x3bb: {  	v18 =	vtrunc.f32 v18;
	v24 =	vtrunc.f32 v24;
	v23 =	vld.idx.msk [tilespmem:v23+s28+$0x0], $0xffff  }
0x3bc: {  	v29 =	vcvt.s32.f32 v20;
	v26 =	vld.idx.msk [tilespmem:v19+s28+$0x0], $0xffff;
	v24 =	vcvt.f32.s32 v24;
	v28 =	vadd.s32 $0x1, v21  }
0x3bd: {  	v31 =	vadd.s32 $0x1, v8;
	v17 =	vcvt.s32.f32 v17;
	v56 =	vcvt.s32.f32 v21;
	v22 =	vld.idx.msk [tilespmem:v22+s28+$0x0], $0xffff  }
0x3be: {  	v29 =	vsub.f32 v7, v29;
	v7 =	vcvt.s32.f32 v8;
	v8 =	vcvt.s32.f32 v19;
	v20 =	vld.idx.msk [tilespmem:v20+s28+$0x0], $0xffff  }
0x3bf: {  	v5 =	vsub.f32 v5, v17;
	v30 =	vadd.s32 $0x1, v24;
	v33 =	vcvt.s32.f32 v24;
	v27 =	vld.idx.msk [tilespmem:v27+s28+$0x0], $0xffff  }
0x3c0: {  	v35 =	vadd.s32 $0x1, v15;
	v13 =	vsub.f32 v13, v56;
	v17 =	vsub.f32 v23, v25;
	v21 =	vld.idx.msk [tilespmem:v21+s28+$0x0], $0xffff  }
0x3c1: {  	v18 =	vcvt.f32.s32 v18;
	v3 =	vsub.f32 v3, v8;
	v16 =	vsub.f32 v16, v33;
	v19 =	vld.idx.msk [tilespmem:v28+s28+$0x0], $0xffff  }
0x3c2: {  	v28 =	vcvt.s32.f32 v15;
	v8 =	vsub.f32 v22, v26;
	v5 =	vmul.f32 v5, v17;
	v22 =	vld.idx.msk [tilespmem:v24+s28+$0x0], $0xffff  }
0x3c3: {  	v23 =	vadd.s32 $0x1, v18;
	v17 =	vsub.f32 v1, v7;
	v1 =	vcvt.s32.f32 v18;
	v24 =	vld.idx.msk [tilespmem:v31+s28+$0x0], $0xffff  }
0x3c4: {  	s5 =	simm.s32 $0xFF00;
	v30 =	vld.idx.msk [tilespmem:v30+s28+$0x0], $0xffff;
	v12 =	vsub.f32 v12, v28;
	v3 =	vmul.f32 v3, v8;
	v5 =	vadd.f32 v5, v25  }
0x3c5: {  	v7 =	vsub.f32 v6, v1;
	v1 =	vcvt.f32.s32 v11;
	v11 =	vld [tilespmem:s5+$0x80];
	v6 =	vcvt.s32.f32 v14  }
0x3c6: {  	v31 =	vcvt.s32.f32 v9;
	v8 =	vadd.f32 v3, v26;
	v26 =	vsub.f32 v27, v20;
	[tilespmem:s30+$0xA0] =	vst v5  }
0x3c7: {  	v28 =	vadd.s32 $0x1, v9;
	v5 =	vsub.f32 v0, v6;
	v19 =	vsub.f32 v19, v21;
	v57 =	vld [tilespmem:s0+$0xB0]  }
0x3c8: {  	v27 =	vld [tilespmem:s5+$0xFFFFFF80];
	v6 =	vsub.f32 v2, v31;
	v0 =	vmul.f32 v29, v26;
	v29 =	vcvt.s32.f32 v1  }
0x3c9: {  	v2 =	vsub.f32 v30, v22;
	v30 =	vld [tilespmem:s5+$0xFFFFFF00];
	v13 =	vmul.f32 v13, v19;
	v19 =	vsub.f32 v24, v34  }
0x3ca: {  	v26 =	vld [tilespmem:s5+$0x0];
	v20 =	vadd.f32 v0, v20;
	v0 =	vsub.f32 v10, v29;
	v10 =	vmul.f32 $3.187499810e+01, v11  }
0x3cb: {  	v25 =	vadd.s32 $0x1, v14;
	v2 =	vmul.f32 v16, v2;
	v16 =	vmul.f32 v17, v19  }
0x3cc: {  	v13 =	vadd.f32 v13, v21;
	v10 =	vadd.f32 $1.275000000e+02, v10;
	v17 =	vmul.f32 $3.187499810e+01, v57  }
0x3cd: {  	v15 =	vld.idx.msk [tilespmem:v15+s28+$0x0], $0xffff;
	v11 =	vmul.f32 $3.187499810e+01, v27;
	v21 =	vadd.f32 v2, v22;
	v16 =	vadd.f32 v16, v34  }
0x3ce: {  	v18 =	vld.idx.msk [tilespmem:v18+s28+$0x0], $0xffff;
	v22 =	vmul.f32 $3.187499810e+01, v30;
	v24 =	vmax.f32 v10, $0.0e+00;
	v17 =	vadd.f32 $1.275000000e+02, v17  }
0x3cf: {  	v2 =	vld.idx.msk [tilespmem:v14+s28+$0x0], $0xffff;
	v19 =	vmul.f32 $3.187499810e+01, v26;
	v11 =	vadd.f32 $1.275000000e+02, v11;
	v24 =	vmin.f32 v24, $2.539999850e+02  }
0x3d0: {  	[tilespmem:s30+$0xFFFFFF20] =	vst v20;
	v20 =	vld.idx.msk [tilespmem:v23+s28+$0x0], $0xffff;
	v22 =	vadd.f32 $1.275000000e+02, v22;
	v24 =	vtrunc.f32 v24;
	v27 =	vmax.f32 v17, $0.0e+00  }
0x3d1: {  	v26 =	vld.idx.msk [tilespmem:v35+s28+$0x0], $0xffff;
	v19 =	vadd.f32 $1.275000000e+02, v19;
	v23 =	vcvt.f32.s32 v24;
	v24 =	vmin.f32 v27, $2.539999850e+02  }
0x3d2: {  	[tilespmem:s30+$0xFFFFFFA0] =	vst v13;
	v30 =	vld [tilespmem:s0+$0xFFFFFF30];
	v14 =	vmax.f32 v11, $0.0e+00;
	v27 =	vmax.f32 v22, $0.0e+00;
	v24 =	vtrunc.f32 v24  }
0x3d3: {  	v31 =	vld [tilespmem:s0+$0xFFFFFFB0];
	v27 =	vmin.f32 v27, $2.539999850e+02;
	v13 =	vadd.s32 $0x1, v23;
	v24 =	vcvt.f32.s32 v24  }
0x3d4: {  	v14 =	vmin.f32 v14, $2.539999850e+02;
	v29 =	vmax.f32 v19, $0.0e+00;
	v27 =	vtrunc.f32 v27  }
0x3d5: {  	[tilespmem:s30+$0x20] =	vst v21;
	v14 =	vtrunc.f32 v14;
	v27 =	vcvt.f32.s32 v27;
	v58 =	vadd.s32 $0x1, v24  }
0x3d6: {  	v20 =	vsub.f32 v20, v18;
	v21 =	vmin.f32 v29, $2.539999850e+02;
	v29 =	vld [tilespmem:s0+$0x30];
	v14 =	vcvt.f32.s32 v14  }
0x3d7: {  	v30 =	vmul.f32 $3.187499810e+01, v30;
	v21 =	vtrunc.f32 v21;
	v60 =	vadd.s32 $0x1, v27;
	v61 =	vld.idx.msk [tilespmem:v23+s28+$0x0], $0xffff  }
0x3d8: {  	v26 =	vsub.f32 v26, v15;
	v31 =	vmul.f32 $3.187499810e+01, v31;
	v21 =	vcvt.f32.s32 v21;
	v13 =	vld.idx.msk [tilespmem:v13+s28+$0x0], $0xffff  }
0x3d9: {  	v36 =	vcvt.s32.f32 v14;
	v37 =	vadd.s32 $0x1, v14;
	v30 =	vadd.f32 $1.275000000e+02, v30;
	v63 =	vld.idx.msk [tilespmem:v24+s28+$0x0], $0xffff  }
0x3da: {  	v31 =	vadd.f32 $1.275000000e+02, v31;
	v12 =	vmul.f32 v12, v26;
	v59 =	vcvt.s32.f32 v27;
	v32 =	vld.idx.msk [tilespmem:v58+s28+$0x0], $0xffff  }
0x3db: {  	v38 =	vadd.s32 $0x1, v21;
	v62 =	vcvt.s32.f32 v21;
	v23 =	vcvt.s32.f32 v23;
	v27 =	vld.idx.msk [tilespmem:v27+s28+$0x0], $0xffff  }
0x3dc: {  	v11 =	vsub.f32 v11, v36;
	v39 =	vmax.f32 v30, $0.0e+00;
	v29 =	vmul.f32 $3.187499810e+01, v29;
	v26 =	vld.idx.msk [tilespmem:v60+s28+$0x0], $0xffff  }
0x3dd: {  	v10 =	vsub.f32 v10, v23;
	v23 =	vcvt.s32.f32 v24;
	v13 =	vsub.f32 v13, v61  }
0x3de: {  	v33 =	vmin.f32 v39, $2.539999850e+02;
	v14 =	vld.idx.msk [tilespmem:v14+s28+$0x0], $0xffff;
	v24 =	vadd.f32 $1.275000000e+02, v29;
	v29 =	vmax.f32 v31, $0.0e+00  }
0x3df: {  	v40 =	vld.idx.msk [tilespmem:v37+s28+$0x0], $0xffff;
	v10 =	vmul.f32 v10, v13;
	v13 =	vsub.f32 v17, v23;
	v17 =	vsub.f32 v32, v63  }
0x3e0: {  	[tilespmem:s1+$0xFFFFFF40] =	vst v16;
	v22 =	vsub.f32 v22, v59;
	v21 =	vld.idx.msk [tilespmem:v21+s28+$0x0], $0xffff;
	v23 =	vmin.f32 v29, $2.539999850e+02;
	v29 =	vmax.f32 v24, $0.0e+00  }
0x3e1: {  	v41 =	vld.idx.msk [tilespmem:v38+s28+$0x0], $0xffff;
	v16 =	vsub.f32 v26, v27;
	v10 =	vadd.f32 v10, v61;
	v13 =	vmul.f32 v13, v17  }
0x3e2: {  	s14 =	simm.s32 $0x16F00;
	v9 =	vld.idx.msk [tilespmem:v9+s28+$0x0], $0xffff;
	v33 =	vtrunc.f32 v33;
	v23 =	vtrunc.f32 v23;
	v26 =	vmin.f32 v29, $2.539999850e+02  }
0x3e3: {  	v28 =	vld.idx.msk [tilespmem:v28+s28+$0x0], $0xffff;
	v16 =	vmul.f32 v22, v16;
	v22 =	vtrunc.f32 v26;
	[tilespmem:s14+$0x80] =	vst v10;
	v10 =	vadd.f32 v13, v63  }
0x3e4: {  	v25 =	vld.idx.msk [tilespmem:v25+s28+$0x0], $0xffff;
	v13 =	vcvt.f32.s32 v23;
	v23 =	vsub.f32 v40, v14;
	v22 =	vcvt.f32.s32 v22  }
0x3e5: {  	v7 =	vmul.f32 v7, v20;
	v19 =	vsub.f32 v19, v62;
	v42 =	vcvt.f32.s32 v33;
	v26 =	vld [tilespmem:s5+$0x90]  }
0x3e6: {  	v16 =	vadd.f32 v16, v27;
	v27 =	vsub.f32 v41, v21;
	[tilespmem:s30+$0xB0] =	vst v10;
	v10 =	vmul.f32 v11, v23  }
0x3e7: {  	v12 =	vadd.f32 v12, v15;
	v33 =	vcvt.s32.f32 v42;
	v17 =	vld [tilespmem:s31+$0xFFFFFF50];
	v20 =	vadd.s32 $0x1, v22  }
0x3e8: {  	v11 =	vld [tilespmem:s0+$0xC0];
	[tilespmem:s14+$0xFFFFFF00] =	vst v16;
	v16 =	vmul.f32 v19, v27;
	v10 =	vadd.f32 v10, v14  }
0x3e9: {  	v3 =	vadd.s32 $0x1, v1;
	[tilespmem:s1+$0xFFFFFFC0] =	vst v12;
	v23 =	vsub.f32 v30, v33;
	v30 =	vcvt.s32.f32 v13;
	v15 =	vld [tilespmem:s5+$0xFFFFFF10]  }
0x3ea: {  	v19 =	vcvt.s32.f32 v22;
	v14 =	vadd.f32 v16, v21;
	v16 =	vmul.f32 $3.187499810e+01, v26;
	[tilespmem:s14+$0xFFFFFF80] =	vst v10;
	v12 =	vld.idx.msk [tilespmem:v22+s28+$0x0], $0xffff  }
0x3eb: {  	v7 =	vadd.f32 v7, v18;
	v29 =	vadd.s32 $0x1, v42;
	v21 =	vsub.f32 v31, v30;
	v18 =	vld [tilespmem:s5+$0xFFFFFF90]  }
0x3ec: {  	v43 =	vadd.s32 $0x1, v13;
	v19 =	vsub.f32 v24, v19;
	[tilespmem:s14+$0x0] =	vst v14;
	v20 =	vld.idx.msk [tilespmem:v20+s28+$0x0], $0xffff;
	v14 =	vadd.f32 $1.275000000e+02, v16  }
0x3ed: {  	v10 =	vmul.f32 $3.187499810e+01, v11;
	v11 =	vmul.f32 $3.187499810e+01, v17;
	v16 =	vsub.f32 v25, v2  }
0x3ee: {  	v17 =	vsub.f32 v28, v9;
	v24 =	vld [tilespmem:s5+$0x10];
	v15 =	vmul.f32 $3.187499810e+01, v15;
	v25 =	vmax.f32 v14, $0.0e+00  }
0x3ef: {  	v27 =	vld.idx.msk [tilespmem:v3+s28+$0x0], $0xffff;
	v26 =	vadd.f32 $1.275000000e+02, v10;
	v16 =	vmul.f32 v5, v16;
	v3 =	vmin.f32 v25, $2.539999850e+02  }
0x3f0: {  	v13 =	vld.idx.msk [tilespmem:v13+s28+$0x0], $0xffff;
	v10 =	vmul.f32 v6, v17;
	v6 =	vadd.f32 $1.275000000e+02, v15;
	v3 =	vtrunc.f32 v3  }
0x3f1: {  	v17 =	vld.idx.msk [tilespmem:v43+s28+$0x0], $0xffff;
	v15 =	vmax.f32 v26, $0.0e+00;
	v18 =	vmul.f32 $3.187499810e+01, v18;
	v20 =	vsub.f32 v20, v12  }
0x3f2: {  	v25 =	vcvt.f32.s32 v3;
	v15 =	vmin.f32 v15, $2.539999850e+02;
	v3 =	vadd.f32 $1.275000000e+02, v11  }
0x3f3: {  	v5 =	vld.idx.msk [tilespmem:v29+s28+$0x0], $0xffff;
	v24 =	vmul.f32 $3.187499810e+01, v24;
	v28 =	vmax.f32 v6, $0.0e+00;
	v15 =	vtrunc.f32 v15  }
0x3f4: {  	v11 =	vld.idx.msk [tilespmem:v42+s28+$0x0], $0xffff;
	v18 =	vadd.f32 $1.275000000e+02, v18;
	v28 =	vmin.f32 v28, $2.539999850e+02;
	v19 =	vmul.f32 v19, v20  }
0x3f5: {  	v15 =	vcvt.f32.s32 v15;
	v29 =	vadd.s32 $0x1, v25;
	v24 =	vadd.f32 $1.275000000e+02, v24  }
0x3f6: {  	[tilespmem:s1+$0x40] =	vst v7;
	v22 =	vtrunc.f32 v28;
	v17 =	vsub.f32 v17, v13;
	v51 =	vmax.f32 v3, $0.0e+00  }
0x3f7: {  	v44 =	vld [tilespmem:s31+$0x50];
	v28 =	vmax.f32 v18, $0.0e+00;
	v22 =	vcvt.f32.s32 v22;
	v30 =	vadd.s32 $0x1, v15  }
0x3f8: {  	v7 =	vld [tilespmem:s31+$0xFFFFFFD0];
	v28 =	vmin.f32 v28, $2.539999850e+02;
	v31 =	vmax.f32 v24, $0.0e+00;
	v17 =	vmul.f32 v21, v17  }
0x3f9: {  	v5 =	vsub.f32 v5, v11;
	v28 =	vtrunc.f32 v28;
	v31 =	vmin.f32 v31, $2.539999850e+02;
	v45 =	vld.idx.msk [tilespmem:v25+s28+$0x0], $0xffff  }
0x3fa: {  	v46 =	vadd.s32 $0x1, v22;
	v28 =	vcvt.f32.s32 v28;
	v31 =	vtrunc.f32 v31;
	v29 =	vld.idx.msk [tilespmem:v29+s28+$0x0], $0xffff  }
0x3fb: {  	v47 =	vcvt.s32.f32 v22;
	v13 =	vadd.f32 v17, v13;
	v31 =	vcvt.f32.s32 v31;
	v48 =	vld.idx.msk [tilespmem:v15+s28+$0x0], $0xffff  }
0x3fc: {  	v12 =	vadd.f32 v19, v12;
	v5 =	vmul.f32 v23, v5;
	v50 =	vadd.s32 $0x1, v28;
	v23 =	vld.idx.msk [tilespmem:v30+s28+$0x0], $0xffff  }
0x3fd: {  	[tilespmem:s30+$0xFFFFFFB0] =	vst v13;
	v13 =	vmin.f32 v51, $2.539999850e+02;
	v30 =	vsub.f32 v6, v47;
	v6 =	vadd.s32 $0x1, v31;
	v22 =	vld.idx.msk [tilespmem:v22+s28+$0x0], $0xffff  }
0x3fe: {  	[tilespmem:s30+$0x30] =	vst v12;
	v25 =	vcvt.s32.f32 v25;
	v12 =	vtrunc.f32 v13;
	v13 =	vld [tilespmem:s0+$0xFFFFFFC0]  }
0x3ff: {  	v21 =	vcvt.s32.f32 v31;
	v20 =	vld.idx.msk [tilespmem:v46+s28+$0x0], $0xffff  }
0x400: {  	v15 =	vcvt.s32.f32 v15;
	v14 =	vsub.f32 v14, v25;
	v5 =	vadd.f32 v5, v11;
	v11 =	vld.idx.msk [tilespmem:v28+s28+$0x0], $0xffff  }
0x401: {  	v7 =	vmul.f32 $3.187499810e+01, v7;
	v21 =	vsub.f32 v24, v21;
	v25 =	vsub.f32 v29, v45;
	v24 =	vld.idx.msk [tilespmem:v50+s28+$0x0], $0xffff  }
0x402: {  	v49 =	vcvt.s32.f32 v28;
	v28 =	vld.idx.msk [tilespmem:v6+s28+$0x0], $0xffff;
	v6 =	vsub.f32 v26, v15;
	v15 =	vsub.f32 v23, v48  }
0x403: {  	v7 =	vadd.f32 $1.275000000e+02, v7;
	v17 =	vld.idx.msk [tilespmem:v31+s28+$0x0], $0xffff;
	v23 =	vmul.f32 $3.187499810e+01, v44;
	v14 =	vmul.f32 v14, v25  }
0x404: {  	v18 =	vsub.f32 v18, v49;
	[tilespmem:s30+$0xFFFFFF30] =	vst v5;
	v19 =	vsub.f32 v20, v22;
	v5 =	vmul.f32 v6, v15  }
0x405: {  	v1 =	vld.idx.msk [tilespmem:v1+s28+$0x0], $0xffff;
	v13 =	vmul.f32 $3.187499810e+01, v13;
	v6 =	vadd.f32 $1.275000000e+02, v23;
	v14 =	vadd.f32 v14, v45  }
0x406: {  	v20 =	vmax.f32 v7, $0.0e+00;
	v15 =	vld [tilespmem:s0+$0xFFFFFF40];
	v19 =	vmul.f32 v30, v19;
	v5 =	vadd.f32 v5, v48  }
0x407: {  	v23 =	vld [tilespmem:s0+$0x40];
	v25 =	vmax.f32 v6, $0.0e+00;
	v24 =	vsub.f32 v24, v11;
	[tilespmem:s14+$0x90] =	vst v14;
	v14 =	vmin.f32 v20, $2.539999850e+02  }
0x408: {  	v20 =	vmin.f32 v25, $2.539999850e+02;
	v25 =	vld [tilespmem:s5+$0xA0];
	v26 =	vsub.f32 v28, v17;
	v19 =	vadd.f32 v19, v22  }
0x409: {  	v55 =	vadd.f32 v10, v9;
	v12 =	vcvt.f32.s32 v12;
	[tilespmem:s30+$0xC0] =	vst v5;
	v18 =	vmul.f32 v18, v24  }
0x40a: {  	v13 =	vadd.f32 $1.275000000e+02, v13;
	v14 =	vtrunc.f32 v14;
	v22 =	vld [tilespmem:s0+$0xD0];
	v21 =	vmul.f32 v21, v26;
	[tilespmem:s14+$0xFFFFFF10] =	vst v19  }
0x40b: {  	v15 =	vmul.f32 $3.187499810e+01, v15;
	v11 =	vadd.f32 v18, v11;
	v18 =	vadd.f32 v16, v2;
	v16 =	vld [tilespmem:s5+$0xFFFFFF20]  }
0x40c: {  	v5 =	vsub.f32 v27, v1;
	v20 =	vtrunc.f32 v20;
	v2 =	vmul.f32 $3.187499810e+01, v23  }
0x40d: {  	v17 =	vadd.f32 v21, v17;
	v19 =	vadd.f32 $1.275000000e+02, v15;
	[tilespmem:s14+$0xFFFFFF90] =	vst v11;
	v11 =	vmul.f32 $3.187499810e+01, v25  }
0x40e: {  	[tilespmem:s1+$0xD0] =	vst v8;
	v8 =	vcvt.f32.s32 v20;
	v21 =	vmax.f32 v13, $0.0e+00;
	v28 =	vadd.f32 $1.275000000e+02, v2  }
0x40f: {  	v2 =	vld [tilespmem:s5+$0xFFFFFFA0];
	[tilespmem:s14+$0x10] =	vst v17;
	v17 =	vmax.f32 v19, $0.0e+00;
	v15 =	vmul.f32 $3.187499810e+01, v22;
	v11 =	vadd.f32 $1.275000000e+02, v11  }
0x410: {  	v22 =	vld [tilespmem:s5+$0x20];
	v17 =	vmin.f32 v17, $2.539999850e+02;
	v23 =	vmax.f32 v28, $0.0e+00;
	v16 =	vmul.f32 $3.187499810e+01, v16  }
0x411: {  	v17 =	vtrunc.f32 v17;
	v23 =	vmin.f32 v23, $2.539999850e+02;
	v27 =	vadd.f32 $1.275000000e+02, v15  }
0x412: {  	v15 =	vmin.f32 v21, $2.539999850e+02;
	v21 =	vmax.f32 v11, $0.0e+00;
	v17 =	vcvt.f32.s32 v17  }
0x413: {  	v9 =	vtrunc.f32 v23;
	v21 =	vmin.f32 v21, $2.539999850e+02;
	v15 =	vtrunc.f32 v15  }
0x414: {  	v16 =	vadd.f32 $1.275000000e+02, v16;
	v24 =	vmax.f32 v27, $0.0e+00;
	v2 =	vmul.f32 $3.187499810e+01, v2  }
0x415: {  	v21 =	vtrunc.f32 v21;
	v24 =	vmin.f32 v24, $2.539999850e+02;
	v22 =	vmul.f32 $3.187499810e+01, v22  }
0x416: {  	v21 =	vcvt.f32.s32 v21;
	v24 =	vtrunc.f32 v24  }
0x417: {  	v26 =	vadd.f32 $1.275000000e+02, v2;
	v2 =	vmax.f32 v16, $0.0e+00;
	v29 =	vcvt.f32.s32 v24  }
0x418: {  	v41 =	vcvt.s32.f32 v17;
	v22 =	vadd.f32 $1.275000000e+02, v22;
	v2 =	vmin.f32 v2, $2.539999850e+02  }
0x419: {  	v31 =	vadd.s32 $0x1, v21;
	v24 =	vmax.f32 v26, $0.0e+00;
	v25 =	vadd.s32 $0x1, v29  }
0x41a: {  	v2 =	vtrunc.f32 v2;
	v24 =	vmin.f32 v24, $2.539999850e+02;
	v30 =	vmax.f32 v22, $0.0e+00  }
0x41b: {  	v52 =	vcvt.f32.s32 v2;
	v2 =	vld.idx.msk [tilespmem:v12+s28+$0x0], $0xffff;
	v24 =	vtrunc.f32 v24;
	v30 =	vmin.f32 v30, $2.539999850e+02  }
0x41c: {  	v30 =	vtrunc.f32 v30;
	v53 =	vcvt.f32.s32 v24;
	v56 =	vld.idx.msk [tilespmem:v21+s28+$0x0], $0xffff  }
0x41d: {  	v10 =	vcvt.s32.f32 v52;
	v54 =	vcvt.f32.s32 v30;
	v30 =	vadd.s32 $0x1, v52;
	v57 =	vld.idx.msk [tilespmem:v29+s28+$0x0], $0xffff  }
0x41e: {  	v19 =	vsub.f32 v19, v41;
	v23 =	vcvt.s32.f32 v53;
	v39 =	vadd.s32 $0x1, v53;
	v40 =	vld.idx.msk [tilespmem:v25+s28+$0x0], $0xffff  }
0x41f: {  	v31 =	vld.idx.msk [tilespmem:v31+s28+$0x0], $0xffff;
	v29 =	vcvt.s32.f32 v29;
	v58 =	vcvt.s32.f32 v54;
	v25 =	vsub.f32 v16, v10  }
0x420: {  	v10 =	vadd.s32 $0x1, v54;
	v16 =	vcvt.f32.s32 v15;
	v15 =	vld.idx.msk [tilespmem:v17+s28+$0x0], $0xffff;
	v24 =	vsub.f32 v26, v23  }
0x421: {  	[tilespmem:s29+$0xFFFFFF50] =	vst v18;
	v18 =	vcvt.s32.f32 v12;
	v26 =	vld.idx.msk [tilespmem:v52+s28+$0x0], $0xffff;
	v61 =	vsub.f32 v27, v29;
	v23 =	vsub.f32 v22, v58  }
0x422: {  	v22 =	vadd.s32 $0x1, v17;
	v17 =	vcvt.f32.s32 v9;
	v9 =	vcvt.s32.f32 v21;
	v60 =	vld.idx.msk [tilespmem:v30+s28+$0x0], $0xffff  }
0x423: {  	v59 =	vadd.s32 $0x1, v16;
	v42 =	vcvt.s32.f32 v16;
	v27 =	vld.idx.msk [tilespmem:v53+s28+$0x0], $0xffff;
	v40 =	vsub.f32 v40, v57  }
0x424: {  	v31 =	vsub.f32 v31, v56;
	v29 =	vld.idx.msk [tilespmem:v39+s28+$0x0], $0xffff;
	v11 =	vsub.f32 v11, v9;
	v62 =	vcvt.s32.f32 v17  }
0x425: {  	v9 =	vcvt.f32.s32 v14;
	v30 =	vld.idx.msk [tilespmem:v10+s28+$0x0], $0xffff;
	v10 =	vsub.f32 v13, v42;
	v13 =	vmul.f32 v61, v40  }
0x426: {  	[tilespmem:s29+$0xD0] =	vst v4;
	v21 =	vadd.s32 $0x1, v17;
	v4 =	vsub.f32 v28, v62;
	v28 =	vld.idx.msk [tilespmem:v54+s28+$0x0], $0xffff;
	v63 =	vmul.f32 v11, v31  }
0x427: {  	v11 =	vadd.s32 $0x1, v12;
	v12 =	vadd.s32 $0x1, v9;
	v22 =	vld.idx.msk [tilespmem:v22+s28+$0x0], $0xffff;
	v14 =	vadd.f32 v13, v57  }
0x428: {  	s7 =	simm.s32 $0x10100;
	s6 =	simm.s32 $0xC;
	[tilespmem:s29+$0xFFFFFFD0] =	vst v55;
	v20 =	vld.idx.msk [tilespmem:v59+s28+$0x0], $0xffff;
	v31 =	vsub.f32 v60, v26;
	v32 =	vadd.f32 v63, v56;
	v13 =	vadd.s32 $0x1, v8  }
.LBB2_5:
0x429: {  	v33 =	vld [tilespmem:s7+$0x80];
	[tilespmem:s30+$0xD0] =	vst v14;
	v14 =	vsub.f32 v3, v18;
	v3 =	vcvt.s32.f32 v9;
	v18 =	vcvt.s32.f32 v8  }
0x42a: {  	v5 =	vmul.f32 v0, v5;
	v34 =	vld [tilespmem:s7+$0xFFFFFF80];
	v25 =	vmul.f32 v25, v31;
	[tilespmem:s14+$0xA0] =	vst v32  }
0x42b: {  	v0 =	vsub.f32 v29, v27;
	v29 =	vld [tilespmem:s5+$0xB0];
	v7 =	vsub.f32 v7, v3  }
0x42c: {  	s6 =	sadd.s32 $0x4, s6;
	v3 =	vld [tilespmem:s7+$0x0];
	v25 =	vadd.f32 v25, v26;
	v26 =	vsub.f32 v30, v28  }
0x42d: {  	p1 =	slt.u32 s6, $0x6C;
	v24 =	vmul.f32 v24, v0;
	v22 =	vsub.f32 v22, v15;
	v0 =	vsub.f32 v6, v18;
	v30 =	vld [tilespmem:s7+$0xFFFFFF00]  }
0x42e: {  	v1 =	vadd.f32 v5, v1;
	v6 =	vmul.f32 $3.187499810e+01, v33;
	[tilespmem:s14+$0xFFFFFF20] =	vst v25;
	v18 =	vmul.f32 v23, v26;
	v21 =	vld.idx.msk [tilespmem:v21+s28+$0x0], $0xffff  }
0x42f: {  	v24 =	vadd.f32 v24, v27;
	v19 =	vmul.f32 v19, v22;
	v23 =	vmul.f32 $3.187499810e+01, v34;
	v25 =	vld [tilespmem:s5+$0xFFFFFF30]  }
0x430: {  	v22 =	vadd.f32 $1.275000000e+02, v6;
	v6 =	vadd.f32 v18, v28;
	v18 =	vmul.f32 $3.187499810e+01, v29;
	v5 =	vld.idx.msk [tilespmem:v16+s28+$0x0], $0xffff;
	[tilespmem:s29+$0x50] =	vst v1;
	s29 =	smov.u32 s1;
	s1 =	smov.u32 s30;
	s30 =	smov.u32 s14  }
0x431: {  	v15 =	vadd.f32 v19, v15;
	v16 =	vadd.f32 $1.275000000e+02, v23;
	v1 =	vmul.f32 $3.187499810e+01, v3;
	[tilespmem:s14+$0xFFFFFFA0] =	vst v24;
	v3 =	vld.idx.msk [tilespmem:v17+s28+$0x0], $0xffff  }
0x432: {  	v17 =	vmul.f32 $3.187499810e+01, v30;
	v19 =	vmax.f32 v22, $0.0e+00;
	v23 =	vld [tilespmem:s5+$0xFFFFFFB0];
	[tilespmem:s14+$0x20] =	vst v6;
	v18 =	vadd.f32 $1.275000000e+02, v18  }
0x433: {  	v24 =	vmax.f32 v16, $0.0e+00;
	v26 =	vadd.f32 $1.275000000e+02, v1;
	v1 =	vmin.f32 v19, $2.539999850e+02;
	v19 =	vld [tilespmem:s5+$0x30];
	[tilespmem:s1+$0xFFFFFF40] =	vst v15  }
0x434: {  	v17 =	vadd.f32 $1.275000000e+02, v17;
	v1 =	vtrunc.f32 v1;
	v15 =	vmax.f32 v18, $0.0e+00;
	v6 =	vld [tilespmem:s0+$0xFFFFFF50]  }
0x435: {  	v27 =	vmax.f32 v26, $0.0e+00;
	v28 =	vcvt.f32.s32 v1;
	v1 =	vmin.f32 v15, $2.539999850e+02;
	v15 =	vld.idx.msk [tilespmem:v11+s28+$0x0], $0xffff  }
0x436: {  	v24 =	vmin.f32 v24, $2.539999850e+02;
	v11 =	vmax.f32 v17, $0.0e+00;
	v1 =	vtrunc.f32 v1;
	v12 =	vld.idx.msk [tilespmem:v12+s28+$0x0], $0xffff  }
0x437: {  	v29 =	vmin.f32 v11, $2.539999850e+02;
	v30 =	vadd.s32 $0x1, v28;
	v31 =	vcvt.f32.s32 v1;
	v11 =	vld.idx.msk [tilespmem:v13+s28+$0x0], $0xffff  }
0x438: {  	v13 =	vtrunc.f32 v24;
	v24 =	vmin.f32 v27, $2.539999850e+02;
	v1 =	vtrunc.f32 v29;
	v9 =	vld.idx.msk [tilespmem:v9+s28+$0x0], $0xffff  }
0x439: {  	v24 =	vtrunc.f32 v24;
	v27 =	vcvt.f32.s32 v1;
	v29 =	vadd.s32 $0x1, v31;
	v1 =	vld.idx.msk [tilespmem:v8+s28+$0x0], $0xffff  }
0x43a: {  	v20 =	vsub.f32 v20, v5;
	v8 =	vcvt.f32.s32 v13;
	v13 =	vcvt.f32.s32 v24  }
0x43b: {  	v25 =	vmul.f32 $3.187499810e+01, v25;
	v24 =	vcvt.s32.f32 v27;
	v32 =	vadd.s32 $0x1, v27;
	v33 =	vld.idx.msk [tilespmem:v28+s28+$0x0], $0xffff  }
0x43c: {  	v34 =	vcvt.s32.f32 v8;
	v35 =	vadd.s32 $0x1, v8;
	v36 =	vadd.s32 $0x1, v13;
	v30 =	vld.idx.msk [tilespmem:v30+s28+$0x0], $0xffff  }
0x43d: {  	v23 =	vmul.f32 $3.187499810e+01, v23;
	v17 =	vsub.f32 v17, v24;
	v24 =	vcvt.s32.f32 v13;
	v37 =	vld.idx.msk [tilespmem:v31+s28+$0x0], $0xffff  }
0x43e: {  	v25 =	vadd.f32 $1.275000000e+02, v25;
	v19 =	vmul.f32 $3.187499810e+01, v19;
	v16 =	vsub.f32 v16, v34;
	v29 =	vld.idx.msk [tilespmem:v29+s28+$0x0], $0xffff  }
0x43f: {  	v10 =	vmul.f32 v10, v20;
	v23 =	vadd.f32 $1.275000000e+02, v23;
	v27 =	vld.idx.msk [tilespmem:v27+s28+$0x0], $0xffff;
	v24 =	vsub.f32 v26, v24  }
0x440: {  	v19 =	vadd.f32 $1.275000000e+02, v19;
	v26 =	vcvt.s32.f32 v28;
	v28 =	vmax.f32 v25, $0.0e+00;
	v20 =	vld.idx.msk [tilespmem:v32+s28+$0x0], $0xffff  }
0x441: {  	v21 =	vsub.f32 v21, v3;
	v34 =	vmax.f32 v23, $0.0e+00;
	v28 =	vmin.f32 v28, $2.539999850e+02;
	v32 =	vld.idx.msk [tilespmem:v35+s28+$0x0], $0xffff  }
0x442: {  	v22 =	vsub.f32 v22, v26;
	v26 =	vsub.f32 v30, v33;
	v30 =	vcvt.s32.f32 v31;
	v35 =	vld.idx.msk [tilespmem:v36+s28+$0x0], $0xffff  }
0x443: {  	v28 =	vtrunc.f32 v28;
	v31 =	vmin.f32 v34, $2.539999850e+02;
	v34 =	vmax.f32 v19, $0.0e+00;
	v8 =	vld.idx.msk [tilespmem:v8+s28+$0x0], $0xffff  }
0x444: {  	v22 =	vmul.f32 v22, v26;
	v18 =	vsub.f32 v18, v30;
	v26 =	vsub.f32 v29, v37;
	v13 =	vld.idx.msk [tilespmem:v13+s28+$0x0], $0xffff  }
0x445: {  	v28 =	vcvt.f32.s32 v28;
	v29 =	vtrunc.f32 v31;
	v30 =	vmin.f32 v34, $2.539999850e+02  }
0x446: {  	v20 =	vsub.f32 v20, v27;
	v22 =	vadd.f32 v22, v33;
	v18 =	vmul.f32 v18, v26  }
0x447: {  	s14 =	sadd.s32 $0x200, s14;
	v29 =	vcvt.f32.s32 v29;
	v30 =	vtrunc.f32 v30;
	v26 =	vadd.s32 $0x1, v28  }
0x448: {  	v17 =	vmul.f32 v17, v20;
	v20 =	vcvt.f32.s32 v30;
	v18 =	vadd.f32 v18, v37;
	[tilespmem:s14+$0x80] =	vst v22  }
0x449: {  	v31 =	vcvt.s32.f32 v28;
	v22 =	vsub.f32 v32, v8;
	v32 =	vadd.s32 $0x1, v29;
	v30 =	vld [tilespmem:s7+$0x90]  }
0x44a: {  	v17 =	vadd.f32 v17, v27;
	v27 =	vsub.f32 v35, v13;
	v33 =	vadd.s32 $0x1, v20;
	[tilespmem:s30+$0xB0] =	vst v18  }
0x44b: {  	v16 =	vmul.f32 v16, v22;
	v18 =	vsub.f32 v25, v31;
	v22 =	vcvt.s32.f32 v29;
	v25 =	vld [tilespmem:s5+$0xC0]  }
0x44c: {  	v5 =	vadd.f32 v10, v5;
	[tilespmem:s14+$0xFFFFFF00] =	vst v17;
	v17 =	vmul.f32 v24, v27;
	v24 =	vld.idx.msk [tilespmem:v26+s28+$0x0], $0xffff;
	v26 =	vcvt.s32.f32 v20  }
0x44d: {  	v4 =	vmul.f32 v4, v21;
	v8 =	vadd.f32 v16, v8;
	v16 =	vsub.f32 v23, v22;
	v10 =	vld [tilespmem:s7+$0xFFFFFF10]  }
0x44e: {  	v13 =	vadd.f32 v17, v13;
	v17 =	vmul.f32 $3.187499810e+01, v30;
	v21 =	vld.idx.msk [tilespmem:v32+s28+$0x0], $0xffff;
	v19 =	vsub.f32 v19, v26;
	[tilespmem:s1+$0xFFFFFFC0] =	vst v5  }
0x44f: {  	v4 =	vadd.f32 v4, v3;
	v5 =	vmul.f32 $3.187499810e+01, v6;
	v6 =	vsub.f32 v15, v2;
	[tilespmem:s14+$0xFFFFFF80] =	vst v8;
	v8 =	vld.idx.msk [tilespmem:v33+s28+$0x0], $0xffff  }
0x450: {  	v12 =	vsub.f32 v12, v9;
	v15 =	vld [tilespmem:s7+$0xFFFFFF90];
	[tilespmem:s14+$0x0] =	vst v13;
	v13 =	vadd.f32 $1.275000000e+02, v17;
	v17 =	vmul.f32 $3.187499810e+01, v25  }
0x451: {  	v3 =	vadd.f32 $1.275000000e+02, v5;
	v14 =	vmul.f32 v14, v6;
	v5 =	vsub.f32 v11, v1;
	v22 =	vld [tilespmem:s7+$0x10];
	[tilespmem:s1+$0x40] =	vst v4  }
0x452: {  	v4 =	vmul.f32 $3.187499810e+01, v10;
	v6 =	vmax.f32 v13, $0.0e+00;
	v10 =	vld.idx.msk [tilespmem:v28+s28+$0x0], $0xffff;
	v11 =	vadd.f32 $1.275000000e+02, v17  }
0x453: {  	v12 =	vmul.f32 v7, v12;
	v23 =	vmax.f32 v3, $0.0e+00;
	v6 =	vmin.f32 v6, $2.539999850e+02;
	v17 =	vld.idx.msk [tilespmem:v29+s28+$0x0], $0xffff  }
0x454: {  	v4 =	vadd.f32 $1.275000000e+02, v4;
	v6 =	vtrunc.f32 v6;
	v7 =	vld.idx.msk [tilespmem:v20+s28+$0x0], $0xffff;
	v20 =	vmax.f32 v11, $0.0e+00  }
0x455: {  	v15 =	vmul.f32 $3.187499810e+01, v15;
	v6 =	vcvt.f32.s32 v6;
	v20 =	vmin.f32 v20, $2.539999850e+02;
	v25 =	vld [tilespmem:s0+$0xFFFFFFD0]  }
0x456: {  	v26 =	vmax.f32 v4, $0.0e+00;
	v22 =	vmul.f32 $3.187499810e+01, v22;
	v20 =	vtrunc.f32 v20;
	v27 =	vld [tilespmem:s0+$0x50];
	s0 =	smov.u32 s5;
	s5 =	smov.u32 s7  }
0x457: {  	v15 =	vadd.f32 $1.275000000e+02, v15;
	v28 =	vadd.s32 $0x1, v6;
	v20 =	vcvt.f32.s32 v20  }
0x458: {  	v26 =	vmin.f32 v26, $2.539999850e+02;
	v24 =	vsub.f32 v24, v10;
	v22 =	vadd.f32 $1.275000000e+02, v22  }
0x459: {  	v26 =	vtrunc.f32 v26;
	v29 =	vmax.f32 v15, $0.0e+00;
	v30 =	vadd.s32 $0x1, v20  }
0x45a: {  	v26 =	vcvt.f32.s32 v26;
	v29 =	vmin.f32 v29, $2.539999850e+02;
	v31 =	vmax.f32 v22, $0.0e+00  }
0x45b: {  	v21 =	vsub.f32 v21, v17;
	v29 =	vtrunc.f32 v29;
	v31 =	vmin.f32 v31, $2.539999850e+02;
	v32 =	vld.idx.msk [tilespmem:v6+s28+$0x0], $0xffff  }
0x45c: {  	v33 =	vadd.s32 $0x1, v26;
	v29 =	vcvt.f32.s32 v29;
	v31 =	vtrunc.f32 v31;
	v28 =	vld.idx.msk [tilespmem:v28+s28+$0x0], $0xffff  }
0x45d: {  	v8 =	vsub.f32 v8, v7;
	v34 =	vcvt.s32.f32 v26;
	v31 =	vcvt.f32.s32 v31;
	v35 =	vld.idx.msk [tilespmem:v20+s28+$0x0], $0xffff  }
0x45e: {  	v18 =	vmul.f32 v18, v24;
	v36 =	vcvt.s32.f32 v29;
	v37 =	vadd.s32 $0x1, v29;
	v24 =	vld.idx.msk [tilespmem:v30+s28+$0x0], $0xffff  }
0x45f: {  	v4 =	vsub.f32 v4, v34;
	v30 =	vcvt.s32.f32 v31;
	v34 =	vadd.s32 $0x1, v31  }
0x460: {  	v16 =	vmul.f32 v16, v21;
	v8 =	vmul.f32 v19, v8;
	v26 =	vld.idx.msk [tilespmem:v26+s28+$0x0], $0xffff;
	v15 =	vsub.f32 v15, v36  }
0x461: {  	v6 =	vcvt.s32.f32 v6;
	v10 =	vadd.f32 v18, v10;
	v19 =	vld.idx.msk [tilespmem:v33+s28+$0x0], $0xffff;
	v21 =	vsub.f32 v22, v30  }
0x462: {  	v16 =	vadd.f32 v16, v17;
	v7 =	vadd.f32 v8, v7;
	v8 =	vcvt.s32.f32 v20;
	v18 =	vld.idx.msk [tilespmem:v29+s28+$0x0], $0xffff  }
0x463: {  	v6 =	vsub.f32 v13, v6;
	v13 =	vsub.f32 v28, v32;
	v17 =	vld.idx.msk [tilespmem:v37+s28+$0x0], $0xffff;
	[tilespmem:s30+$0xFFFFFF30] =	vst v10;
	v10 =	vmul.f32 $3.187499810e+01, v25  }
0x464: {  	v8 =	vsub.f32 v11, v8;
	v11 =	vsub.f32 v24, v35;
	v20 =	vld.idx.msk [tilespmem:v34+s28+$0x0], $0xffff;
	[tilespmem:s30+$0xFFFFFFB0] =	vst v16;
	v16 =	vmul.f32 $3.187499810e+01, v27  }
0x465: {  	v13 =	vmul.f32 v6, v13;
	v6 =	vmin.f32 v23, $2.539999850e+02;
	v22 =	vld.idx.msk [tilespmem:v31+s28+$0x0], $0xffff;
	[tilespmem:s30+$0x30] =	vst v7;
	v7 =	vadd.f32 $1.275000000e+02, v10  }
0x466: {  	v8 =	vmul.f32 v8, v11;
	v11 =	vtrunc.f32 v6;
	v10 =	vld [tilespmem:s0+$0xFFFFFF40];
	v6 =	vadd.f32 $1.275000000e+02, v16  }
0x467: {  	v13 =	vadd.f32 v13, v32;
	v16 =	vsub.f32 v19, v26;
	v19 =	vld [tilespmem:s0+$0xFFFFFFC0];
	v23 =	vmax.f32 v7, $0.0e+00  }
0x468: {  	v8 =	vadd.f32 v8, v35;
	v24 =	vld [tilespmem:s0+$0x40];
	v23 =	vmin.f32 v23, $2.539999850e+02;
	v25 =	vmax.f32 v6, $0.0e+00  }
0x469: {  	v16 =	vmul.f32 v4, v16;
	v17 =	vsub.f32 v17, v18;
	[tilespmem:s14+$0x90] =	vst v13;
	v13 =	vmin.f32 v25, $2.539999850e+02  }
0x46a: {  	v2 =	vadd.f32 v14, v2;
	v4 =	vtrunc.f32 v23;
	v25 =	vld [tilespmem:s7+$0xA0];
	[tilespmem:s30+$0xC0] =	vst v8;
	v8 =	vtrunc.f32 v13  }
0x46b: {  	v13 =	vadd.f32 v16, v26;
	v14 =	vmul.f32 v15, v17;
	v15 =	vsub.f32 v20, v22;
	v16 =	vld [tilespmem:s0+$0xD0]  }
0x46c: {  	v10 =	vmul.f32 $3.187499810e+01, v10;
	v17 =	vmul.f32 $3.187499810e+01, v19;
	[tilespmem:s29+$0xFFFFFF50] =	vst v2;
	v2 =	vadd.f32 v12, v9  }
0x46d: {  	v9 =	vadd.f32 v14, v18;
	v12 =	vmul.f32 v21, v15;
	[tilespmem:s14+$0xFFFFFF10] =	vst v13;
	v13 =	vmul.f32 $3.187499810e+01, v24  }
0x46e: {  	v20 =	vcvt.f32.s32 v11;
	v10 =	vadd.f32 $1.275000000e+02, v10;
	v14 =	vld [tilespmem:s7+$0xFFFFFF20];
	v18 =	vadd.f32 $1.275000000e+02, v17;
	[tilespmem:s29+$0xFFFFFFD0] =	vst v2  }
0x46f: {  	v2 =	vadd.f32 v12, v22;
	[tilespmem:s14+$0xFFFFFF90] =	vst v9;
	v9 =	vmul.f32 $3.187499810e+01, v25;
	v11 =	vadd.f32 $1.275000000e+02, v13  }
0x470: {  	v13 =	vmax.f32 v10, $0.0e+00;
	v12 =	vld [tilespmem:s7+$0xFFFFFFA0];
	v15 =	vmax.f32 v18, $0.0e+00;
	v16 =	vmul.f32 $3.187499810e+01, v16  }
0x471: {  	[tilespmem:s14+$0x10] =	vst v2;
	v9 =	vadd.f32 $1.275000000e+02, v9;
	v2 =	vmin.f32 v13, $2.539999850e+02;
	v13 =	vmax.f32 v11, $0.0e+00  }
0x472: {  	v15 =	vmin.f32 v15, $2.539999850e+02;
	v17 =	vld [tilespmem:s7+$0x20];
	v13 =	vmin.f32 v13, $2.539999850e+02;
	v22 =	vadd.f32 $1.275000000e+02, v16  }
0x473: {  	v19 =	vtrunc.f32 v2;
	v14 =	vmul.f32 $3.187499810e+01, v14;
	v16 =	vmax.f32 v9, $0.0e+00  }
0x474: {  	v15 =	vtrunc.f32 v15;
	v16 =	vmin.f32 v16, $2.539999850e+02;
	v21 =	vmax.f32 v22, $0.0e+00;
	v2 =	vld.idx.msk [tilespmem:v20+s28+$0x0], $0xffff  }
0x475: {  	v12 =	vmul.f32 $3.187499810e+01, v12;
	v16 =	vtrunc.f32 v16;
	v21 =	vmin.f32 v21, $2.539999850e+02  }
0x476: {  	v14 =	vadd.f32 $1.275000000e+02, v14;
	v27 =	vcvt.f32.s32 v16;
	v16 =	vtrunc.f32 v21  }
0x477: {  	v12 =	vadd.f32 $1.275000000e+02, v12;
	v17 =	vmul.f32 $3.187499810e+01, v17;
	v28 =	vcvt.f32.s32 v16  }
0x478: {  	v19 =	vcvt.f32.s32 v19;
	v13 =	vtrunc.f32 v13;
	v16 =	vmax.f32 v14, $0.0e+00  }
0x479: {  	v21 =	vmax.f32 v12, $0.0e+00;
	v23 =	vadd.f32 $1.275000000e+02, v17;
	v17 =	vadd.s32 $0x1, v28  }
0x47a: {  	v16 =	vmin.f32 v16, $2.539999850e+02;
	v24 =	vadd.s32 $0x1, v27;
	v21 =	vmin.f32 v21, $2.539999850e+02  }
0x47b: {  	v16 =	vtrunc.f32 v16;
	v21 =	vtrunc.f32 v21;
	v25 =	vmax.f32 v23, $0.0e+00  }
0x47c: {  	v26 =	vcvt.f32.s32 v16;
	v31 =	vcvt.f32.s32 v21;
	v16 =	vmin.f32 v25, $2.539999850e+02;
	v32 =	vld.idx.msk [tilespmem:v27+s28+$0x0], $0xffff  }
0x47d: {  	v33 =	vadd.s32 $0x1, v19;
	v21 =	vtrunc.f32 v16;
	v16 =	vcvt.f32.s32 v15;
	v34 =	vld.idx.msk [tilespmem:v28+s28+$0x0], $0xffff  }
0x47e: {  	v29 =	vadd.s32 $0x1, v26;
	v30 =	vadd.s32 $0x1, v31;
	v35 =	vcvt.f32.s32 v21;
	v36 =	vld.idx.msk [tilespmem:v17+s28+$0x0], $0xffff  }
0x47f: {  	v21 =	vcvt.s32.f32 v26;
	v37 =	vcvt.s32.f32 v31;
	v38 =	vld.idx.msk [tilespmem:v24+s28+$0x0], $0xffff;
	v39 =	vadd.s32 $0x1, v16  }
0x480: {  	v17 =	vcvt.f32.s32 v13;
	v40 =	vcvt.s32.f32 v35;
	v41 =	vadd.s32 $0x1, v35;
	v15 =	vld.idx.msk [tilespmem:v19+s28+$0x0], $0xffff  }
0x481: {  	v25 =	vsub.f32 v14, v21;
	v24 =	vsub.f32 v12, v37;
	v12 =	vcvt.s32.f32 v19  }
0x482: {  	v13 =	vcvt.s32.f32 v28;
	v21 =	vadd.s32 $0x1, v17;
	v26 =	vld.idx.msk [tilespmem:v26+s28+$0x0], $0xffff;
	v23 =	vsub.f32 v23, v40  }
0x483: {  	v14 =	vcvt.s32.f32 v27;
	v19 =	vsub.f32 v10, v12;
	v10 =	vcvt.s32.f32 v16;
	v37 =	vld.idx.msk [tilespmem:v29+s28+$0x0], $0xffff  }
0x484: {  	v13 =	vsub.f32 v22, v13;
	v12 =	vcvt.s32.f32 v17;
	v22 =	vsub.f32 v36, v34;
	v29 =	vld.idx.msk [tilespmem:v30+s28+$0x0], $0xffff  }
.Ltmp3:
0x485: {  	v14 =	vsub.f32 v9, v14;
	v9 =	vcvt.f32.s32 v4;
	v36 =	vsub.f32 v38, v32;
	v30 =	vld.idx.msk [tilespmem:v41+s28+$0x0], $0xffff;
	(pc) =	sbr.rel @p1 .LBB2_5-.Ltmp3, $4  }
0x486: {  	v10 =	vsub.f32 v18, v10;
	v4 =	vsub.f32 v11, v12;
	v12 =	vmul.f32 v13, v22;
	v27 =	vld.idx.msk [tilespmem:v31+s28+$0x0], $0xffff  }
0x487: {  	v8 =	vcvt.f32.s32 v8;
	v11 =	vadd.s32 $0x1, v20;
	v13 =	vmul.f32 v14, v36;
	v28 =	vld.idx.msk [tilespmem:v35+s28+$0x0], $0xffff  }
0x488: {  	v18 =	vcvt.s32.f32 v20;
	v14 =	vadd.f32 v12, v34;
	v12 =	vadd.s32 $0x1, v9;
	v22 =	vld.idx.msk [tilespmem:v33+s28+$0x0], $0xffff  }
0x489: {  	s7 =	sadd.s32 $0x200, s7;
	v31 =	vsub.f32 v37, v26;
	v32 =	vadd.f32 v13, v32;
	v13 =	vadd.s32 $0x1, v8;
	v20 =	vld.idx.msk [tilespmem:v39+s28+$0x0], $0xffff  }
0x48a: {  	_ = 	snop  }
0x48b: {  	v29 =	vsub.f32 v29, v27;
	v25 =	vmul.f32 v25, v31;
	[tilespmem:s14+$0xA0] =	vst v32  }
0x48c: {  	v42 =	vld [tilespmem:s5+$0xB0]  }
0x48d: {  	v30 =	vsub.f32 v30, v28;
	v24 =	vmul.f32 v24, v29;
	v25 =	vadd.f32 v25, v26;
	_ =	sdelay $0x1  }
0x48e: {  	v23 =	vmul.f32 v23, v30;
	v24 =	vadd.f32 v24, v27;
	[tilespmem:s14+$0xFFFFFF20] =	vst v25  }
0x48f: {  	v25 =	vld [tilespmem:s5+$0xFFFFFF30]  }
0x490: {  	v23 =	vadd.f32 v23, v28;
	[tilespmem:s14+$0xFFFFFFA0] =	vst v24;
	v43 =	vmul.f32 $3.187499810e+01, v42  }
0x491: {  	v44 =	vld [tilespmem:s5+$0xFFFFFFB0]  }
0x492: {  	[tilespmem:s14+$0x20] =	vst v23;
	v24 =	vadd.f32 $1.275000000e+02, v43  }
0x493: {  	v23 =	vld [tilespmem:s5+$0x30]  }
0x494: {  	v45 =	vmax.f32 v24, $0.0e+00;
	v25 =	vmul.f32 $3.187499810e+01, v25  }
0x495: {  	v27 =	vmin.f32 v45, $2.539999850e+02  }
0x496: {  	v26 =	vmul.f32 $3.187499810e+01, v44;
	v27 =	vtrunc.f32 v27;
	v25 =	vadd.f32 $1.275000000e+02, v25  }
0x497: {  	v27 =	vcvt.f32.s32 v27  }
0x498: {  	v23 =	vmul.f32 $3.187499810e+01, v23;
	v26 =	vadd.f32 $1.275000000e+02, v26;
	v46 =	vmax.f32 v25, $0.0e+00  }
0x499: {  	v47 =	vadd.s32 $0x1, v27;
	v28 =	vmin.f32 v46, $2.539999850e+02  }
0x49a: {  	v23 =	vadd.f32 $1.275000000e+02, v23;
	v48 =	vmax.f32 v26, $0.0e+00;
	v28 =	vtrunc.f32 v28  }
0x49b: {  	v30 =	vmin.f32 v48, $2.539999850e+02;
	v28 =	vcvt.f32.s32 v28  }
0x49c: {  	v49 =	vmax.f32 v23, $0.0e+00;
	v30 =	vtrunc.f32 v30  }
0x49d: {  	v31 =	vmin.f32 v49, $2.539999850e+02;
	v30 =	vcvt.f32.s32 v30;
	v50 =	vadd.s32 $0x1, v28;
	v33 =	vld.idx.msk [tilespmem:v27+s28+$0x0], $0xffff  }
0x49e: {  	v31 =	vtrunc.f32 v31;
	v29 =	vld.idx.msk [tilespmem:v47+s28+$0x0], $0xffff  }
0x49f: {  	v31 =	vcvt.f32.s32 v31;
	v34 =	vadd.s32 $0x1, v30;
	_ =	sdelay $0x1  }
0x4a0: {  	v27 =	vcvt.s32.f32 v27;
	v35 =	vadd.s32 $0x1, v31;
	v53 =	vld.idx.msk [tilespmem:v28+s28+$0x0], $0xffff  }
0x4a1: {  	v32 =	vld.idx.msk [tilespmem:v50+s28+$0x0], $0xffff  }
0x4a2: {  	v24 =	vsub.f32 v24, v27;
	v51 =	vsub.f32 v29, v33;
	v54 =	vld.idx.msk [tilespmem:v30+s28+$0x0], $0xffff  }
0x4a3: {  	v28 =	vcvt.s32.f32 v28;
	v34 =	vld.idx.msk [tilespmem:v34+s28+$0x0], $0xffff  }
0x4a4: {  	v36 =	vld.idx.msk [tilespmem:v31+s28+$0x0], $0xffff;
	v24 =	vmul.f32 v24, v51  }
0x4a5: {  	v55 =	vsub.f32 v25, v28;
	v52 =	vld.idx.msk [tilespmem:v35+s28+$0x0], $0xffff  }
0x4a6: {  	v30 =	vcvt.s32.f32 v30;
	v24 =	vadd.f32 v24, v33;
	v57 =	vsub.f32 v32, v53  }
0x4a7: {  	v56 =	vcvt.s32.f32 v31  }
0x4a8: {  	v26 =	vsub.f32 v26, v30;
	[tilespmem:s14+$0xB0] =	vst v24;
	v59 =	vsub.f32 v34, v54;
	v24 =	vmul.f32 v55, v57  }
0x4a9: {  	v23 =	vsub.f32 v23, v56;
	v58 =	vld [tilespmem:s5+$0xC0]  }
0x4aa: {  	v60 =	vsub.f32 v52, v36;
	v26 =	vmul.f32 v26, v59;
	v24 =	vadd.f32 v24, v53;
	_ =	sdelay $0x1  }
0x4ab: {  	v23 =	vmul.f32 v23, v60;
	v61 =	vadd.f32 v26, v54;
	[tilespmem:s14+$0xFFFFFF30] =	vst v24  }
0x4ac: {  	v24 =	vld [tilespmem:s5+$0xFFFFFF40]  }
0x4ad: {  	v21 =	vld.idx.msk [tilespmem:v21+s28+$0x0], $0xffff;
	v23 =	vadd.f32 v23, v36;
	v62 =	vmul.f32 $3.187499810e+01, v58;
	[tilespmem:s14+$0xFFFFFFB0] =	vst v61  }
0x4ae: {  	v36 =	vld [tilespmem:s5+$0xFFFFFFC0]  }
0x4af: {  	v17 =	vld.idx.msk [tilespmem:v17+s28+$0x0], $0xffff;
	[tilespmem:s14+$0x30] =	vst v23;
	v63 =	vadd.f32 $1.275000000e+02, v62  }
0x4b0: {  	v22 =	vsub.f32 v22, v15;
	v37 =	vld [tilespmem:s5+$0x40]  }
0x4b1: {  	v38 =	vmax.f32 v63, $0.0e+00;
	v24 =	vmul.f32 $3.187499810e+01, v24  }
0x4b2: {  	v19 =	vmul.f32 v19, v22;
	v27 =	vmin.f32 v38, $2.539999850e+02  }
0x4b3: {  	v27 =	vtrunc.f32 v27;
	v23 =	vmul.f32 $3.187499810e+01, v36;
	v24 =	vadd.f32 $1.275000000e+02, v24  }
0x4b4: {  	v51 =	vadd.f32 v19, v15;
	v52 =	vsub.f32 v21, v17;
	v27 =	vcvt.f32.s32 v27  }
0x4b5: {  	v26 =	vmul.f32 $3.187499810e+01, v37;
	v23 =	vadd.f32 $1.275000000e+02, v23;
	v40 =	vmax.f32 v24, $0.0e+00  }
0x4b6: {  	v4 =	vmul.f32 v4, v52;
	v39 =	vadd.s32 $0x1, v27;
	v29 =	vmin.f32 v40, $2.539999850e+02  }
0x4b7: {  	v16 =	vld.idx.msk [tilespmem:v16+s28+$0x0], $0xffff;
	v26 =	vadd.f32 $1.275000000e+02, v26;
	v41 =	vmax.f32 v23, $0.0e+00;
	v29 =	vtrunc.f32 v29  }
0x4b8: {  	v30 =	vmin.f32 v41, $2.539999850e+02;
	v29 =	vcvt.f32.s32 v29  }
0x4b9: {  	v11 =	vld.idx.msk [tilespmem:v11+s28+$0x0], $0xffff;
	[tilespmem:s30+$0xFFFFFF40] =	vst v51;
	v4 =	vadd.f32 v4, v17;
	v42 =	vmax.f32 v26, $0.0e+00;
	v30 =	vtrunc.f32 v30  }
0x4ba: {  	v57 =	vld [tilespmem:s0+$0xFFFFFF50];
	v31 =	vmin.f32 v42, $2.539999850e+02;
	v30 =	vcvt.f32.s32 v30;
	v44 =	vadd.s32 $0x1, v29  }
0x4bb: {  	v43 =	vld.idx.msk [tilespmem:v27+s28+$0x0], $0xffff;
	v31 =	vtrunc.f32 v31  }
0x4bc: {  	v20 =	vsub.f32 v20, v16;
	[tilespmem:s30+$0x40] =	vst v4;
	v28 =	vld.idx.msk [tilespmem:v39+s28+$0x0], $0xffff;
	v31 =	vcvt.f32.s32 v31;
	v45 =	vadd.s32 $0x1, v30  }
0x4bd: {  	v32 =	vld [tilespmem:s0+$0x50]  }
0x4be: {  	v10 =	vmul.f32 v10, v20;
	v46 =	vadd.s32 $0x1, v31;
	v48 =	vld.idx.msk [tilespmem:v29+s28+$0x0], $0xffff  }
0x4bf: {  	v27 =	vcvt.s32.f32 v27;
	v49 =	vld.idx.msk [tilespmem:v44+s28+$0x0], $0xffff  }
0x4c0: {  	v10 =	vadd.f32 v10, v16;
	v55 =	vld.idx.msk [tilespmem:v30+s28+$0x0], $0xffff  }
0x4c1: {  	v0 =	vmul.f32 v0, v5;
	v25 =	vsub.f32 v63, v27;
	v47 =	vsub.f32 v28, v43;
	v50 =	vld.idx.msk [tilespmem:v45+s28+$0x0], $0xffff  }
0x4c2: {  	v3 =	vsub.f32 v3, v18;
	v58 =	vcvt.s32.f32 v29;
	v56 =	vld.idx.msk [tilespmem:v31+s28+$0x0], $0xffff  }
0x4c3: {  	v0 =	vadd.f32 v0, v1;
	[tilespmem:s30+$0xFFFFFFC0] =	vst v10;
	v25 =	vmul.f32 v25, v47;
	v53 =	vld.idx.msk [tilespmem:v46+s28+$0x0], $0xffff  }
0x4c4: {  	v61 =	vld [tilespmem:s0+$0xFFFFFFD0];
	v60 =	vcvt.s32.f32 v30;
	v19 =	vsub.f32 v24, v58;
	v22 =	vsub.f32 v49, v48  }
0x4c5: {  	v11 =	vsub.f32 v11, v2;
	v62 =	vcvt.s32.f32 v31;
	v54 =	vadd.f32 v25, v43  }
0x4c6: {  	v30 =	vsub.f32 v23, v60;
	v31 =	vsub.f32 v50, v55;
	v19 =	vmul.f32 v19, v22  }
0x4c7: {  	v16 =	vmul.f32 $3.187499810e+01, v57;
	v38 =	vmul.f32 $3.187499810e+01, v32;
	v24 =	vsub.f32 v26, v62;
	[tilespmem:s14+$0xC0] =	vst v54  }
0x4c8: {  	v59 =	vld [tilespmem:s5+$0xD0];
	v20 =	vsub.f32 v53, v56;
	v4 =	vmul.f32 v30, v31;
	v33 =	vadd.f32 v19, v48  }
0x4c9: {  	v3 =	vmul.f32 v3, v11;
	v16 =	vadd.f32 $1.275000000e+02, v16;
	v35 =	vmul.f32 $3.187499810e+01, v61  }
0x4ca: {  	v17 =	vadd.f32 $1.275000000e+02, v38;
	v34 =	vmul.f32 v24, v20;
	v4 =	vadd.f32 v4, v55;
	[tilespmem:s14+$0xFFFFFF40] =	vst v33  }
0x4cb: {  	v36 =	vcvt.s32.f32 v8;
	v37 =	vmax.f32 v16, $0.0e+00;
	v63 =	vcvt.s32.f32 v9;
	v39 =	vld [tilespmem:s5+$0xFFFFFF50]  }
0x4cc: {  	v45 =	vmax.f32 v17, $0.0e+00;
	v20 =	vadd.f32 $1.275000000e+02, v35;
	v15 =	vadd.f32 v34, v56;
	[tilespmem:s14+$0xFFFFFFC0] =	vst v4  }
0x4cd: {  	v40 =	vmin.f32 v37, $2.539999850e+02;
	v24 =	vmin.f32 v45, $2.539999850e+02;
	v10 =	vmul.f32 $3.187499810e+01, v59;
	v42 =	vld [tilespmem:s5+$0xFFFFFFD0]  }
0x4ce: {  	v7 =	vsub.f32 v7, v63;
	v24 =	vtrunc.f32 v24;
	v43 =	vmax.f32 v20, $0.0e+00;
	[tilespmem:s14+$0x40] =	vst v15  }
0x4cf: {  	v24 =	vcvt.f32.s32 v24;
	v4 =	vtrunc.f32 v40;
	v10 =	vadd.f32 $1.275000000e+02, v10;
	v44 =	vld [tilespmem:s5+$0x50]  }
0x4d0: {  	v19 =	vmin.f32 v43, $2.539999850e+02;
	v4 =	vcvt.f32.s32 v4;
	v22 =	vmul.f32 $3.187499810e+01, v39  }
0x4d1: {  	v12 =	vld.idx.msk [tilespmem:v12+s28+$0x0], $0xffff;
	v19 =	vtrunc.f32 v19;
	v53 =	vadd.s32 $0x1, v24;
	v41 =	vmax.f32 v10, $0.0e+00  }
0x4d2: {  	v13 =	vld.idx.msk [tilespmem:v13+s28+$0x0], $0xffff;
	v5 =	vmin.f32 v41, $2.539999850e+02;
	v15 =	vmul.f32 $3.187499810e+01, v42;
	v22 =	vadd.f32 $1.275000000e+02, v22  }
0x4d3: {  	v47 =	vld.idx.msk [tilespmem:v9+s28+$0x0], $0xffff;
	v19 =	vcvt.f32.s32 v19;
	v48 =	vadd.s32 $0x1, v4;
	v5 =	vtrunc.f32 v5  }
0x4d4: {  	v49 =	vld.idx.msk [tilespmem:v8+s28+$0x0], $0xffff;
	v23 =	vmul.f32 $3.187499810e+01, v44;
	v15 =	vadd.f32 $1.275000000e+02, v15;
	v51 =	vmax.f32 v22, $0.0e+00  }
0x4d5: {  	v50 =	vadd.s32 $0x1, v19;
	v63 =	vld.idx.msk [tilespmem:v24+s28+$0x0], $0xffff;
	v5 =	vcvt.f32.s32 v5;
	v28 =	vmin.f32 v51, $2.539999850e+02  }
0x4d6: {  	v31 =	vld.idx.msk [tilespmem:v53+s28+$0x0], $0xffff;
	v23 =	vadd.f32 $1.275000000e+02, v23;
	v54 =	vmax.f32 v15, $0.0e+00;
	v28 =	vtrunc.f32 v28  }
0x4d7: {  	v52 =	vld.idx.msk [tilespmem:v4+s28+$0x0], $0xffff;
	v46 =	vadd.s32 $0x1, v5;
	v32 =	vmin.f32 v54, $2.539999850e+02;
	v28 =	vcvt.f32.s32 v28  }
0x4d8: {  	v12 =	vsub.f32 v12, v47;
	v57 =	vld.idx.msk [tilespmem:v48+s28+$0x0], $0xffff;
	v56 =	vmax.f32 v23, $0.0e+00;
	v32 =	vtrunc.f32 v32  }
0x4d9: {  	v61 =	vld.idx.msk [tilespmem:v19+s28+$0x0], $0xffff;
	v34 =	vmin.f32 v56, $2.539999850e+02;
	v32 =	vcvt.f32.s32 v32;
	v59 =	vadd.s32 $0x1, v28  }
0x4da: {  	v6 =	vsub.f32 v6, v36;
	v38 =	vsub.f32 v13, v49;
	v27 =	vld.idx.msk [tilespmem:v50+s28+$0x0], $0xffff;
	v58 =	vtrunc.f32 v34  }
0x4db: {  	v7 =	vmul.f32 v7, v12;
	v55 =	vld.idx.msk [tilespmem:v5+s28+$0x0], $0xffff;
	v26 =	vcvt.f32.s32 v58;
	v60 =	vadd.s32 $0x1, v32  }
0x4dc: {  	v37 =	vadd.f32 v3, v2;
	v3 =	vmul.f32 v6, v38;
	v42 =	vcvt.s32.f32 v24;
	v25 =	vld.idx.msk [tilespmem:v46+s28+$0x0], $0xffff  }
0x4dd: {  	v7 =	vadd.f32 v7, v47;
	v4 =	vcvt.s32.f32 v4;
	v62 =	vadd.s32 $0x1, v26;
	v36 =	vld.idx.msk [tilespmem:v28+s28+$0x0], $0xffff  }
0x4de: {  	v49 =	vadd.f32 v3, v49;
	v19 =	vcvt.s32.f32 v19;
	v47 =	vsub.f32 v17, v42;
	v39 =	vld.idx.msk [tilespmem:v59+s28+$0x0], $0xffff  }
0x4df: {  	v4 =	vsub.f32 v16, v4;
	v5 =	vcvt.s32.f32 v5;
	v43 =	vsub.f32 v57, v52;
	v46 =	vld.idx.msk [tilespmem:v32+s28+$0x0], $0xffff  }
0x4e0: {  	v40 =	vsub.f32 v20, v19;
	v51 =	vcvt.s32.f32 v28;
	v44 =	vsub.f32 v27, v61;
	v41 =	vld.idx.msk [tilespmem:v60+s28+$0x0], $0xffff  }
0x4e1: {  	v5 =	vsub.f32 v10, v5;
	v4 =	vmul.f32 v4, v43;
	v35 =	vsub.f32 v25, v55;
	v48 =	vld.idx.msk [tilespmem:v26+s28+$0x0], $0xffff  }
0x4e2: {  	[tilespmem:s30+$0xD0] =	vst v14;
	v50 =	vsub.f32 v31, v63;
	v53 =	vcvt.s32.f32 v32;
	v11 =	vmul.f32 v40, v44;
	v45 =	vld.idx.msk [tilespmem:v62+s28+$0x0], $0xffff  }
0x4e3: {  	[tilespmem:s29+$0x50] =	vst v0;
	v54 =	vsub.f32 v22, v51;
	v52 =	vadd.f32 v4, v52;
	v5 =	vmul.f32 v5, v35  }
0x4e4: {  	[tilespmem:s1+$0xFFFFFF50] =	vst v37;
	v3 =	vmul.f32 v47, v50;
	v4 =	vsub.f32 v15, v53;
	v1 =	vadd.f32 v11, v61  }
0x4e5: {  	[tilespmem:s1+$0xFFFFFFD0] =	vst v7;
	v5 =	vadd.f32 v5, v55;
	v55 =	vcvt.s32.f32 v26;
	v56 =	vsub.f32 v39, v36  }
0x4e6: {  	[tilespmem:s1+$0x50] =	vst v49;
	v60 =	vadd.f32 v3, v63;
	v57 =	vsub.f32 v41, v46  }
0x4e7: {  	[tilespmem:s30+$0xFFFFFF50] =	vst v52;
	v58 =	vsub.f32 v23, v55;
	v7 =	vmul.f32 v54, v56;
	v59 =	vsub.f32 v45, v48  }
0x4e8: {  	[tilespmem:s30+$0xFFFFFFD0] =	vst v1;
	v61 =	vmul.f32 v4, v57  }
0x4e9: {  	s31 =	smul.u32 $0xE000, s26;
	s1 =	simm.s32 $0x7000;
	[tilespmem:s30+$0x50] =	vst v60;
	v62 =	vadd.f32 v7, v36;
	v0 =	vmul.f32 v58, v59  }
.Ltmp4:
0x4ea: {  	s1 =	simm.s32 @!p0 $0x0;
	[tilespmem:s14+$0xD0] =	vst v5;
	v63 =	vadd.f32 v61, v46;
	(pc) =	sbr.rel @p2 .LBB2_8-.Ltmp4, $4  }
0x4eb: {  	s0 =	sadd.s32 s1, s31;
	[tilespmem:s14+$0xFFFFFF50] =	vst v62;
	v0 =	vadd.f32 v0, v48  }
0x4ec: {  	s0 =	sshrl.u32 s0, $0x3;
	[tilespmem:s14+$0xFFFFFFD0] =	vst v63  }
0x4ed: {  	s0 =	sadd.s32 s0, s10;
	[tilespmem:s14+$0x50] =	vst v0  }
0x4ee: {  	[hbm4b:s0+s12] =	stream.strided.scatter [tilespmem:s20], [sflag:$0x5], $0x3800, s13, s12, $0x38;
	[tilespmem:$0x1A000] =	vst v63  }
0x4ef: {  	s0 =	sadd.s32 $0x3, s25  }
0x4f0: {  	s1 =	sshrl.u32 s0, $0x2;
	s0 =	sshll.u32 s0, $0x1E  }
0x4f1: {  	s1 =	smul.u32 $0xE000, s1;
	s0 =	sshra.s32 s0, $0x1F  }
.Ltmp5:
0x4f2: {  	s0 =	sand.u32 $0x7000, s0;
	(pc) =	sbr.rel .LBB2_2-.Ltmp5, $4  }
0x4f3: {  	s0 =	sadd.s32 s1, s0  }
0x4f4: {  	s0 =	sshrl.u32 s0, $0x3  }
0x4f5: {  	s24 =	sadd.s32 $0x1, s24;
	s0 =	sadd.s32 s0, s8  }
0x4f6: {  	[tilespmem:s15], [sflag:$0x3] =	stream.strided.gather [hbm4b:s0+s12], $0x3800, s13, s12, $0x38;
	[tilespmem:$0x1A000] =	vst v63  }
.LBB2_9:
0x4f7: {  	_ =	sfence.sel $0x180000  }
0x4f8: {  	[bflag:$0x0] =	sbarrier.arrive $0xFFFF  }
0x4f9: {  	_ =	strace $0x90000047  }
0x4fa: {  	s0 =	stileid.u32;
	[bflag:$0x2] =	sbarrier.arrive $0xFFFF  }
0x4fb: {  	p0 =	sne.s32 s0, $0x0;
	s0 =	rddreg [dreg:$0x3]  }
0x4fc: {  	s0 =	sadd.s32 @!p0 $0x100000, s0  }
0x4fd: {  	[sflag:s0] =	ssyncadd.tile.s32 @!p0 $0x1;
	_ =	shalt  }
.Lfunc_end2:
_tile_overlayer_lowered:
.L_overlay_start_2:
0x4fe: {  	(tag) =	ssettag $0x2  }
0x4ff: {  	s0 =	rddreg [dreg:$0x0];
	s2 =	stileid.u32  }
0x500: {  	s1 =	rddreg [dreg:$0x1];
	p0 =	sne.s32 s2, $0x0  }
0x501: {  	s3 =	rddreg [dreg:$0x2];
	[bflag:$0x3] =	sbarrier.arrive $0xFFFF;
	s2 =	simm.s32 @!p0 $0x1C06  }
0x502: {  	[timem:s3], [sflag:s2] =	dma.local @!p0 [hbm:s0], s1  }
0x503: {  	s0 =	simm.s32 @!p0 $0x6  }
0x504: {  	_ =	swait.ge @!p0 [sflag:s0], s1  }
0x505: {  	s1 =	ssub.s32 @!p0 $0x0, s1;
	[sflag:s0] =	ssyncset.done @!p0 $0x0  }
0x506: {  	[sflag:s0] =	ssyncadd.s32 @!p0 s1  }
0x507: {  	[bflag:$0x3] =	sbarrier.arrive $0xFFFF  }
0x508: {  	_ =	shalt  }

</sc_bundles>
